<compile_context>
chip_gen: v7x
topology: tpu7x:2x2x1
jax: 0.10.2.dev20260603
libtpu: 0.0.44.dev20260713+nightly
codegen_flags: <defaults>
</compile_context>

<pallas_src>
import jax
import jax.numpy as jnp
from jax import lax
from jax.experimental import pallas as pl
from jax.experimental.pallas import tpu as pltpu
from jax.experimental.pallas import tpu_sc as plsc

N = 10000
E = 320000
D = 128
DH = D // 2

NC = 2
NS = 16
CPT = E // NS
CHUNK = 80
NCHUNK = CPT // CHUNK
HCHUNK = NCHUNK // 2
NP = 10240
RPT = NP // NS
ZR = 128


NB = 5


def _sc_body(xv_hbm, eidx_hbm, out_s, out_c,
             sidx_all, didx_all, rows, ones16, zrows, z16,
             isem, gsem, ssem, csem, zsem, acc, cnt):
    c = lax.axis_index("c")
    s = lax.axis_index("s")
    jbase = s * NCHUNK
    rbase = s * RPT

    zero16 = jnp.zeros((16,), jnp.float32)
    one16 = jnp.ones((16,), jnp.float32)

    idx_in = pltpu.async_copy(
        eidx_hbm.at[pl.ds(jbase, NCHUNK)], sidx_all, isem)
    idx_in2 = pltpu.async_copy(
        eidx_hbm.at[pl.ds(E // CHUNK + jbase, NCHUNK)], didx_all, isem)

    def fill_z(i, carry):
        for k in range(DH // 16):
            zrows[i, pl.ds(k * 16, 16)] = zero16
        z16[i, :] = zero16
        return carry

    lax.fori_loop(0, ZR, fill_z, 0)

    def fill_one(i, carry):
        ones16[i, :] = one16
        return carry

    lax.fori_loop(0, CHUNK, fill_one, 0)

    def zcopy(k, carry):
        r0 = rbase + k * ZR
        pltpu.async_copy(zrows, acc.at[pl.ds(r0, ZR)], zsem)
        pltpu.async_copy(z16, cnt.at[pl.ds(r0, ZR)], zsem)
        return carry

    lax.fori_loop(0, RPT // ZR, zcopy, 0)
    idx_in.wait()
    idx_in2.wait()

    cvec = jnp.full((16,), c, jnp.int32)

    def xform(r, carry):
        for g in range(CHUNK // 16):
            v = sidx_all[r, pl.ds(g * 16, 16)]
            sidx_all[r, pl.ds(g * 16, 16)] = v + v + cvec
        return carry

    lax.fori_loop(0, NCHUNK, xform, 0)

    def zdrain(k, carry):
        r0 = rbase + k * ZR
        pltpu.make_async_copy(zrows, acc.at[pl.ds(r0, ZR)], zsem).wait()
        pltpu.make_async_copy(z16, cnt.at[pl.ds(r0, ZR)], zsem).wait()
        return carry

    lax.fori_loop(0, RPT // ZR, zdrain, 0)
    plsc.subcore_barrier()

    def start_g(j, b):
        pltpu.async_copy(xv_hbm.at[sidx_all.at[j]], rows.at[b], gsem.at[b])

    def wait_g(j, b):
        pltpu.make_async_copy(
            xv_hbm.at[sidx_all.at[j]], rows.at[b], gsem.at[b]).wait()

    def start_s(j, b):
        pltpu.async_copy(rows.at[b], acc.at[didx_all.at[j]], ssem.at[b],
                         add=True)

        @pl.when((j < HCHUNK) == (c == 0))
        def _():
            pltpu.async_copy(ones16, cnt.at[didx_all.at[j]], csem, add=True)

    def wait_s(j, b):
        pltpu.make_async_copy(
            rows.at[b], acc.at[didx_all.at[j]], ssem.at[b]).wait()

    for b in range(NB):
        start_g(b, b)

    def edge(k, carry):
        j = NB * k
        for b in range(NB):
            wait_g(j + b, b)
            start_s(j + b, b)
        for b in range(NB):
            wait_s(j + b, b)
            start_g(j + NB + b, b)
        return carry

    lax.fori_loop(0, NCHUNK // NB - 1, edge, 0)
    jlast = NCHUNK - NB
    for b in range(NB):
        wait_g(jlast + b, b)
        start_s(jlast + b, b)
    for b in range(NB):
        wait_s(jlast + b, b)

    def drain(k, carry):
        j = k + c * HCHUNK
        pltpu.make_async_copy(ones16, cnt.at[didx_all.at[j]], csem).wait()
        return carry

    lax.fori_loop(0, HCHUNK, drain, 0)

    plsc.subcore_barrier()

    OC = RPT // CHUNK

    def oc_in(k, b):
        pltpu.async_copy(acc.at[pl.ds(rbase + k * CHUNK, CHUNK)],
                         rows.at[b], gsem.at[b])

    def oc_wait(k, b):
        pltpu.make_async_copy(acc.at[pl.ds(rbase + k * CHUNK, CHUNK)],
                              rows.at[b], gsem.at[b]).wait()

    for b in range(NB):
        oc_in(b, b)
    for k in range(OC):
        b = k % NB
        oc_wait(k, b)
        pltpu.sync_copy(rows.at[b],
                        out_s.at[pl.ds(rbase + k * CHUNK, CHUNK),
                                 pl.ds(c * DH, DH)])
        if k + NB < OC:
            oc_in(k + NB, b)

    for k in range(RPT // ZR):
        r0 = rbase + k * ZR
        pltpu.sync_copy(cnt.at[pl.ds(r0, ZR)], z16)
        pltpu.sync_copy(z16, out_c.at[c, pl.ds(r0, ZR)])


_sc_segment_sum = pl.kernel(
    _sc_body,
    out_type=(
        jax.ShapeDtypeStruct((NP, D), jnp.float32),
        jax.ShapeDtypeStruct((NC, NP, 16), jnp.float32),
    ),
    mesh=plsc.VectorSubcoreMesh(
        core_axis_name="c", subcore_axis_name="s",
        num_cores=NC, num_subcores=NS),
    compiler_params=pltpu.CompilerParams(use_tc_tiling_on_sc=False),
    scratch_types=[
        pltpu.VMEM((NCHUNK, CHUNK), jnp.int32),
        pltpu.VMEM((NCHUNK, CHUNK), jnp.int32),
        pltpu.VMEM((NB, CHUNK, DH), jnp.float32),
        pltpu.VMEM((CHUNK, 16), jnp.float32),
        pltpu.VMEM((ZR, DH), jnp.float32),
        pltpu.VMEM((ZR, 16), jnp.float32),
        pltpu.SemaphoreType.DMA,
        pltpu.SemaphoreType.DMA((NB,)),
        pltpu.SemaphoreType.DMA((NB,)),
        pltpu.SemaphoreType.DMA,
        pltpu.SemaphoreType.DMA,
        pltpu.VMEM_SHARED((NP, DH), jnp.float32),
        pltpu.VMEM_SHARED((NP, 16), jnp.float32),
    ],
)


R = 1024
RB = R // 8


def _tc_body(s_ref, c0_ref, c1_ref, x_ref, wl_ref, wr_ref, b_ref, o_ref):
    ssum = s_ref[...]
    c8 = c0_ref[...] + c1_ref[...]
    rep = jnp.repeat(c8, 8, axis=0)
    p_row = lax.broadcasted_iota(jnp.int32, (R, D), 0)
    q_col = lax.broadcasted_iota(jnp.int32, (R, D), 1)
    sel = (q_col // 16) == (p_row % 8)
    cnt = jnp.sum(jnp.where(sel, rep, 0.0), axis=-1,
                  keepdims=True) * (1.0 / 16.0)
    mean = ssum / jnp.clip(cnt, 1.0, None)
    dn = (((1,), (1,)), ((), ()))
    out = (lax.dot_general(mean, wl_ref[...], dn,
                           preferred_element_type=jnp.float32)
           + lax.dot_general(x_ref[...], wr_ref[...], dn,
                             preferred_element_type=jnp.float32)
           + b_ref[...])
    nrm = jnp.sqrt(jnp.sum(out * out, axis=-1, keepdims=True))
    o_ref[...] = out / jnp.maximum(nrm, 1e-12)


_CB = NP // 8 // RB


def _tc_combine(ps, pcv, x, W_l, W_r, b2):
    return pl.pallas_call(
        _tc_body,
        grid=(N // R + 1,),
        in_specs=[
            pl.BlockSpec((R, D), lambda i: (i, 0)),
            pl.BlockSpec((RB, D), lambda i: (i, 0)),
            pl.BlockSpec((RB, D), lambda i: (i + _CB, 0)),
            pl.BlockSpec((R, D), lambda i: (i, 0)),
            pl.BlockSpec((D, D), lambda i: (0, 0)),
            pl.BlockSpec((D, D), lambda i: (0, 0)),
            pl.BlockSpec((1, D), lambda i: (0, 0)),
        ],
        out_specs=pl.BlockSpec((R, D), lambda i: (i, 0)),
        out_shape=jax.ShapeDtypeStruct((N, D), jnp.float32),
    )(ps, pcv, pcv, x, W_l, W_r, b2)


@jax.jit
def kernel(x, edge_index, W_l, W_r, b_l):
    e2 = edge_index.reshape(2 * (E // CHUNK), CHUNK)
    xv = x.reshape(2 * N, DH)
    ps, pc = _sc_segment_sum(xv, e2)
    pcv = pc.reshape(NC * NP // 8, D)
    return _tc_combine(ps, pcv, x, W_l, W_r, b_l.reshape(1, D))

# --- scband reference (transcript-rebuilt; emitter-appended) ---
"""Pipeline reference for scband-baseline-sagelayer-3229815407098 (READ-ONLY COPY).

The authoritative reference and input builder live on the scoring server;
editing this copy changes nothing except your own understanding.
"""

import jax, jax.numpy as jnp
import numpy as np

N_NODES = 10000
N_EDGES = 320000
D_IN = 128
D_OUT = 128


def setup_inputs(seed: int = 0) -> dict:
    key = jax.random.key(seed)
    k1, k2, k3, k4, k5 = jax.random.split(key, 5)
    x = jax.random.normal(k1, (N_NODES, D_IN), dtype=jnp.float32)
    edge_index = jax.random.randint(k2, (2, N_EDGES), 0, N_NODES, dtype=jnp.int32)
    # PyG SAGEConv params: lin_l applied to aggregated neighbors (with bias),
    # lin_r applied to root node features (no bias).
    W_l = jax.random.normal(k3, (D_OUT, D_IN), dtype=jnp.float32) * (1.0 / np.sqrt(D_IN))
    W_r = jax.random.normal(k4, (D_OUT, D_IN), dtype=jnp.float32) * (1.0 / np.sqrt(D_IN))
    b_l = jax.random.normal(k5, (D_OUT,), dtype=jnp.float32) * 0.01
    return {"x": x, "edge_index": edge_index, "W_l": W_l, "W_r": W_r, "b_l": b_l}


def reference(x, edge_index, W_l, W_r, b_l):
    # GraphSAGE (mean aggregation), matching PyG SAGEConv semantics:
    #   aggr = mean_{j in N(i)} x_j  (messages flow src -> dst)
    #   out  = lin_l(aggr) + lin_r(x)
    #   out  = l2_normalize(out)  (normalize=True)
    src = edge_index[0]
    dst = edge_index[1]
    msgs = jnp.take(x, src, axis=0)                       # gather [E, D_IN]
    summed = jax.ops.segment_sum(msgs, dst, num_segments=N_NODES)
    counts = jax.ops.segment_sum(jnp.ones((msgs.shape[0],), dtype=x.dtype), dst,
                                 num_segments=N_NODES)
    mean_aggr = summed / jnp.clip(counts, 1.0, None)[:, None]
    out = mean_aggr @ W_l.T + b_l + x @ W_r.T
    # F.normalize(out, p=2, dim=-1) with eps=1e-12
    norm = jnp.linalg.norm(out, axis=-1, keepdims=True)
    out = out / jnp.clip(norm, 1e-12, None)
    return out

if __name__ == "__main__":
    import jax
    _d = setup_inputs()
    print(jax.jit(kernel)(*tuple(_d.values())))

</pallas_src>

<mosaic_0001>
#map = affine_map<(d0, d1) -> (0, 0)>
#map1 = affine_map<(d0, d1) -> (0, 0, 0)>
module attributes {stable_mosaic.version = 14 : i64} {
  func.func @_sc_body(%arg0: i32, %arg1: i32, %arg2: memref<20000x64xf32, #tpu.memory_space<hbm>>, %arg3: memref<8000x80xi32, #tpu.memory_space<hbm>>, %arg4: memref<10240x128xf32, #tpu.memory_space<hbm>>, %arg5: memref<2x10240x16xf32, #tpu.memory_space<hbm>>, %arg6: memref<250x80xi32, #tpu.memory_space<vmem>>, %arg7: memref<250x80xi32, #tpu.memory_space<vmem>>, %arg8: memref<5x80x64xf32, #tpu.memory_space<vmem>>, %arg9: memref<80x16xf32, #tpu.memory_space<vmem>>, %arg10: memref<128x64xf32, #tpu.memory_space<vmem>>, %arg11: memref<128x16xf32, #tpu.memory_space<vmem>>, %arg12: memref<!tpu.dma_semaphore, #tpu.memory_space<semaphore_mem>>, %arg13: memref<5x!tpu.dma_semaphore, #tpu.memory_space<semaphore_mem>>, %arg14: memref<5x!tpu.dma_semaphore, #tpu.memory_space<semaphore_mem>>, %arg15: memref<!tpu.dma_semaphore, #tpu.memory_space<semaphore_mem>>, %arg16: memref<!tpu.dma_semaphore, #tpu.memory_space<semaphore_mem>>, %arg17: memref<10240x64xf32, #tpu.memory_space<vmem_shared>>, %arg18: memref<10240x16xf32, #tpu.memory_space<vmem_shared>>) attributes {dimension_semantics = [#tpu.dimension_semantics<core_parallel>, #tpu.dimension_semantics<subcore_parallel>], iteration_bounds = array<i64: 2, 16>, scalar_prefetch = 0 : i64, scratch_operands = 13 : i64, tpu.core_type = #tpu.core_type<sc_vector_subcore>, window_params = [{transform_indices = #map}, {transform_indices = #map}, {transform_indices = #map}, {transform_indices = #map1}]} {
    %mul3A = arith.constant 250 : i32
    %mul3A_0 = arith.muli %arg1, %mul3A : i32
    %mul3A_1 = arith.constant 640 : i32
    %mul3A_2 = arith.muli %arg1, %mul3A_1 : i32
    %broadcast_in_dim3A = arith.constant 0.000000e+00 : f32
    %broadcast_in_dim3A_3 = vector.broadcast %broadcast_in_dim3A : f32 to vector<16xf32>
    %broadcast_in_dim3A_4 = arith.constant 1.000000e+00 : f32
    %broadcast_in_dim3A_5 = vector.broadcast %broadcast_in_dim3A_4 : f32 to vector<16xf32>
    %dma_start3A = arith.constant 0 : i32
    %dma_start3A_6 = tpu.memref_slice %arg3[%mul3A_0, %dma_start3A] : memref<8000x80xi32, #tpu.memory_space<hbm>> -> memref<250x80xi32, #tpu.memory_space<hbm>>
    %dma_start3A_7 = arith.constant 0 : i32
    %dma_start3A_8 = tpu.memref_slice %arg3[%mul3A_0, %dma_start3A_7] : memref<8000x80xi32, #tpu.memory_space<hbm>> -> memref<250x80xi32, #tpu.memory_space<hbm>>
    tpu.enqueue_dma source(%dma_start3A_8 : memref<250x80xi32, #tpu.memory_space<hbm>>) target(%arg6 : memref<250x80xi32, #tpu.memory_space<vmem>>) target_semaphore(%arg12 : memref<!tpu.dma_semaphore, #tpu.memory_space<semaphore_mem>>)
    %add3A = arith.constant 4000 : i32
    %add3A_9 = arith.addi %add3A, %mul3A_0 : i32
    %dma_start3A_10 = arith.constant 0 : i32
    %dma_start3A_11 = tpu.memref_slice %arg3[%add3A_9, %dma_start3A_10] : memref<8000x80xi32, #tpu.memory_space<hbm>> -> memref<250x80xi32, #tpu.memory_space<hbm>>
    %dma_start3A_12 = arith.constant 0 : i32
    %dma_start3A_13 = tpu.memref_slice %arg3[%add3A_9, %dma_start3A_12] : memref<8000x80xi32, #tpu.memory_space<hbm>> -> memref<250x80xi32, #tpu.memory_space<hbm>>
    tpu.enqueue_dma source(%dma_start3A_13 : memref<250x80xi32, #tpu.memory_space<hbm>>) target(%arg7 : memref<250x80xi32, #tpu.memory_space<vmem>>) target_semaphore(%arg12 : memref<!tpu.dma_semaphore, #tpu.memory_space<semaphore_mem>>)
    %scan3A = arith.constant 0 : i32
    %scan3A_14 = arith.constant 0 : i32
    %scan3A_15 = arith.constant 128 : i32
    %scan3A_16 = arith.addi %scan3A_14, %scan3A_15 : i32
    %scan3A_17 = arith.constant 1 : i32
    scf.for %scan3A_743 = %scan3A_14 to %scan3A_16 step %scan3A_17  : i32 {
      %swap3A = arith.index_cast %scan3A_743 : i32 to index
      %swap3A_744 = arith.constant 0 : index
      %swap3A_745 = tpu.vector_load %arg10[%swap3A, %swap3A_744] {strides = array<i32>} : memref<128x64xf32, #tpu.memory_space<vmem>>, vector<1x16xf32>,
      %swap3A_746 = vector.shape_cast %swap3A_745 : vector<1x16xf32> to vector<16xf32>
      %swap3A_747 = vector.shape_cast %broadcast_in_dim3A_3 : vector<16xf32> to vector<1x16xf32>
      tpu.vector_store %arg10[%swap3A, %swap3A_744], %swap3A_747 {strides = array<i32>} : memref<128x64xf32, #tpu.memory_space<vmem>>, vector<1x16xf32>,
      %swap3A_748 = arith.index_cast %scan3A_743 : i32 to index
      %swap3A_749 = arith.constant 16 : index
      %swap3A_750 = tpu.vector_load %arg10[%swap3A_748, %swap3A_749] {strides = array<i32>} : memref<128x64xf32, #tpu.memory_space<vmem>>, vector<1x16xf32>,
      %swap3A_751 = vector.shape_cast %swap3A_750 : vector<1x16xf32> to vector<16xf32>
      %swap3A_752 = vector.shape_cast %broadcast_in_dim3A_3 : vector<16xf32> to vector<1x16xf32>
      tpu.vector_store %arg10[%swap3A_748, %swap3A_749], %swap3A_752 {strides = array<i32>} : memref<128x64xf32, #tpu.memory_space<vmem>>, vector<1x16xf32>,
      %swap3A_753 = arith.index_cast %scan3A_743 : i32 to index
      %swap3A_754 = arith.constant 32 : index
      %swap3A_755 = tpu.vector_load %arg10[%swap3A_753, %swap3A_754] {strides = array<i32>} : memref<128x64xf32, #tpu.memory_space<vmem>>, vector<1x16xf32>,
      %swap3A_756 = vector.shape_cast %swap3A_755 : vector<1x16xf32> to vector<16xf32>
      %swap3A_757 = vector.shape_cast %broadcast_in_dim3A_3 : vector<16xf32> to vector<1x16xf32>
      tpu.vector_store %arg10[%swap3A_753, %swap3A_754], %swap3A_757 {strides = array<i32>} : memref<128x64xf32, #tpu.memory_space<vmem>>, vector<1x16xf32>,
      %swap3A_758 = arith.index_cast %scan3A_743 : i32 to index
      %swap3A_759 = arith.constant 48 : index
      %swap3A_760 = tpu.vector_load %arg10[%swap3A_758, %swap3A_759] {strides = array<i32>} : memref<128x64xf32, #tpu.memory_space<vmem>>, vector<1x16xf32>,
      %swap3A_761 = vector.shape_cast %swap3A_760 : vector<1x16xf32> to vector<16xf32>
      %swap3A_762 = vector.shape_cast %broadcast_in_dim3A_3 : vector<16xf32> to vector<1x16xf32>
      tpu.vector_store %arg10[%swap3A_758, %swap3A_759], %swap3A_762 {strides = array<i32>} : memref<128x64xf32, #tpu.memory_space<vmem>>, vector<1x16xf32>,
      %swap3A_763 = arith.index_cast %scan3A_743 : i32 to index
      %swap3A_764 = arith.constant 0 : index
      %swap3A_765 = tpu.vector_load %arg11[%swap3A_763, %swap3A_764] {strides = array<i32>} : memref<128x16xf32, #tpu.memory_space<vmem>>, vector<1x16xf32>,
      %swap3A_766 = vector.shape_cast %swap3A_765 : vector<1x16xf32> to vector<16xf32>
      %swap3A_767 = vector.shape_cast %broadcast_in_dim3A_3 : vector<16xf32> to vector<1x16xf32>
      tpu.vector_store %arg11[%swap3A_763, %swap3A_764], %swap3A_767 {strides = array<i32>} : memref<128x16xf32, #tpu.memory_space<vmem>>, vector<1x16xf32>,
    }
    %scan3A_18 = arith.constant 128 : i32
    %scan3A_19 = arith.constant 0 : i32
    %scan3A_20 = arith.constant 0 : i32
    %scan3A_21 = arith.constant 80 : i32
    %scan3A_22 = arith.addi %scan3A_20, %scan3A_21 : i32
    %scan3A_23 = arith.constant 1 : i32
    scf.for %scan3A_743 = %scan3A_20 to %scan3A_22 step %scan3A_23  : i32 {
      %swap3A = arith.index_cast %scan3A_743 : i32 to index
      %swap3A_744 = arith.constant 0 : index
      %swap3A_745 = tpu.vector_load %arg9[%swap3A, %swap3A_744] {strides = array<i32>} : memref<80x16xf32, #tpu.memory_space<vmem>>, vector<1x16xf32>,
      %swap3A_746 = vector.shape_cast %swap3A_745 : vector<1x16xf32> to vector<16xf32>
      %swap3A_747 = vector.shape_cast %broadcast_in_dim3A_5 : vector<16xf32> to vector<1x16xf32>
      tpu.vector_store %arg9[%swap3A, %swap3A_744], %swap3A_747 {strides = array<i32>} : memref<80x16xf32, #tpu.memory_space<vmem>>, vector<1x16xf32>,
    }
    %scan3A_24 = arith.constant 80 : i32
    %scan3A_25 = arith.constant 0 : i32
    %scan3A_26 = arith.constant 0 : i32
    %scan3A_27 = arith.constant 5 : i32
    %scan3A_28 = arith.addi %scan3A_26, %scan3A_27 : i32
    %scan3A_29 = arith.constant 1 : i32
    scf.for %scan3A_743 = %scan3A_26 to %scan3A_28 step %scan3A_29  : i32 {
      %mul3A_744 = arith.constant 128 : i32
      %mul3A_745 = arith.muli %scan3A_743, %mul3A_744 : i32
      %add3A_746 = arith.addi %mul3A_2, %mul3A_745 : i32
      %dma_start3A_747 = arith.constant 0 : i32
      %dma_start3A_748 = tpu.memref_slice %arg17[%add3A_746, %dma_start3A_747] : memref<10240x64xf32, #tpu.memory_space<vmem_shared>> -> memref<128x64xf32, #tpu.memory_space<vmem_shared>>
      %dma_start3A_749 = arith.constant 0 : i32
      %dma_start3A_750 = tpu.memref_slice %arg17[%add3A_746, %dma_start3A_749] : memref<10240x64xf32, #tpu.memory_space<vmem_shared>> -> memref<128x64xf32, #tpu.memory_space<vmem_shared>>
      tpu.enqueue_dma source(%arg10 : memref<128x64xf32, #tpu.memory_space<vmem>>) target(%dma_start3A_750 : memref<128x64xf32, #tpu.memory_space<vmem_shared>>) target_semaphore(%arg16 : memref<!tpu.dma_semaphore, #tpu.memory_space<semaphore_mem>>)
      %dma_start3A_751 = arith.constant 0 : i32
      %dma_start3A_752 = tpu.memref_slice %arg18[%add3A_746, %dma_start3A_751] : memref<10240x16xf32, #tpu.memory_space<vmem_shared>> -> memref<128x16xf32, #tpu.memory_space<vmem_shared>>
      %dma_start3A_753 = arith.constant 0 : i32
      %dma_start3A_754 = tpu.memref_slice %arg18[%add3A_746, %dma_start3A_753] : memref<10240x16xf32, #tpu.memory_space<vmem_shared>> -> memref<128x16xf32, #tpu.memory_space<vmem_shared>>
      tpu.enqueue_dma source(%arg11 : memref<128x16xf32, #tpu.memory_space<vmem>>) target(%dma_start3A_754 : memref<128x16xf32, #tpu.memory_space<vmem_shared>>) target_semaphore(%arg16 : memref<!tpu.dma_semaphore, #tpu.memory_space<semaphore_mem>>)
    }
    %scan3A_30 = arith.constant 5 : i32
    %dma_wait3A = arith.constant 0 : i32
    %dma_wait3A_31 = tpu.memref_slice %arg3[%mul3A_0, %dma_wait3A] : memref<8000x80xi32, #tpu.memory_space<hbm>> -> memref<250x80xi32, #tpu.memory_space<hbm>>
    %dma_wait3A_32 = arith.constant 0 : i32
    %dma_wait3A_33 = tpu.memref_slice %arg3[%mul3A_0, %dma_wait3A_32] : memref<8000x80xi32, #tpu.memory_space<hbm>> -> memref<250x80xi32, #tpu.memory_space<hbm>>
    tpu.wait_dma2 semaphore(%arg12 : memref<!tpu.dma_semaphore, #tpu.memory_space<semaphore_mem>>) src(%dma_wait3A_33 : memref<250x80xi32, #tpu.memory_space<hbm>>) dst(%arg6 : memref<250x80xi32, #tpu.memory_space<vmem>>)
    %dma_wait3A_34 = arith.constant 0 : i32
    %dma_wait3A_35 = tpu.memref_slice %arg3[%add3A_9, %dma_wait3A_34] : memref<8000x80xi32, #tpu.memory_space<hbm>> -> memref<250x80xi32, #tpu.memory_space<hbm>>
    %dma_wait3A_36 = arith.constant 0 : i32
    %dma_wait3A_37 = tpu.memref_slice %arg3[%add3A_9, %dma_wait3A_36] : memref<8000x80xi32, #tpu.memory_space<hbm>> -> memref<250x80xi32, #tpu.memory_space<hbm>>
    tpu.wait_dma2 semaphore(%arg12 : memref<!tpu.dma_semaphore, #tpu.memory_space<semaphore_mem>>) src(%dma_wait3A_37 : memref<250x80xi32, #tpu.memory_space<hbm>>) dst(%arg7 : memref<250x80xi32, #tpu.memory_space<vmem>>)
    %broadcast_in_dim3A_38 = vector.broadcast %arg0 : i32 to vector<16xi32>
    %scan3A_39 = arith.constant 0 : i32
    %scan3A_40 = arith.constant 0 : i32
    %scan3A_41 = arith.constant 250 : i32
    %scan3A_42 = arith.addi %scan3A_40, %scan3A_41 : i32
    %scan3A_43 = arith.constant 1 : i32
    scf.for %scan3A_743 = %scan3A_40 to %scan3A_42 step %scan3A_43  : i32 {
      %get3A = arith.index_cast %scan3A_743 : i32 to index
      %get3A_744 = arith.constant 0 : index
      %get3A_745 = tpu.vector_load %arg6[%get3A, %get3A_744] {strides = array<i32>} : memref<250x80xi32, #tpu.memory_space<vmem>>, vector<1x16xi32>,
      %get3A_746 = vector.shape_cast %get3A_745 : vector<1x16xi32> to vector<16xi32>
      %add3A_747 = arith.addi %get3A_746, %get3A_746 : vector<16xi32>
      %add3A_748 = arith.addi %add3A_747, %broadcast_in_dim3A_38 : vector<16xi32>
      %swap3A = arith.index_cast %scan3A_743 : i32 to index
      %swap3A_749 = arith.constant 0 : index
      %swap3A_750 = tpu.vector_load %arg6[%swap3A, %swap3A_749] {strides = array<i32>} : memref<250x80xi32, #tpu.memory_space<vmem>>, vector<1x16xi32>,
      %swap3A_751 = vector.shape_cast %swap3A_750 : vector<1x16xi32> to vector<16xi32>
      %swap3A_752 = vector.shape_cast %add3A_748 : vector<16xi32> to vector<1x16xi32>
      tpu.vector_store %arg6[%swap3A, %swap3A_749], %swap3A_752 {strides = array<i32>} : memref<250x80xi32, #tpu.memory_space<vmem>>, vector<1x16xi32>,
      %get3A_753 = arith.index_cast %scan3A_743 : i32 to index
      %get3A_754 = arith.constant 16 : index
      %get3A_755 = tpu.vector_load %arg6[%get3A_753, %get3A_754] {strides = array<i32>} : memref<250x80xi32, #tpu.memory_space<vmem>>, vector<1x16xi32>,
      %get3A_756 = vector.shape_cast %get3A_755 : vector<1x16xi32> to vector<16xi32>
      %add3A_757 = arith.addi %get3A_756, %get3A_756 : vector<16xi32>
      %add3A_758 = arith.addi %add3A_757, %broadcast_in_dim3A_38 : vector<16xi32>
      %swap3A_759 = arith.index_cast %scan3A_743 : i32 to index
      %swap3A_760 = arith.constant 16 : index
      %swap3A_761 = tpu.vector_load %arg6[%swap3A_759, %swap3A_760] {strides = array<i32>} : memref<250x80xi32, #tpu.memory_space<vmem>>, vector<1x16xi32>,
      %swap3A_762 = vector.shape_cast %swap3A_761 : vector<1x16xi32> to vector<16xi32>
      %swap3A_763 = vector.shape_cast %add3A_758 : vector<16xi32> to vector<1x16xi32>
      tpu.vector_store %arg6[%swap3A_759, %swap3A_760], %swap3A_763 {strides = array<i32>} : memref<250x80xi32, #tpu.memory_space<vmem>>, vector<1x16xi32>,
      %get3A_764 = arith.index_cast %scan3A_743 : i32 to index
      %get3A_765 = arith.constant 32 : index
      %get3A_766 = tpu.vector_load %arg6[%get3A_764, %get3A_765] {strides = array<i32>} : memref<250x80xi32, #tpu.memory_space<vmem>>, vector<1x16xi32>,
      %get3A_767 = vector.shape_cast %get3A_766 : vector<1x16xi32> to vector<16xi32>
      %add3A_768 = arith.addi %get3A_767, %get3A_767 : vector<16xi32>
      %add3A_769 = arith.addi %add3A_768, %broadcast_in_dim3A_38 : vector<16xi32>
      %swap3A_770 = arith.index_cast %scan3A_743 : i32 to index
      %swap3A_771 = arith.constant 32 : index
      %swap3A_772 = tpu.vector_load %arg6[%swap3A_770, %swap3A_771] {strides = array<i32>} : memref<250x80xi32, #tpu.memory_space<vmem>>, vector<1x16xi32>,
      %swap3A_773 = vector.shape_cast %swap3A_772 : vector<1x16xi32> to vector<16xi32>
      %swap3A_774 = vector.shape_cast %add3A_769 : vector<16xi32> to vector<1x16xi32>
      tpu.vector_store %arg6[%swap3A_770, %swap3A_771], %swap3A_774 {strides = array<i32>} : memref<250x80xi32, #tpu.memory_space<vmem>>, vector<1x16xi32>,
      %get3A_775 = arith.index_cast %scan3A_743 : i32 to index
      %get3A_776 = arith.constant 48 : index
      %get3A_777 = tpu.vector_load %arg6[%get3A_775, %get3A_776] {strides = array<i32>} : memref<250x80xi32, #tpu.memory_space<vmem>>, vector<1x16xi32>,
      %get3A_778 = vector.shape_cast %get3A_777 : vector<1x16xi32> to vector<16xi32>
      %add3A_779 = arith.addi %get3A_778, %get3A_778 : vector<16xi32>
      %add3A_780 = arith.addi %add3A_779, %broadcast_in_dim3A_38 : vector<16xi32>
      %swap3A_781 = arith.index_cast %scan3A_743 : i32 to index
      %swap3A_782 = arith.constant 48 : index
      %swap3A_783 = tpu.vector_load %arg6[%swap3A_781, %swap3A_782] {strides = array<i32>} : memref<250x80xi32, #tpu.memory_space<vmem>>, vector<1x16xi32>,
      %swap3A_784 = vector.shape_cast %swap3A_783 : vector<1x16xi32> to vector<16xi32>
      %swap3A_785 = vector.shape_cast %add3A_780 : vector<16xi32> to vector<1x16xi32>
      tpu.vector_store %arg6[%swap3A_781, %swap3A_782], %swap3A_785 {strides = array<i32>} : memref<250x80xi32, #tpu.memory_space<vmem>>, vector<1x16xi32>,
      %get3A_786 = arith.index_cast %scan3A_743 : i32 to index
      %get3A_787 = arith.constant 64 : index
      %get3A_788 = tpu.vector_load %arg6[%get3A_786, %get3A_787] {strides = array<i32>} : memref<250x80xi32, #tpu.memory_space<vmem>>, vector<1x16xi32>,
      %get3A_789 = vector.shape_cast %get3A_788 : vector<1x16xi32> to vector<16xi32>
      %add3A_790 = arith.addi %get3A_789, %get3A_789 : vector<16xi32>
      %add3A_791 = arith.addi %add3A_790, %broadcast_in_dim3A_38 : vector<16xi32>
      %swap3A_792 = arith.index_cast %scan3A_743 : i32 to index
      %swap3A_793 = arith.constant 64 : index
      %swap3A_794 = tpu.vector_load %arg6[%swap3A_792, %swap3A_793] {strides = array<i32>} : memref<250x80xi32, #tpu.memory_space<vmem>>, vector<1x16xi32>,
      %swap3A_795 = vector.shape_cast %swap3A_794 : vector<1x16xi32> to vector<16xi32>
      %swap3A_796 = vector.shape_cast %add3A_791 : vector<16xi32> to vector<1x16xi32>
      tpu.vector_store %arg6[%swap3A_792, %swap3A_793], %swap3A_796 {strides = array<i32>} : memref<250x80xi32, #tpu.memory_space<vmem>>, vector<1x16xi32>,
    }
    %scan3A_44 = arith.constant 250 : i32
    %scan3A_45 = arith.constant 0 : i32
    %scan3A_46 = arith.constant 0 : i32
    %scan3A_47 = arith.constant 5 : i32
    %scan3A_48 = arith.addi %scan3A_46, %scan3A_47 : i32
    %scan3A_49 = arith.constant 1 : i32
    scf.for %scan3A_743 = %scan3A_46 to %scan3A_48 step %scan3A_49  : i32 {
      %mul3A_744 = arith.constant 128 : i32
      %mul3A_745 = arith.muli %scan3A_743, %mul3A_744 : i32
      %add3A_746 = arith.addi %mul3A_2, %mul3A_745 : i32
      %dma_wait3A_747 = arith.constant 0 : i32
      %dma_wait3A_748 = tpu.memref_slice %arg17[%add3A_746, %dma_wait3A_747] : memref<10240x64xf32, #tpu.memory_space<vmem_shared>> -> memref<128x64xf32, #tpu.memory_space<vmem_shared>>
      %dma_wait3A_749 = arith.constant 0 : i32
      %dma_wait3A_750 = tpu.memref_slice %arg17[%add3A_746, %dma_wait3A_749] : memref<10240x64xf32, #tpu.memory_space<vmem_shared>> -> memref<128x64xf32, #tpu.memory_space<vmem_shared>>
      tpu.wait_dma2 semaphore(%arg16 : memref<!tpu.dma_semaphore, #tpu.memory_space<semaphore_mem>>) src(%arg10 : memref<128x64xf32, #tpu.memory_space<vmem>>) dst(%dma_wait3A_750 : memref<128x64xf32, #tpu.memory_space<vmem_shared>>)
      %dma_wait3A_751 = arith.constant 0 : i32
      %dma_wait3A_752 = tpu.memref_slice %arg18[%add3A_746, %dma_wait3A_751] : memref<10240x16xf32, #tpu.memory_space<vmem_shared>> -> memref<128x16xf32, #tpu.memory_space<vmem_shared>>
      %dma_wait3A_753 = arith.constant 0 : i32
      %dma_wait3A_754 = tpu.memref_slice %arg18[%add3A_746, %dma_wait3A_753] : memref<10240x16xf32, #tpu.memory_space<vmem_shared>> -> memref<128x16xf32, #tpu.memory_space<vmem_shared>>
      tpu.wait_dma2 semaphore(%arg16 : memref<!tpu.dma_semaphore, #tpu.memory_space<semaphore_mem>>) src(%arg11 : memref<128x16xf32, #tpu.memory_space<vmem>>) dst(%dma_wait3A_754 : memref<128x16xf32, #tpu.memory_space<vmem_shared>>)
    }
    %scan3A_50 = arith.constant 5 : i32
    %barrier3A = arith.constant 0 : index
    tpu.barrier barrier_id(%barrier3A)
    %dma_start3A_51 = arith.constant 0 : i32
    %dma_start3A_52 = arith.constant 0 : i32
    %dma_start3A_53 = arith.constant 0 : i32
    %dma_start3A_54 = arith.constant 0 : i32
    %dma_start3A_55 = arith.constant 0 : i32
    %dma_start3A_56 = tpu.memref_slice %arg8[%dma_start3A_52, %dma_start3A_54, %dma_start3A_55] : memref<5x80x64xf32, #tpu.memory_space<vmem>> -> memref<1x80x64xf32, #tpu.memory_space<vmem>>
    %dma_start3A_57 = tpu.memref_squeeze %dma_start3A_56 : memref<1x80x64xf32, #tpu.memory_space<vmem>> -> memref<80x64xf32, #tpu.memory_space<vmem>>
    %dma_start3A_58 = arith.constant 0 : i32
    %dma_start3A_59 = tpu.memref_slice %arg6[%dma_start3A_51, %dma_start3A_58] : memref<250x80xi32, #tpu.memory_space<vmem>> -> memref<1x80xi32, #tpu.memory_space<vmem>>
    %dma_start3A_60 = tpu.memref_squeeze %dma_start3A_59 : memref<1x80xi32, #tpu.memory_space<vmem>> -> memref<80xi32, #tpu.memory_space<vmem>>
    %dma_start3A_61 = arith.constant 0 : i32
    %dma_start3A_62 = arith.constant 0 : i32
    %dma_start3A_63 = tpu.memref_slice %arg2[%dma_start3A_61, %dma_start3A_62] : memref<20000x64xf32, #tpu.memory_space<hbm>> -> memref<20000x64xf32, #tpu.memory_space<hbm>>
    %dma_start3A_64 = tpu.memref_slice %arg13[%dma_start3A_53] : memref<5x!tpu.dma_semaphore, #tpu.memory_space<semaphore_mem>> -> memref<1x!tpu.dma_semaphore, #tpu.memory_space<semaphore_mem>>
    %dma_start3A_65 = tpu.memref_squeeze %dma_start3A_64 : memref<1x!tpu.dma_semaphore, #tpu.memory_space<semaphore_mem>> -> memref<!tpu.dma_semaphore, #tpu.memory_space<semaphore_mem>>
    tpu.enqueue_indirect_dma source(%dma_start3A_63 : memref<20000x64xf32, #tpu.memory_space<hbm>>) target(%dma_start3A_57 : memref<80x64xf32, #tpu.memory_space<vmem>>) offsets(%dma_start3A_60 : memref<80xi32, #tpu.memory_space<vmem>>) semaphore(%dma_start3A_65 : memref<!tpu.dma_semaphore, #tpu.memory_space<semaphore_mem>>)
    %dma_start3A_66 = arith.constant 1 : i32
    %dma_start3A_67 = arith.constant 1 : i32
    %dma_start3A_68 = arith.constant 1 : i32
    %dma_start3A_69 = arith.constant 0 : i32
    %dma_start3A_70 = arith.constant 0 : i32
    %dma_start3A_71 = tpu.memref_slice %arg8[%dma_start3A_67, %dma_start3A_69, %dma_start3A_70] : memref<5x80x64xf32, #tpu.memory_space<vmem>> -> memref<1x80x64xf32, #tpu.memory_space<vmem>>
    %dma_start3A_72 = tpu.memref_squeeze %dma_start3A_71 : memref<1x80x64xf32, #tpu.memory_space<vmem>> -> memref<80x64xf32, #tpu.memory_space<vmem>>
    %dma_start3A_73 = arith.constant 0 : i32
    %dma_start3A_74 = tpu.memref_slice %arg6[%dma_start3A_66, %dma_start3A_73] : memref<250x80xi32, #tpu.memory_space<vmem>> -> memref<1x80xi32, #tpu.memory_space<vmem>>
    %dma_start3A_75 = tpu.memref_squeeze %dma_start3A_74 : memref<1x80xi32, #tpu.memory_space<vmem>> -> memref<80xi32, #tpu.memory_space<vmem>>
    %dma_start3A_76 = arith.constant 0 : i32
    %dma_start3A_77 = arith.constant 0 : i32
    %dma_start3A_78 = tpu.memref_slice %arg2[%dma_start3A_76, %dma_start3A_77] : memref<20000x64xf32, #tpu.memory_space<hbm>> -> memref<20000x64xf32, #tpu.memory_space<hbm>>
    %dma_start3A_79 = tpu.memref_slice %arg13[%dma_start3A_68] : memref<5x!tpu.dma_semaphore, #tpu.memory_space<semaphore_mem>> -> memref<1x!tpu.dma_semaphore, #tpu.memory_space<semaphore_mem>>
    %dma_start3A_80 = tpu.memref_squeeze %dma_start3A_79 : memref<1x!tpu.dma_semaphore, #tpu.memory_space<semaphore_mem>> -> memref<!tpu.dma_semaphore, #tpu.memory_space<semaphore_mem>>
    tpu.enqueue_indirect_dma source(%dma_start3A_78 : memref<20000x64xf32, #tpu.memory_space<hbm>>) target(%dma_start3A_72 : memref<80x64xf32, #tpu.memory_space<vmem>>) offsets(%dma_start3A_75 : memref<80xi32, #tpu.memory_space<vmem>>) semaphore(%dma_start3A_80 : memref<!tpu.dma_semaphore, #tpu.memory_space<semaphore_mem>>)
    %dma_start3A_81 = arith.constant 2 : i32
    %dma_start3A_82 = arith.constant 2 : i32
    %dma_start3A_83 = arith.constant 2 : i32
    %dma_start3A_84 = arith.constant 0 : i32
    %dma_start3A_85 = arith.constant 0 : i32
    %dma_start3A_86 = tpu.memref_slice %arg8[%dma_start3A_82, %dma_start3A_84, %dma_start3A_85] : memref<5x80x64xf32, #tpu.memory_space<vmem>> -> memref<1x80x64xf32, #tpu.memory_space<vmem>>
    %dma_start3A_87 = tpu.memref_squeeze %dma_start3A_86 : memref<1x80x64xf32, #tpu.memory_space<vmem>> -> memref<80x64xf32, #tpu.memory_space<vmem>>
    %dma_start3A_88 = arith.constant 0 : i32
    %dma_start3A_89 = tpu.memref_slice %arg6[%dma_start3A_81, %dma_start3A_88] : memref<250x80xi32, #tpu.memory_space<vmem>> -> memref<1x80xi32, #tpu.memory_space<vmem>>
    %dma_start3A_90 = tpu.memref_squeeze %dma_start3A_89 : memref<1x80xi32, #tpu.memory_space<vmem>> -> memref<80xi32, #tpu.memory_space<vmem>>
    %dma_start3A_91 = arith.constant 0 : i32
    %dma_start3A_92 = arith.constant 0 : i32
    %dma_start3A_93 = tpu.memref_slice %arg2[%dma_start3A_91, %dma_start3A_92] : memref<20000x64xf32, #tpu.memory_space<hbm>> -> memref<20000x64xf32, #tpu.memory_space<hbm>>
    %dma_start3A_94 = tpu.memref_slice %arg13[%dma_start3A_83] : memref<5x!tpu.dma_semaphore, #tpu.memory_space<semaphore_mem>> -> memref<1x!tpu.dma_semaphore, #tpu.memory_space<semaphore_mem>>
    %dma_start3A_95 = tpu.memref_squeeze %dma_start3A_94 : memref<1x!tpu.dma_semaphore, #tpu.memory_space<semaphore_mem>> -> memref<!tpu.dma_semaphore, #tpu.memory_space<semaphore_mem>>
    tpu.enqueue_indirect_dma source(%dma_start3A_93 : memref<20000x64xf32, #tpu.memory_space<hbm>>) target(%dma_start3A_87 : memref<80x64xf32, #tpu.memory_space<vmem>>) offsets(%dma_start3A_90 : memref<80xi32, #tpu.memory_space<vmem>>) semaphore(%dma_start3A_95 : memref<!tpu.dma_semaphore, #tpu.memory_space<semaphore_mem>>)
    %dma_start3A_96 = arith.constant 3 : i32
    %dma_start3A_97 = arith.constant 3 : i32
    %dma_start3A_98 = arith.constant 3 : i32
    %dma_start3A_99 = arith.constant 0 : i32
    %dma_start3A_100 = arith.constant 0 : i32
    %dma_start3A_101 = tpu.memref_slice %arg8[%dma_start3A_97, %dma_start3A_99, %dma_start3A_100] : memref<5x80x64xf32, #tpu.memory_space<vmem>> -> memref<1x80x64xf32, #tpu.memory_space<vmem>>
    %dma_start3A_102 = tpu.memref_squeeze %dma_start3A_101 : memref<1x80x64xf32, #tpu.memory_space<vmem>> -> memref<80x64xf32, #tpu.memory_space<vmem>>
    %dma_start3A_103 = arith.constant 0 : i32
    %dma_start3A_104 = tpu.memref_slice %arg6[%dma_start3A_96, %dma_start3A_103] : memref<250x80xi32, #tpu.memory_space<vmem>> -> memref<1x80xi32, #tpu.memory_space<vmem>>
    %dma_start3A_105 = tpu.memref_squeeze %dma_start3A_104 : memref<1x80xi32, #tpu.memory_space<vmem>> -> memref<80xi32, #tpu.memory_space<vmem>>
    %dma_start3A_106 = arith.constant 0 : i32
    %dma_start3A_107 = arith.constant 0 : i32
    %dma_start3A_108 = tpu.memref_slice %arg2[%dma_start3A_106, %dma_start3A_107] : memref<20000x64xf32, #tpu.memory_space<hbm>> -> memref<20000x64xf32, #tpu.memory_space<hbm>>
    %dma_start3A_109 = tpu.memref_slice %arg13[%dma_start3A_98] : memref<5x!tpu.dma_semaphore, #tpu.memory_space<semaphore_mem>> -> memref<1x!tpu.dma_semaphore, #tpu.memory_space<semaphore_mem>>
    %dma_start3A_110 = tpu.memref_squeeze %dma_start3A_109 : memref<1x!tpu.dma_semaphore, #tpu.memory_space<semaphore_mem>> -> memref<!tpu.dma_semaphore, #tpu.memory_space<semaphore_mem>>
    tpu.enqueue_indirect_dma source(%dma_start3A_108 : memref<20000x64xf32, #tpu.memory_space<hbm>>) target(%dma_start3A_102 : memref<80x64xf32, #tpu.memory_space<vmem>>) offsets(%dma_start3A_105 : memref<80xi32, #tpu.memory_space<vmem>>) semaphore(%dma_start3A_110 : memref<!tpu.dma_semaphore, #tpu.memory_space<semaphore_mem>>)
    %dma_start3A_111 = arith.constant 4 : i32
    %dma_start3A_112 = arith.constant 4 : i32
    %dma_start3A_113 = arith.constant 4 : i32
    %dma_start3A_114 = arith.constant 0 : i32
    %dma_start3A_115 = arith.constant 0 : i32
    %dma_start3A_116 = tpu.memref_slice %arg8[%dma_start3A_112, %dma_start3A_114, %dma_start3A_115] : memref<5x80x64xf32, #tpu.memory_space<vmem>> -> memref<1x80x64xf32, #tpu.memory_space<vmem>>
    %dma_start3A_117 = tpu.memref_squeeze %dma_start3A_116 : memref<1x80x64xf32, #tpu.memory_space<vmem>> -> memref<80x64xf32, #tpu.memory_space<vmem>>
    %dma_start3A_118 = arith.constant 0 : i32
    %dma_start3A_119 = tpu.memref_slice %arg6[%dma_start3A_111, %dma_start3A_118] : memref<250x80xi32, #tpu.memory_space<vmem>> -> memref<1x80xi32, #tpu.memory_space<vmem>>
    %dma_start3A_120 = tpu.memref_squeeze %dma_start3A_119 : memref<1x80xi32, #tpu.memory_space<vmem>> -> memref<80xi32, #tpu.memory_space<vmem>>
    %dma_start3A_121 = arith.constant 0 : i32
    %dma_start3A_122 = arith.constant 0 : i32
    %dma_start3A_123 = tpu.memref_slice %arg2[%dma_start3A_121, %dma_start3A_122] : memref<20000x64xf32, #tpu.memory_space<hbm>> -> memref<20000x64xf32, #tpu.memory_space<hbm>>
    %dma_start3A_124 = tpu.memref_slice %arg13[%dma_start3A_113] : memref<5x!tpu.dma_semaphore, #tpu.memory_space<semaphore_mem>> -> memref<1x!tpu.dma_semaphore, #tpu.memory_space<semaphore_mem>>
    %dma_start3A_125 = tpu.memref_squeeze %dma_start3A_124 : memref<1x!tpu.dma_semaphore, #tpu.memory_space<semaphore_mem>> -> memref<!tpu.dma_semaphore, #tpu.memory_space<semaphore_mem>>
    tpu.enqueue_indirect_dma source(%dma_start3A_123 : memref<20000x64xf32, #tpu.memory_space<hbm>>) target(%dma_start3A_117 : memref<80x64xf32, #tpu.memory_space<vmem>>) offsets(%dma_start3A_120 : memref<80xi32, #tpu.memory_space<vmem>>) semaphore(%dma_start3A_125 : memref<!tpu.dma_semaphore, #tpu.memory_space<semaphore_mem>>)
    %scan3A_126 = arith.constant 0 : i32
    %scan3A_127 = arith.constant 0 : i32
    %scan3A_128 = arith.constant 49 : i32
    %scan3A_129 = arith.addi %scan3A_127, %scan3A_128 : i32
    %scan3A_130 = arith.constant 1 : i32
    scf.for %scan3A_743 = %scan3A_127 to %scan3A_129 step %scan3A_130  : i32 {
      %mul3A_744 = arith.constant 5 : i32
      %mul3A_745 = arith.muli %mul3A_744, %scan3A_743 : i32
      %add3A_746 = arith.constant 0 : i32
      %add3A_747 = arith.addi %mul3A_745, %add3A_746 : i32
      %dma_wait3A_748 = arith.constant 0 : i32
      %dma_wait3A_749 = arith.constant 0 : i32
      %dma_wait3A_750 = arith.constant 0 : i32
      %dma_wait3A_751 = arith.constant 0 : i32
      %dma_wait3A_752 = tpu.memref_slice %arg8[%dma_wait3A_748, %dma_wait3A_750, %dma_wait3A_751] : memref<5x80x64xf32, #tpu.memory_space<vmem>> -> memref<1x80x64xf32, #tpu.memory_space<vmem>>
      %dma_wait3A_753 = tpu.memref_squeeze %dma_wait3A_752 : memref<1x80x64xf32, #tpu.memory_space<vmem>> -> memref<80x64xf32, #tpu.memory_space<vmem>>
      %dma_wait3A_754 = arith.constant 0 : i32
      %dma_wait3A_755 = tpu.memref_slice %arg6[%add3A_747, %dma_wait3A_754] : memref<250x80xi32, #tpu.memory_space<vmem>> -> memref<1x80xi32, #tpu.memory_space<vmem>>
      %dma_wait3A_756 = tpu.memref_squeeze %dma_wait3A_755 : memref<1x80xi32, #tpu.memory_space<vmem>> -> memref<80xi32, #tpu.memory_space<vmem>>
      %dma_wait3A_757 = arith.constant 0 : i32
      %dma_wait3A_758 = arith.constant 0 : i32
      %dma_wait3A_759 = tpu.memref_slice %arg2[%dma_wait3A_757, %dma_wait3A_758] : memref<20000x64xf32, #tpu.memory_space<hbm>> -> memref<20000x64xf32, #tpu.memory_space<hbm>>
      %dma_wait3A_760 = tpu.memref_slice %arg13[%dma_wait3A_749] : memref<5x!tpu.dma_semaphore, #tpu.memory_space<semaphore_mem>> -> memref<1x!tpu.dma_semaphore, #tpu.memory_space<semaphore_mem>>
      %dma_wait3A_761 = tpu.memref_squeeze %dma_wait3A_760 : memref<1x!tpu.dma_semaphore, #tpu.memory_space<semaphore_mem>> -> memref<!tpu.dma_semaphore, #tpu.memory_space<semaphore_mem>>
      tpu.wait_indirect_dma semaphore(%dma_wait3A_761 : memref<!tpu.dma_semaphore, #tpu.memory_space<semaphore_mem>>) src(%dma_wait3A_759 : memref<20000x64xf32, #tpu.memory_space<hbm>>) dst(%dma_wait3A_753 : memref<80x64xf32, #tpu.memory_space<vmem>>)
      %add3A_762 = arith.constant 0 : i32
      %add3A_763 = arith.addi %mul3A_745, %add3A_762 : i32
      %dma_start3A_764 = arith.constant 0 : i32
      %dma_start3A_765 = arith.constant 0 : i32
      %dma_start3A_766 = arith.constant 0 : i32
      %dma_start3A_767 = arith.constant 0 : i32
      %dma_start3A_768 = tpu.memref_slice %arg8[%dma_start3A_764, %dma_start3A_766, %dma_start3A_767] : memref<5x80x64xf32, #tpu.memory_space<vmem>> -> memref<1x80x64xf32, #tpu.memory_space<vmem>>
      %dma_start3A_769 = tpu.memref_squeeze %dma_start3A_768 : memref<1x80x64xf32, #tpu.memory_space<vmem>> -> memref<80x64xf32, #tpu.memory_space<vmem>>
      %dma_start3A_770 = arith.constant 0 : i32
      %dma_start3A_771 = tpu.memref_slice %arg7[%add3A_763, %dma_start3A_770] : memref<250x80xi32, #tpu.memory_space<vmem>> -> memref<1x80xi32, #tpu.memory_space<vmem>>
      %dma_start3A_772 = tpu.memref_squeeze %dma_start3A_771 : memref<1x80xi32, #tpu.memory_space<vmem>> -> memref<80xi32, #tpu.memory_space<vmem>>
      %dma_start3A_773 = arith.constant 0 : i32
      %dma_start3A_774 = arith.constant 0 : i32
      %dma_start3A_775 = tpu.memref_slice %arg17[%dma_start3A_773, %dma_start3A_774] : memref<10240x64xf32, #tpu.memory_space<vmem_shared>> -> memref<10240x64xf32, #tpu.memory_space<vmem_shared>>
      %dma_start3A_776 = tpu.memref_slice %arg14[%dma_start3A_765] : memref<5x!tpu.dma_semaphore, #tpu.memory_space<semaphore_mem>> -> memref<1x!tpu.dma_semaphore, #tpu.memory_space<semaphore_mem>>
      %dma_start3A_777 = tpu.memref_squeeze %dma_start3A_776 : memref<1x!tpu.dma_semaphore, #tpu.memory_space<semaphore_mem>> -> memref<!tpu.dma_semaphore, #tpu.memory_space<semaphore_mem>>
      tpu.enqueue_indirect_dma source(%dma_start3A_769 : memref<80x64xf32, #tpu.memory_space<vmem>>) target(%dma_start3A_775 : memref<10240x64xf32, #tpu.memory_space<vmem_shared>>) offsets(%dma_start3A_772 : memref<80xi32, #tpu.memory_space<vmem>>) semaphore(%dma_start3A_777 : memref<!tpu.dma_semaphore, #tpu.memory_space<semaphore_mem>>) {add = true}
      %lt3A = arith.constant 125 : i32
      %lt3A_778 = arith.cmpi slt, %add3A_763, %lt3A : i32
      %eq3A_779 = arith.constant 0 : i32
      %eq3A_780 = arith.cmpi eq, %arg0, %eq3A_779 : i32
      %eq3A_781 = arith.xori %lt3A_778, %eq3A_780 : i1
      %eq3A_782 = arith.constant true
      %eq3A_783 = arith.xori %eq3A_781, %eq3A_782 : i1
      %convert_element_type3A_784 = arith.extui %eq3A_783 : i1 to i32
      %cond3A_785 = arith.constant 0 : i32
      %cond3A_786 = arith.cmpi ne, %convert_element_type3A_784, %cond3A_785 : i32
      scf.if %cond3A_786 {
        %dma_start3A_1125 = arith.constant 0 : i32
        %dma_start3A_1126 = tpu.memref_slice %arg7[%add3A_763, %dma_start3A_1125] : memref<250x80xi32, #tpu.memory_space<vmem>> -> memref<1x80xi32, #tpu.memory_space<vmem>>
        %dma_start3A_1127 = tpu.memref_squeeze %dma_start3A_1126 : memref<1x80xi32, #tpu.memory_space<vmem>> -> memref<80xi32, #tpu.memory_space<vmem>>
        %dma_start3A_1128 = arith.constant 0 : i32
        %dma_start3A_1129 = arith.constant 0 : i32
        %dma_start3A_1130 = tpu.memref_slice %arg18[%dma_start3A_1128, %dma_start3A_1129] : memref<10240x16xf32, #tpu.memory_space<vmem_shared>> -> memref<10240x16xf32, #tpu.memory_space<vmem_shared>>
        tpu.enqueue_indirect_dma source(%arg9 : memref<80x16xf32, #tpu.memory_space<vmem>>) target(%dma_start3A_1130 : memref<10240x16xf32, #tpu.memory_space<vmem_shared>>) offsets(%dma_start3A_1127 : memref<80xi32, #tpu.memory_space<vmem>>) semaphore(%arg15 : memref<!tpu.dma_semaphore, #tpu.memory_space<semaphore_mem>>) {add = true}
      } else {
      }
      %add3A_787 = arith.constant 1 : i32
      %add3A_788 = arith.addi %mul3A_745, %add3A_787 : i32
      %dma_wait3A_789 = arith.constant 1 : i32
      %dma_wait3A_790 = arith.constant 1 : i32
      %dma_wait3A_791 = arith.constant 0 : i32
      %dma_wait3A_792 = arith.constant 0 : i32
      %dma_wait3A_793 = tpu.memref_slice %arg8[%dma_wait3A_789, %dma_wait3A_791, %dma_wait3A_792] : memref<5x80x64xf32, #tpu.memory_space<vmem>> -> memref<1x80x64xf32, #tpu.memory_space<vmem>>
      %dma_wait3A_794 = tpu.memref_squeeze %dma_wait3A_793 : memref<1x80x64xf32, #tpu.memory_space<vmem>> -> memref<80x64xf32, #tpu.memory_space<vmem>>
      %dma_wait3A_795 = arith.constant 0 : i32
      %dma_wait3A_796 = tpu.memref_slice %arg6[%add3A_788, %dma_wait3A_795] : memref<250x80xi32, #tpu.memory_space<vmem>> -> memref<1x80xi32, #tpu.memory_space<vmem>>
      %dma_wait3A_797 = tpu.memref_squeeze %dma_wait3A_796 : memref<1x80xi32, #tpu.memory_space<vmem>> -> memref<80xi32, #tpu.memory_space<vmem>>
      %dma_wait3A_798 = arith.constant 0 : i32
      %dma_wait3A_799 = arith.constant 0 : i32
      %dma_wait3A_800 = tpu.memref_slice %arg2[%dma_wait3A_798, %dma_wait3A_799] : memref<20000x64xf32, #tpu.memory_space<hbm>> -> memref<20000x64xf32, #tpu.memory_space<hbm>>
      %dma_wait3A_801 = tpu.memref_slice %arg13[%dma_wait3A_790] : memref<5x!tpu.dma_semaphore, #tpu.memory_space<semaphore_mem>> -> memref<1x!tpu.dma_semaphore, #tpu.memory_space<semaphore_mem>>
      %dma_wait3A_802 = tpu.memref_squeeze %dma_wait3A_801 : memref<1x!tpu.dma_semaphore, #tpu.memory_space<semaphore_mem>> -> memref<!tpu.dma_semaphore, #tpu.memory_space<semaphore_mem>>
      tpu.wait_indirect_dma semaphore(%dma_wait3A_802 : memref<!tpu.dma_semaphore, #tpu.memory_space<semaphore_mem>>) src(%dma_wait3A_800 : memref<20000x64xf32, #tpu.memory_space<hbm>>) dst(%dma_wait3A_794 : memref<80x64xf32, #tpu.memory_space<vmem>>)
      %add3A_803 = arith.constant 1 : i32
      %add3A_804 = arith.addi %mul3A_745, %add3A_803 : i32
      %dma_start3A_805 = arith.constant 1 : i32
      %dma_start3A_806 = arith.constant 1 : i32
      %dma_start3A_807 = arith.constant 0 : i32
      %dma_start3A_808 = arith.constant 0 : i32
      %dma_start3A_809 = tpu.memref_slice %arg8[%dma_start3A_805, %dma_start3A_807, %dma_start3A_808] : memref<5x80x64xf32, #tpu.memory_space<vmem>> -> memref<1x80x64xf32, #tpu.memory_space<vmem>>
      %dma_start3A_810 = tpu.memref_squeeze %dma_start3A_809 : memref<1x80x64xf32, #tpu.memory_space<vmem>> -> memref<80x64xf32, #tpu.memory_space<vmem>>
      %dma_start3A_811 = arith.constant 0 : i32
      %dma_start3A_812 = tpu.memref_slice %arg7[%add3A_804, %dma_start3A_811] : memref<250x80xi32, #tpu.memory_space<vmem>> -> memref<1x80xi32, #tpu.memory_space<vmem>>
      %dma_start3A_813 = tpu.memref_squeeze %dma_start3A_812 : memref<1x80xi32, #tpu.memory_space<vmem>> -> memref<80xi32, #tpu.memory_space<vmem>>
      %dma_start3A_814 = arith.constant 0 : i32
      %dma_start3A_815 = arith.constant 0 : i32
      %dma_start3A_816 = tpu.memref_slice %arg17[%dma_start3A_814, %dma_start3A_815] : memref<10240x64xf32, #tpu.memory_space<vmem_shared>> -> memref<10240x64xf32, #tpu.memory_space<vmem_shared>>
      %dma_start3A_817 = tpu.memref_slice %arg14[%dma_start3A_806] : memref<5x!tpu.dma_semaphore, #tpu.memory_space<semaphore_mem>> -> memref<1x!tpu.dma_semaphore, #tpu.memory_space<semaphore_mem>>
      %dma_start3A_818 = tpu.memref_squeeze %dma_start3A_817 : memref<1x!tpu.dma_semaphore, #tpu.memory_space<semaphore_mem>> -> memref<!tpu.dma_semaphore, #tpu.memory_space<semaphore_mem>>
      tpu.enqueue_indirect_dma source(%dma_start3A_810 : memref<80x64xf32, #tpu.memory_space<vmem>>) target(%dma_start3A_816 : memref<10240x64xf32, #tpu.memory_space<vmem_shared>>) offsets(%dma_start3A_813 : memref<80xi32, #tpu.memory_space<vmem>>) semaphore(%dma_start3A_818 : memref<!tpu.dma_semaphore, #tpu.memory_space<semaphore_mem>>) {add = true}
      %lt3A_819 = arith.constant 125 : i32
      %lt3A_820 = arith.cmpi slt, %add3A_804, %lt3A_819 : i32
      %eq3A_821 = arith.constant 0 : i32
      %eq3A_822 = arith.cmpi eq, %arg0, %eq3A_821 : i32
      %eq3A_823 = arith.xori %lt3A_820, %eq3A_822 : i1
      %eq3A_824 = arith.constant true
      %eq3A_825 = arith.xori %eq3A_823, %eq3A_824 : i1
      %convert_element_type3A_826 = arith.extui %eq3A_825 : i1 to i32
      %cond3A_827 = arith.constant 0 : i32
      %cond3A_828 = arith.cmpi ne, %convert_element_type3A_826, %cond3A_827 : i32
      scf.if %cond3A_828 {
        %dma_start3A_1125 = arith.constant 0 : i32
        %dma_start3A_1126 = tpu.memref_slice %arg7[%add3A_804, %dma_start3A_1125] : memref<250x80xi32, #tpu.memory_space<vmem>> -> memref<1x80xi32, #tpu.memory_space<vmem>>
        %dma_start3A_1127 = tpu.memref_squeeze %dma_start3A_1126 : memref<1x80xi32, #tpu.memory_space<vmem>> -> memref<80xi32, #tpu.memory_space<vmem>>
        %dma_start3A_1128 = arith.constant 0 : i32
        %dma_start3A_1129 = arith.constant 0 : i32
        %dma_start3A_1130 = tpu.memref_slice %arg18[%dma_start3A_1128, %dma_start3A_1129] : memref<10240x16xf32, #tpu.memory_space<vmem_shared>> -> memref<10240x16xf32, #tpu.memory_space<vmem_shared>>
        tpu.enqueue_indirect_dma source(%arg9 : memref<80x16xf32, #tpu.memory_space<vmem>>) target(%dma_start3A_1130 : memref<10240x16xf32, #tpu.memory_space<vmem_shared>>) offsets(%dma_start3A_1127 : memref<80xi32, #tpu.memory_space<vmem>>) semaphore(%arg15 : memref<!tpu.dma_semaphore, #tpu.memory_space<semaphore_mem>>) {add = true}
      } else {
      }
      %add3A_829 = arith.constant 2 : i32
      %add3A_830 = arith.addi %mul3A_745, %add3A_829 : i32
      %dma_wait3A_831 = arith.constant 2 : i32
      %dma_wait3A_832 = arith.constant 2 : i32
      %dma_wait3A_833 = arith.constant 0 : i32
      %dma_wait3A_834 = arith.constant 0 : i32
      %dma_wait3A_835 = tpu.memref_slice %arg8[%dma_wait3A_831, %dma_wait3A_833, %dma_wait3A_834] : memref<5x80x64xf32, #tpu.memory_space<vmem>> -> memref<1x80x64xf32, #tpu.memory_space<vmem>>
      %dma_wait3A_836 = tpu.memref_squeeze %dma_wait3A_835 : memref<1x80x64xf32, #tpu.memory_space<vmem>> -> memref<80x64xf32, #tpu.memory_space<vmem>>
      %dma_wait3A_837 = arith.constant 0 : i32
      %dma_wait3A_838 = tpu.memref_slice %arg6[%add3A_830, %dma_wait3A_837] : memref<250x80xi32, #tpu.memory_space<vmem>> -> memref<1x80xi32, #tpu.memory_space<vmem>>
      %dma_wait3A_839 = tpu.memref_squeeze %dma_wait3A_838 : memref<1x80xi32, #tpu.memory_space<vmem>> -> memref<80xi32, #tpu.memory_space<vmem>>
      %dma_wait3A_840 = arith.constant 0 : i32
      %dma_wait3A_841 = arith.constant 0 : i32
      %dma_wait3A_842 = tpu.memref_slice %arg2[%dma_wait3A_840, %dma_wait3A_841] : memref<20000x64xf32, #tpu.memory_space<hbm>> -> memref<20000x64xf32, #tpu.memory_space<hbm>>
      %dma_wait3A_843 = tpu.memref_slice %arg13[%dma_wait3A_832] : memref<5x!tpu.dma_semaphore, #tpu.memory_space<semaphore_mem>> -> memref<1x!tpu.dma_semaphore, #tpu.memory_space<semaphore_mem>>
      %dma_wait3A_844 = tpu.memref_squeeze %dma_wait3A_843 : memref<1x!tpu.dma_semaphore, #tpu.memory_space<semaphore_mem>> -> memref<!tpu.dma_semaphore, #tpu.memory_space<semaphore_mem>>
      tpu.wait_indirect_dma semaphore(%dma_wait3A_844 : memref<!tpu.dma_semaphore, #tpu.memory_space<semaphore_mem>>) src(%dma_wait3A_842 : memref<20000x64xf32, #tpu.memory_space<hbm>>) dst(%dma_wait3A_836 : memref<80x64xf32, #tpu.memory_space<vmem>>)
      %add3A_845 = arith.constant 2 : i32
      %add3A_846 = arith.addi %mul3A_745, %add3A_845 : i32
      %dma_start3A_847 = arith.constant 2 : i32
      %dma_start3A_848 = arith.constant 2 : i32
      %dma_start3A_849 = arith.constant 0 : i32
      %dma_start3A_850 = arith.constant 0 : i32
      %dma_start3A_851 = tpu.memref_slice %arg8[%dma_start3A_847, %dma_start3A_849, %dma_start3A_850] : memref<5x80x64xf32, #tpu.memory_space<vmem>> -> memref<1x80x64xf32, #tpu.memory_space<vmem>>
      %dma_start3A_852 = tpu.memref_squeeze %dma_start3A_851 : memref<1x80x64xf32, #tpu.memory_space<vmem>> -> memref<80x64xf32, #tpu.memory_space<vmem>>
      %dma_start3A_853 = arith.constant 0 : i32
      %dma_start3A_854 = tpu.memref_slice %arg7[%add3A_846, %dma_start3A_853] : memref<250x80xi32, #tpu.memory_space<vmem>> -> memref<1x80xi32, #tpu.memory_space<vmem>>
      %dma_start3A_855 = tpu.memref_squeeze %dma_start3A_854 : memref<1x80xi32, #tpu.memory_space<vmem>> -> memref<80xi32, #tpu.memory_space<vmem>>
      %dma_start3A_856 = arith.constant 0 : i32
      %dma_start3A_857 = arith.constant 0 : i32
      %dma_start3A_858 = tpu.memref_slice %arg17[%dma_start3A_856, %dma_start3A_857] : memref<10240x64xf32, #tpu.memory_space<vmem_shared>> -> memref<10240x64xf32, #tpu.memory_space<vmem_shared>>
      %dma_start3A_859 = tpu.memref_slice %arg14[%dma_start3A_848] : memref<5x!tpu.dma_semaphore, #tpu.memory_space<semaphore_mem>> -> memref<1x!tpu.dma_semaphore, #tpu.memory_space<semaphore_mem>>
      %dma_start3A_860 = tpu.memref_squeeze %dma_start3A_859 : memref<1x!tpu.dma_semaphore, #tpu.memory_space<semaphore_mem>> -> memref<!tpu.dma_semaphore, #tpu.memory_space<semaphore_mem>>
      tpu.enqueue_indirect_dma source(%dma_start3A_852 : memref<80x64xf32, #tpu.memory_space<vmem>>) target(%dma_start3A_858 : memref<10240x64xf32, #tpu.memory_space<vmem_shared>>) offsets(%dma_start3A_855 : memref<80xi32, #tpu.memory_space<vmem>>) semaphore(%dma_start3A_860 : memref<!tpu.dma_semaphore, #tpu.memory_space<semaphore_mem>>) {add = true}
      %lt3A_861 = arith.constant 125 : i32
      %lt3A_862 = arith.cmpi slt, %add3A_846, %lt3A_861 : i32
      %eq3A_863 = arith.constant 0 : i32
      %eq3A_864 = arith.cmpi eq, %arg0, %eq3A_863 : i32
      %eq3A_865 = arith.xori %lt3A_862, %eq3A_864 : i1
      %eq3A_866 = arith.constant true
      %eq3A_867 = arith.xori %eq3A_865, %eq3A_866 : i1
      %convert_element_type3A_868 = arith.extui %eq3A_867 : i1 to i32
      %cond3A_869 = arith.constant 0 : i32
      %cond3A_870 = arith.cmpi ne, %convert_element_type3A_868, %cond3A_869 : i32
      scf.if %cond3A_870 {
        %dma_start3A_1125 = arith.constant 0 : i32
        %dma_start3A_1126 = tpu.memref_slice %arg7[%add3A_846, %dma_start3A_1125] : memref<250x80xi32, #tpu.memory_space<vmem>> -> memref<1x80xi32, #tpu.memory_space<vmem>>
        %dma_start3A_1127 = tpu.memref_squeeze %dma_start3A_1126 : memref<1x80xi32, #tpu.memory_space<vmem>> -> memref<80xi32, #tpu.memory_space<vmem>>
        %dma_start3A_1128 = arith.constant 0 : i32
        %dma_start3A_1129 = arith.constant 0 : i32
        %dma_start3A_1130 = tpu.memref_slice %arg18[%dma_start3A_1128, %dma_start3A_1129] : memref<10240x16xf32, #tpu.memory_space<vmem_shared>> -> memref<10240x16xf32, #tpu.memory_space<vmem_shared>>
        tpu.enqueue_indirect_dma source(%arg9 : memref<80x16xf32, #tpu.memory_space<vmem>>) target(%dma_start3A_1130 : memref<10240x16xf32, #tpu.memory_space<vmem_shared>>) offsets(%dma_start3A_1127 : memref<80xi32, #tpu.memory_space<vmem>>) semaphore(%arg15 : memref<!tpu.dma_semaphore, #tpu.memory_space<semaphore_mem>>) {add = true}
      } else {
      }
      %add3A_871 = arith.constant 3 : i32
      %add3A_872 = arith.addi %mul3A_745, %add3A_871 : i32
      %dma_wait3A_873 = arith.constant 3 : i32
      %dma_wait3A_874 = arith.constant 3 : i32
      %dma_wait3A_875 = arith.constant 0 : i32
      %dma_wait3A_876 = arith.constant 0 : i32
      %dma_wait3A_877 = tpu.memref_slice %arg8[%dma_wait3A_873, %dma_wait3A_875, %dma_wait3A_876] : memref<5x80x64xf32, #tpu.memory_space<vmem>> -> memref<1x80x64xf32, #tpu.memory_space<vmem>>
      %dma_wait3A_878 = tpu.memref_squeeze %dma_wait3A_877 : memref<1x80x64xf32, #tpu.memory_space<vmem>> -> memref<80x64xf32, #tpu.memory_space<vmem>>
      %dma_wait3A_879 = arith.constant 0 : i32
      %dma_wait3A_880 = tpu.memref_slice %arg6[%add3A_872, %dma_wait3A_879] : memref<250x80xi32, #tpu.memory_space<vmem>> -> memref<1x80xi32, #tpu.memory_space<vmem>>
      %dma_wait3A_881 = tpu.memref_squeeze %dma_wait3A_880 : memref<1x80xi32, #tpu.memory_space<vmem>> -> memref<80xi32, #tpu.memory_space<vmem>>
      %dma_wait3A_882 = arith.constant 0 : i32
      %dma_wait3A_883 = arith.constant 0 : i32
      %dma_wait3A_884 = tpu.memref_slice %arg2[%dma_wait3A_882, %dma_wait3A_883] : memref<20000x64xf32, #tpu.memory_space<hbm>> -> memref<20000x64xf32, #tpu.memory_space<hbm>>
      %dma_wait3A_885 = tpu.memref_slice %arg13[%dma_wait3A_874] : memref<5x!tpu.dma_semaphore, #tpu.memory_space<semaphore_mem>> -> memref<1x!tpu.dma_semaphore, #tpu.memory_space<semaphore_mem>>
      %dma_wait3A_886 = tpu.memref_squeeze %dma_wait3A_885 : memref<1x!tpu.dma_semaphore, #tpu.memory_space<semaphore_mem>> -> memref<!tpu.dma_semaphore, #tpu.memory_space<semaphore_mem>>
      tpu.wait_indirect_dma semaphore(%dma_wait3A_886 : memref<!tpu.dma_semaphore, #tpu.memory_space<semaphore_mem>>) src(%dma_wait3A_884 : memref<20000x64xf32, #tpu.memory_space<hbm>>) dst(%dma_wait3A_878 : memref<80x64xf32, #tpu.memory_space<vmem>>)
      %add3A_887 = arith.constant 3 : i32
      %add3A_888 = arith.addi %mul3A_745, %add3A_887 : i32
      %dma_start3A_889 = arith.constant 3 : i32
      %dma_start3A_890 = arith.constant 3 : i32
      %dma_start3A_891 = arith.constant 0 : i32
      %dma_start3A_892 = arith.constant 0 : i32
      %dma_start3A_893 = tpu.memref_slice %arg8[%dma_start3A_889, %dma_start3A_891, %dma_start3A_892] : memref<5x80x64xf32, #tpu.memory_space<vmem>> -> memref<1x80x64xf32, #tpu.memory_space<vmem>>
      %dma_start3A_894 = tpu.memref_squeeze %dma_start3A_893 : memref<1x80x64xf32, #tpu.memory_space<vmem>> -> memref<80x64xf32, #tpu.memory_space<vmem>>
      %dma_start3A_895 = arith.constant 0 : i32
      %dma_start3A_896 = tpu.memref_slice %arg7[%add3A_888, %dma_start3A_895] : memref<250x80xi32, #tpu.memory_space<vmem>> -> memref<1x80xi32, #tpu.memory_space<vmem>>
      %dma_start3A_897 = tpu.memref_squeeze %dma_start3A_896 : memref<1x80xi32, #tpu.memory_space<vmem>> -> memref<80xi32, #tpu.memory_space<vmem>>
      %dma_start3A_898 = arith.constant 0 : i32
      %dma_start3A_899 = arith.constant 0 : i32
      %dma_start3A_900 = tpu.memref_slice %arg17[%dma_start3A_898, %dma_start3A_899] : memref<10240x64xf32, #tpu.memory_space<vmem_shared>> -> memref<10240x64xf32, #tpu.memory_space<vmem_shared>>
      %dma_start3A_901 = tpu.memref_slice %arg14[%dma_start3A_890] : memref<5x!tpu.dma_semaphore, #tpu.memory_space<semaphore_mem>> -> memref<1x!tpu.dma_semaphore, #tpu.memory_space<semaphore_mem>>
      %dma_start3A_902 = tpu.memref_squeeze %dma_start3A_901 : memref<1x!tpu.dma_semaphore, #tpu.memory_space<semaphore_mem>> -> memref<!tpu.dma_semaphore, #tpu.memory_space<semaphore_mem>>
      tpu.enqueue_indirect_dma source(%dma_start3A_894 : memref<80x64xf32, #tpu.memory_space<vmem>>) target(%dma_start3A_900 : memref<10240x64xf32, #tpu.memory_space<vmem_shared>>) offsets(%dma_start3A_897 : memref<80xi32, #tpu.memory_space<vmem>>) semaphore(%dma_start3A_902 : memref<!tpu.dma_semaphore, #tpu.memory_space<semaphore_mem>>) {add = true}
      %lt3A_903 = arith.constant 125 : i32
      %lt3A_904 = arith.cmpi slt, %add3A_888, %lt3A_903 : i32
      %eq3A_905 = arith.constant 0 : i32
      %eq3A_906 = arith.cmpi eq, %arg0, %eq3A_905 : i32
      %eq3A_907 = arith.xori %lt3A_904, %eq3A_906 : i1
      %eq3A_908 = arith.constant true
      %eq3A_909 = arith.xori %eq3A_907, %eq3A_908 : i1
      %convert_element_type3A_910 = arith.extui %eq3A_909 : i1 to i32
      %cond3A_911 = arith.constant 0 : i32
      %cond3A_912 = arith.cmpi ne, %convert_element_type3A_910, %cond3A_911 : i32
      scf.if %cond3A_912 {
        %dma_start3A_1125 = arith.constant 0 : i32
        %dma_start3A_1126 = tpu.memref_slice %arg7[%add3A_888, %dma_start3A_1125] : memref<250x80xi32, #tpu.memory_space<vmem>> -> memref<1x80xi32, #tpu.memory_space<vmem>>
        %dma_start3A_1127 = tpu.memref_squeeze %dma_start3A_1126 : memref<1x80xi32, #tpu.memory_space<vmem>> -> memref<80xi32, #tpu.memory_space<vmem>>
        %dma_start3A_1128 = arith.constant 0 : i32
        %dma_start3A_1129 = arith.constant 0 : i32
        %dma_start3A_1130 = tpu.memref_slice %arg18[%dma_start3A_1128, %dma_start3A_1129] : memref<10240x16xf32, #tpu.memory_space<vmem_shared>> -> memref<10240x16xf32, #tpu.memory_space<vmem_shared>>
        tpu.enqueue_indirect_dma source(%arg9 : memref<80x16xf32, #tpu.memory_space<vmem>>) target(%dma_start3A_1130 : memref<10240x16xf32, #tpu.memory_space<vmem_shared>>) offsets(%dma_start3A_1127 : memref<80xi32, #tpu.memory_space<vmem>>) semaphore(%arg15 : memref<!tpu.dma_semaphore, #tpu.memory_space<semaphore_mem>>) {add = true}
      } else {
      }
      %add3A_913 = arith.constant 4 : i32
      %add3A_914 = arith.addi %mul3A_745, %add3A_913 : i32
      %dma_wait3A_915 = arith.constant 4 : i32
      %dma_wait3A_916 = arith.constant 4 : i32
      %dma_wait3A_917 = arith.constant 0 : i32
      %dma_wait3A_918 = arith.constant 0 : i32
      %dma_wait3A_919 = tpu.memref_slice %arg8[%dma_wait3A_915, %dma_wait3A_917, %dma_wait3A_918] : memref<5x80x64xf32, #tpu.memory_space<vmem>> -> memref<1x80x64xf32, #tpu.memory_space<vmem>>
      %dma_wait3A_920 = tpu.memref_squeeze %dma_wait3A_919 : memref<1x80x64xf32, #tpu.memory_space<vmem>> -> memref<80x64xf32, #tpu.memory_space<vmem>>
      %dma_wait3A_921 = arith.constant 0 : i32
      %dma_wait3A_922 = tpu.memref_slice %arg6[%add3A_914, %dma_wait3A_921] : memref<250x80xi32, #tpu.memory_space<vmem>> -> memref<1x80xi32, #tpu.memory_space<vmem>>
      %dma_wait3A_923 = tpu.memref_squeeze %dma_wait3A_922 : memref<1x80xi32, #tpu.memory_space<vmem>> -> memref<80xi32, #tpu.memory_space<vmem>>
      %dma_wait3A_924 = arith.constant 0 : i32
      %dma_wait3A_925 = arith.constant 0 : i32
      %dma_wait3A_926 = tpu.memref_slice %arg2[%dma_wait3A_924, %dma_wait3A_925] : memref<20000x64xf32, #tpu.memory_space<hbm>> -> memref<20000x64xf32, #tpu.memory_space<hbm>>
      %dma_wait3A_927 = tpu.memref_slice %arg13[%dma_wait3A_916] : memref<5x!tpu.dma_semaphore, #tpu.memory_space<semaphore_mem>> -> memref<1x!tpu.dma_semaphore, #tpu.memory_space<semaphore_mem>>
      %dma_wait3A_928 = tpu.memref_squeeze %dma_wait3A_927 : memref<1x!tpu.dma_semaphore, #tpu.memory_space<semaphore_mem>> -> memref<!tpu.dma_semaphore, #tpu.memory_space<semaphore_mem>>
      tpu.wait_indirect_dma semaphore(%dma_wait3A_928 : memref<!tpu.dma_semaphore, #tpu.memory_space<semaphore_mem>>) src(%dma_wait3A_926 : memref<20000x64xf32, #tpu.memory_space<hbm>>) dst(%dma_wait3A_920 : memref<80x64xf32, #tpu.memory_space<vmem>>)
      %add3A_929 = arith.constant 4 : i32
      %add3A_930 = arith.addi %mul3A_745, %add3A_929 : i32
      %dma_start3A_931 = arith.constant 4 : i32
      %dma_start3A_932 = arith.constant 4 : i32
      %dma_start3A_933 = arith.constant 0 : i32
      %dma_start3A_934 = arith.constant 0 : i32
      %dma_start3A_935 = tpu.memref_slice %arg8[%dma_start3A_931, %dma_start3A_933, %dma_start3A_934] : memref<5x80x64xf32, #tpu.memory_space<vmem>> -> memref<1x80x64xf32, #tpu.memory_space<vmem>>
      %dma_start3A_936 = tpu.memref_squeeze %dma_start3A_935 : memref<1x80x64xf32, #tpu.memory_space<vmem>> -> memref<80x64xf32, #tpu.memory_space<vmem>>
      %dma_start3A_937 = arith.constant 0 : i32
      %dma_start3A_938 = tpu.memref_slice %arg7[%add3A_930, %dma_start3A_937] : memref<250x80xi32, #tpu.memory_space<vmem>> -> memref<1x80xi32, #tpu.memory_space<vmem>>
      %dma_start3A_939 = tpu.memref_squeeze %dma_start3A_938 : memref<1x80xi32, #tpu.memory_space<vmem>> -> memref<80xi32, #tpu.memory_space<vmem>>
      %dma_start3A_940 = arith.constant 0 : i32
      %dma_start3A_941 = arith.constant 0 : i32
      %dma_start3A_942 = tpu.memref_slice %arg17[%dma_start3A_940, %dma_start3A_941] : memref<10240x64xf32, #tpu.memory_space<vmem_shared>> -> memref<10240x64xf32, #tpu.memory_space<vmem_shared>>
      %dma_start3A_943 = tpu.memref_slice %arg14[%dma_start3A_932] : memref<5x!tpu.dma_semaphore, #tpu.memory_space<semaphore_mem>> -> memref<1x!tpu.dma_semaphore, #tpu.memory_space<semaphore_mem>>
      %dma_start3A_944 = tpu.memref_squeeze %dma_start3A_943 : memref<1x!tpu.dma_semaphore, #tpu.memory_space<semaphore_mem>> -> memref<!tpu.dma_semaphore, #tpu.memory_space<semaphore_mem>>
      tpu.enqueue_indirect_dma source(%dma_start3A_936 : memref<80x64xf32, #tpu.memory_space<vmem>>) target(%dma_start3A_942 : memref<10240x64xf32, #tpu.memory_space<vmem_shared>>) offsets(%dma_start3A_939 : memref<80xi32, #tpu.memory_space<vmem>>) semaphore(%dma_start3A_944 : memref<!tpu.dma_semaphore, #tpu.memory_space<semaphore_mem>>) {add = true}
      %lt3A_945 = arith.constant 125 : i32
      %lt3A_946 = arith.cmpi slt, %add3A_930, %lt3A_945 : i32
      %eq3A_947 = arith.constant 0 : i32
      %eq3A_948 = arith.cmpi eq, %arg0, %eq3A_947 : i32
      %eq3A_949 = arith.xori %lt3A_946, %eq3A_948 : i1
      %eq3A_950 = arith.constant true
      %eq3A_951 = arith.xori %eq3A_949, %eq3A_950 : i1
      %convert_element_type3A_952 = arith.extui %eq3A_951 : i1 to i32
      %cond3A_953 = arith.constant 0 : i32
      %cond3A_954 = arith.cmpi ne, %convert_element_type3A_952, %cond3A_953 : i32
      scf.if %cond3A_954 {
        %dma_start3A_1125 = arith.constant 0 : i32
        %dma_start3A_1126 = tpu.memref_slice %arg7[%add3A_930, %dma_start3A_1125] : memref<250x80xi32, #tpu.memory_space<vmem>> -> memref<1x80xi32, #tpu.memory_space<vmem>>
        %dma_start3A_1127 = tpu.memref_squeeze %dma_start3A_1126 : memref<1x80xi32, #tpu.memory_space<vmem>> -> memref<80xi32, #tpu.memory_space<vmem>>
        %dma_start3A_1128 = arith.constant 0 : i32
        %dma_start3A_1129 = arith.constant 0 : i32
        %dma_start3A_1130 = tpu.memref_slice %arg18[%dma_start3A_1128, %dma_start3A_1129] : memref<10240x16xf32, #tpu.memory_space<vmem_shared>> -> memref<10240x16xf32, #tpu.memory_space<vmem_shared>>
        tpu.enqueue_indirect_dma source(%arg9 : memref<80x16xf32, #tpu.memory_space<vmem>>) target(%dma_start3A_1130 : memref<10240x16xf32, #tpu.memory_space<vmem_shared>>) offsets(%dma_start3A_1127 : memref<80xi32, #tpu.memory_space<vmem>>) semaphore(%arg15 : memref<!tpu.dma_semaphore, #tpu.memory_space<semaphore_mem>>) {add = true}
      } else {
      }
      %add3A_955 = arith.constant 0 : i32
      %add3A_956 = arith.addi %mul3A_745, %add3A_955 : i32
      %dma_wait3A_957 = arith.constant 0 : i32
      %dma_wait3A_958 = arith.constant 0 : i32
      %dma_wait3A_959 = arith.constant 0 : i32
      %dma_wait3A_960 = arith.constant 0 : i32
      %dma_wait3A_961 = tpu.memref_slice %arg8[%dma_wait3A_957, %dma_wait3A_959, %dma_wait3A_960] : memref<5x80x64xf32, #tpu.memory_space<vmem>> -> memref<1x80x64xf32, #tpu.memory_space<vmem>>
      %dma_wait3A_962 = tpu.memref_squeeze %dma_wait3A_961 : memref<1x80x64xf32, #tpu.memory_space<vmem>> -> memref<80x64xf32, #tpu.memory_space<vmem>>
      %dma_wait3A_963 = arith.constant 0 : i32
      %dma_wait3A_964 = tpu.memref_slice %arg7[%add3A_956, %dma_wait3A_963] : memref<250x80xi32, #tpu.memory_space<vmem>> -> memref<1x80xi32, #tpu.memory_space<vmem>>
      %dma_wait3A_965 = tpu.memref_squeeze %dma_wait3A_964 : memref<1x80xi32, #tpu.memory_space<vmem>> -> memref<80xi32, #tpu.memory_space<vmem>>
      %dma_wait3A_966 = arith.constant 0 : i32
      %dma_wait3A_967 = arith.constant 0 : i32
      %dma_wait3A_968 = tpu.memref_slice %arg17[%dma_wait3A_966, %dma_wait3A_967] : memref<10240x64xf32, #tpu.memory_space<vmem_shared>> -> memref<10240x64xf32, #tpu.memory_space<vmem_shared>>
      %dma_wait3A_969 = tpu.memref_slice %arg14[%dma_wait3A_958] : memref<5x!tpu.dma_semaphore, #tpu.memory_space<semaphore_mem>> -> memref<1x!tpu.dma_semaphore, #tpu.memory_space<semaphore_mem>>
      %dma_wait3A_970 = tpu.memref_squeeze %dma_wait3A_969 : memref<1x!tpu.dma_semaphore, #tpu.memory_space<semaphore_mem>> -> memref<!tpu.dma_semaphore, #tpu.memory_space<semaphore_mem>>
      tpu.wait_indirect_dma semaphore(%dma_wait3A_970 : memref<!tpu.dma_semaphore, #tpu.memory_space<semaphore_mem>>) src(%dma_wait3A_962 : memref<80x64xf32, #tpu.memory_space<vmem>>) dst(%dma_wait3A_968 : memref<10240x64xf32, #tpu.memory_space<vmem_shared>>)
      %add3A_971 = arith.constant 5 : i32
      %add3A_972 = arith.addi %mul3A_745, %add3A_971 : i32
      %add3A_973 = arith.constant 0 : i32
      %add3A_974 = arith.addi %add3A_972, %add3A_973 : i32
      %dma_start3A_975 = arith.constant 0 : i32
      %dma_start3A_976 = arith.constant 0 : i32
      %dma_start3A_977 = arith.constant 0 : i32
      %dma_start3A_978 = arith.constant 0 : i32
      %dma_start3A_979 = tpu.memref_slice %arg8[%dma_start3A_975, %dma_start3A_977, %dma_start3A_978] : memref<5x80x64xf32, #tpu.memory_space<vmem>> -> memref<1x80x64xf32, #tpu.memory_space<vmem>>
      %dma_start3A_980 = tpu.memref_squeeze %dma_start3A_979 : memref<1x80x64xf32, #tpu.memory_space<vmem>> -> memref<80x64xf32, #tpu.memory_space<vmem>>
      %dma_start3A_981 = arith.constant 0 : i32
      %dma_start3A_982 = tpu.memref_slice %arg6[%add3A_974, %dma_start3A_981] : memref<250x80xi32, #tpu.memory_space<vmem>> -> memref<1x80xi32, #tpu.memory_space<vmem>>
      %dma_start3A_983 = tpu.memref_squeeze %dma_start3A_982 : memref<1x80xi32, #tpu.memory_space<vmem>> -> memref<80xi32, #tpu.memory_space<vmem>>
      %dma_start3A_984 = arith.constant 0 : i32
      %dma_start3A_985 = arith.constant 0 : i32
      %dma_start3A_986 = tpu.memref_slice %arg2[%dma_start3A_984, %dma_start3A_985] : memref<20000x64xf32, #tpu.memory_space<hbm>> -> memref<20000x64xf32, #tpu.memory_space<hbm>>
      %dma_start3A_987 = tpu.memref_slice %arg13[%dma_start3A_976] : memref<5x!tpu.dma_semaphore, #tpu.memory_space<semaphore_mem>> -> memref<1x!tpu.dma_semaphore, #tpu.memory_space<semaphore_mem>>
      %dma_start3A_988 = tpu.memref_squeeze %dma_start3A_987 : memref<1x!tpu.dma_semaphore, #tpu.memory_space<semaphore_mem>> -> memref<!tpu.dma_semaphore, #tpu.memory_space<semaphore_mem>>
      tpu.enqueue_indirect_dma source(%dma_start3A_986 : memref<20000x64xf32, #tpu.memory_space<hbm>>) target(%dma_start3A_980 : memref<80x64xf32, #tpu.memory_space<vmem>>) offsets(%dma_start3A_983 : memref<80xi32, #tpu.memory_space<vmem>>) semaphore(%dma_start3A_988 : memref<!tpu.dma_semaphore, #tpu.memory_space<semaphore_mem>>)
      %add3A_989 = arith.constant 1 : i32
      %add3A_990 = arith.addi %mul3A_745, %add3A_989 : i32
      %dma_wait3A_991 = arith.constant 1 : i32
      %dma_wait3A_992 = arith.constant 1 : i32
      %dma_wait3A_993 = arith.constant 0 : i32
      %dma_wait3A_994 = arith.constant 0 : i32
      %dma_wait3A_995 = tpu.memref_slice %arg8[%dma_wait3A_991, %dma_wait3A_993, %dma_wait3A_994] : memref<5x80x64xf32, #tpu.memory_space<vmem>> -> memref<1x80x64xf32, #tpu.memory_space<vmem>>
      %dma_wait3A_996 = tpu.memref_squeeze %dma_wait3A_995 : memref<1x80x64xf32, #tpu.memory_space<vmem>> -> memref<80x64xf32, #tpu.memory_space<vmem>>
      %dma_wait3A_997 = arith.constant 0 : i32
      %dma_wait3A_998 = tpu.memref_slice %arg7[%add3A_990, %dma_wait3A_997] : memref<250x80xi32, #tpu.memory_space<vmem>> -> memref<1x80xi32, #tpu.memory_space<vmem>>
      %dma_wait3A_999 = tpu.memref_squeeze %dma_wait3A_998 : memref<1x80xi32, #tpu.memory_space<vmem>> -> memref<80xi32, #tpu.memory_space<vmem>>
      %dma_wait3A_1000 = arith.constant 0 : i32
      %dma_wait3A_1001 = arith.constant 0 : i32
      %dma_wait3A_1002 = tpu.memref_slice %arg17[%dma_wait3A_1000, %dma_wait3A_1001] : memref<10240x64xf32, #tpu.memory_space<vmem_shared>> -> memref<10240x64xf32, #tpu.memory_space<vmem_shared>>
      %dma_wait3A_1003 = tpu.memref_slice %arg14[%dma_wait3A_992] : memref<5x!tpu.dma_semaphore, #tpu.memory_space<semaphore_mem>> -> memref<1x!tpu.dma_semaphore, #tpu.memory_space<semaphore_mem>>
      %dma_wait3A_1004 = tpu.memref_squeeze %dma_wait3A_1003 : memref<1x!tpu.dma_semaphore, #tpu.memory_space<semaphore_mem>> -> memref<!tpu.dma_semaphore, #tpu.memory_space<semaphore_mem>>
      tpu.wait_indirect_dma semaphore(%dma_wait3A_1004 : memref<!tpu.dma_semaphore, #tpu.memory_space<semaphore_mem>>) src(%dma_wait3A_996 : memref<80x64xf32, #tpu.memory_space<vmem>>) dst(%dma_wait3A_1002 : memref<10240x64xf32, #tpu.memory_space<vmem_shared>>)
      %add3A_1005 = arith.constant 5 : i32
      %add3A_1006 = arith.addi %mul3A_745, %add3A_1005 : i32
      %add3A_1007 = arith.constant 1 : i32
      %add3A_1008 = arith.addi %add3A_1006, %add3A_1007 : i32
      %dma_start3A_1009 = arith.constant 1 : i32
      %dma_start3A_1010 = arith.constant 1 : i32
      %dma_start3A_1011 = arith.constant 0 : i32
      %dma_start3A_1012 = arith.constant 0 : i32
      %dma_start3A_1013 = tpu.memref_slice %arg8[%dma_start3A_1009, %dma_start3A_1011, %dma_start3A_1012] : memref<5x80x64xf32, #tpu.memory_space<vmem>> -> memref<1x80x64xf32, #tpu.memory_space<vmem>>
      %dma_start3A_1014 = tpu.memref_squeeze %dma_start3A_1013 : memref<1x80x64xf32, #tpu.memory_space<vmem>> -> memref<80x64xf32, #tpu.memory_space<vmem>>
      %dma_start3A_1015 = arith.constant 0 : i32
      %dma_start3A_1016 = tpu.memref_slice %arg6[%add3A_1008, %dma_start3A_1015] : memref<250x80xi32, #tpu.memory_space<vmem>> -> memref<1x80xi32, #tpu.memory_space<vmem>>
      %dma_start3A_1017 = tpu.memref_squeeze %dma_start3A_1016 : memref<1x80xi32, #tpu.memory_space<vmem>> -> memref<80xi32, #tpu.memory_space<vmem>>
      %dma_start3A_1018 = arith.constant 0 : i32
      %dma_start3A_1019 = arith.constant 0 : i32
      %dma_start3A_1020 = tpu.memref_slice %arg2[%dma_start3A_1018, %dma_start3A_1019] : memref<20000x64xf32, #tpu.memory_space<hbm>> -> memref<20000x64xf32, #tpu.memory_space<hbm>>
      %dma_start3A_1021 = tpu.memref_slice %arg13[%dma_start3A_1010] : memref<5x!tpu.dma_semaphore, #tpu.memory_space<semaphore_mem>> -> memref<1x!tpu.dma_semaphore, #tpu.memory_space<semaphore_mem>>
      %dma_start3A_1022 = tpu.memref_squeeze %dma_start3A_1021 : memref<1x!tpu.dma_semaphore, #tpu.memory_space<semaphore_mem>> -> memref<!tpu.dma_semaphore, #tpu.memory_space<semaphore_mem>>
      tpu.enqueue_indirect_dma source(%dma_start3A_1020 : memref<20000x64xf32, #tpu.memory_space<hbm>>) target(%dma_start3A_1014 : memref<80x64xf32, #tpu.memory_space<vmem>>) offsets(%dma_start3A_1017 : memref<80xi32, #tpu.memory_space<vmem>>) semaphore(%dma_start3A_1022 : memref<!tpu.dma_semaphore, #tpu.memory_space<semaphore_mem>>)
      %add3A_1023 = arith.constant 2 : i32
      %add3A_1024 = arith.addi %mul3A_745, %add3A_1023 : i32
      %dma_wait3A_1025 = arith.constant 2 : i32
      %dma_wait3A_1026 = arith.constant 2 : i32
      %dma_wait3A_1027 = arith.constant 0 : i32
      %dma_wait3A_1028 = arith.constant 0 : i32
      %dma_wait3A_1029 = tpu.memref_slice %arg8[%dma_wait3A_1025, %dma_wait3A_1027, %dma_wait3A_1028] : memref<5x80x64xf32, #tpu.memory_space<vmem>> -> memref<1x80x64xf32, #tpu.memory_space<vmem>>
      %dma_wait3A_1030 = tpu.memref_squeeze %dma_wait3A_1029 : memref<1x80x64xf32, #tpu.memory_space<vmem>> -> memref<80x64xf32, #tpu.memory_space<vmem>>
      %dma_wait3A_1031 = arith.constant 0 : i32
      %dma_wait3A_1032 = tpu.memref_slice %arg7[%add3A_1024, %dma_wait3A_1031] : memref<250x80xi32, #tpu.memory_space<vmem>> -> memref<1x80xi32, #tpu.memory_space<vmem>>
      %dma_wait3A_1033 = tpu.memref_squeeze %dma_wait3A_1032 : memref<1x80xi32, #tpu.memory_space<vmem>> -> memref<80xi32, #tpu.memory_space<vmem>>
      %dma_wait3A_1034 = arith.constant 0 : i32
      %dma_wait3A_1035 = arith.constant 0 : i32
      %dma_wait3A_1036 = tpu.memref_slice %arg17[%dma_wait3A_1034, %dma_wait3A_1035] : memref<10240x64xf32, #tpu.memory_space<vmem_shared>> -> memref<10240x64xf32, #tpu.memory_space<vmem_shared>>
      %dma_wait3A_1037 = tpu.memref_slice %arg14[%dma_wait3A_1026] : memref<5x!tpu.dma_semaphore, #tpu.memory_space<semaphore_mem>> -> memref<1x!tpu.dma_semaphore, #tpu.memory_space<semaphore_mem>>
      %dma_wait3A_1038 = tpu.memref_squeeze %dma_wait3A_1037 : memref<1x!tpu.dma_semaphore, #tpu.memory_space<semaphore_mem>> -> memref<!tpu.dma_semaphore, #tpu.memory_space<semaphore_mem>>
      tpu.wait_indirect_dma semaphore(%dma_wait3A_1038 : memref<!tpu.dma_semaphore, #tpu.memory_space<semaphore_mem>>) src(%dma_wait3A_1030 : memref<80x64xf32, #tpu.memory_space<vmem>>) dst(%dma_wait3A_1036 : memref<10240x64xf32, #tpu.memory_space<vmem_shared>>)
      %add3A_1039 = arith.constant 5 : i32
      %add3A_1040 = arith.addi %mul3A_745, %add3A_1039 : i32
      %add3A_1041 = arith.constant 2 : i32
      %add3A_1042 = arith.addi %add3A_1040, %add3A_1041 : i32
      %dma_start3A_1043 = arith.constant 2 : i32
      %dma_start3A_1044 = arith.constant 2 : i32
      %dma_start3A_1045 = arith.constant 0 : i32
      %dma_start3A_1046 = arith.constant 0 : i32
      %dma_start3A_1047 = tpu.memref_slice %arg8[%dma_start3A_1043, %dma_start3A_1045, %dma_start3A_1046] : memref<5x80x64xf32, #tpu.memory_space<vmem>> -> memref<1x80x64xf32, #tpu.memory_space<vmem>>
      %dma_start3A_1048 = tpu.memref_squeeze %dma_start3A_1047 : memref<1x80x64xf32, #tpu.memory_space<vmem>> -> memref<80x64xf32, #tpu.memory_space<vmem>>
      %dma_start3A_1049 = arith.constant 0 : i32
      %dma_start3A_1050 = tpu.memref_slice %arg6[%add3A_1042, %dma_start3A_1049] : memref<250x80xi32, #tpu.memory_space<vmem>> -> memref<1x80xi32, #tpu.memory_space<vmem>>
      %dma_start3A_1051 = tpu.memref_squeeze %dma_start3A_1050 : memref<1x80xi32, #tpu.memory_space<vmem>> -> memref<80xi32, #tpu.memory_space<vmem>>
      %dma_start3A_1052 = arith.constant 0 : i32
      %dma_start3A_1053 = arith.constant 0 : i32
      %dma_start3A_1054 = tpu.memref_slice %arg2[%dma_start3A_1052, %dma_start3A_1053] : memref<20000x64xf32, #tpu.memory_space<hbm>> -> memref<20000x64xf32, #tpu.memory_space<hbm>>
      %dma_start3A_1055 = tpu.memref_slice %arg13[%dma_start3A_1044] : memref<5x!tpu.dma_semaphore, #tpu.memory_space<semaphore_mem>> -> memref<1x!tpu.dma_semaphore, #tpu.memory_space<semaphore_mem>>
      %dma_start3A_1056 = tpu.memref_squeeze %dma_start3A_1055 : memref<1x!tpu.dma_semaphore, #tpu.memory_space<semaphore_mem>> -> memref<!tpu.dma_semaphore, #tpu.memory_space<semaphore_mem>>
      tpu.enqueue_indirect_dma source(%dma_start3A_1054 : memref<20000x64xf32, #tpu.memory_space<hbm>>) target(%dma_start3A_1048 : memref<80x64xf32, #tpu.memory_space<vmem>>) offsets(%dma_start3A_1051 : memref<80xi32, #tpu.memory_space<vmem>>) semaphore(%dma_start3A_1056 : memref<!tpu.dma_semaphore, #tpu.memory_space<semaphore_mem>>)
      %add3A_1057 = arith.constant 3 : i32
      %add3A_1058 = arith.addi %mul3A_745, %add3A_1057 : i32
      %dma_wait3A_1059 = arith.constant 3 : i32
      %dma_wait3A_1060 = arith.constant 3 : i32
      %dma_wait3A_1061 = arith.constant 0 : i32
      %dma_wait3A_1062 = arith.constant 0 : i32
      %dma_wait3A_1063 = tpu.memref_slice %arg8[%dma_wait3A_1059, %dma_wait3A_1061, %dma_wait3A_1062] : memref<5x80x64xf32, #tpu.memory_space<vmem>> -> memref<1x80x64xf32, #tpu.memory_space<vmem>>
      %dma_wait3A_1064 = tpu.memref_squeeze %dma_wait3A_1063 : memref<1x80x64xf32, #tpu.memory_space<vmem>> -> memref<80x64xf32, #tpu.memory_space<vmem>>
      %dma_wait3A_1065 = arith.constant 0 : i32
      %dma_wait3A_1066 = tpu.memref_slice %arg7[%add3A_1058, %dma_wait3A_1065] : memref<250x80xi32, #tpu.memory_space<vmem>> -> memref<1x80xi32, #tpu.memory_space<vmem>>
      %dma_wait3A_1067 = tpu.memref_squeeze %dma_wait3A_1066 : memref<1x80xi32, #tpu.memory_space<vmem>> -> memref<80xi32, #tpu.memory_space<vmem>>
      %dma_wait3A_1068 = arith.constant 0 : i32
      %dma_wait3A_1069 = arith.constant 0 : i32
      %dma_wait3A_1070 = tpu.memref_slice %arg17[%dma_wait3A_1068, %dma_wait3A_1069] : memref<10240x64xf32, #tpu.memory_space<vmem_shared>> -> memref<10240x64xf32, #tpu.memory_space<vmem_shared>>
      %dma_wait3A_1071 = tpu.memref_slice %arg14[%dma_wait3A_1060] : memref<5x!tpu.dma_semaphore, #tpu.memory_space<semaphore_mem>> -> memref<1x!tpu.dma_semaphore, #tpu.memory_space<semaphore_mem>>
      %dma_wait3A_1072 = tpu.memref_squeeze %dma_wait3A_1071 : memref<1x!tpu.dma_semaphore, #tpu.memory_space<semaphore_mem>> -> memref<!tpu.dma_semaphore, #tpu.memory_space<semaphore_mem>>
      tpu.wait_indirect_dma semaphore(%dma_wait3A_1072 : memref<!tpu.dma_semaphore, #tpu.memory_space<semaphore_mem>>) src(%dma_wait3A_1064 : memref<80x64xf32, #tpu.memory_space<vmem>>) dst(%dma_wait3A_1070 : memref<10240x64xf32, #tpu.memory_space<vmem_shared>>)
      %add3A_1073 = arith.constant 5 : i32
      %add3A_1074 = arith.addi %mul3A_745, %add3A_1073 : i32
      %add3A_1075 = arith.constant 3 : i32
      %add3A_1076 = arith.addi %add3A_1074, %add3A_1075 : i32
      %dma_start3A_1077 = arith.constant 3 : i32
      %dma_start3A_1078 = arith.constant 3 : i32
      %dma_start3A_1079 = arith.constant 0 : i32
      %dma_start3A_1080 = arith.constant 0 : i32
      %dma_start3A_1081 = tpu.memref_slice %arg8[%dma_start3A_1077, %dma_start3A_1079, %dma_start3A_1080] : memref<5x80x64xf32, #tpu.memory_space<vmem>> -> memref<1x80x64xf32, #tpu.memory_space<vmem>>
      %dma_start3A_1082 = tpu.memref_squeeze %dma_start3A_1081 : memref<1x80x64xf32, #tpu.memory_space<vmem>> -> memref<80x64xf32, #tpu.memory_space<vmem>>
      %dma_start3A_1083 = arith.constant 0 : i32
      %dma_start3A_1084 = tpu.memref_slice %arg6[%add3A_1076, %dma_start3A_1083] : memref<250x80xi32, #tpu.memory_space<vmem>> -> memref<1x80xi32, #tpu.memory_space<vmem>>
      %dma_start3A_1085 = tpu.memref_squeeze %dma_start3A_1084 : memref<1x80xi32, #tpu.memory_space<vmem>> -> memref<80xi32, #tpu.memory_space<vmem>>
      %dma_start3A_1086 = arith.constant 0 : i32
      %dma_start3A_1087 = arith.constant 0 : i32
      %dma_start3A_1088 = tpu.memref_slice %arg2[%dma_start3A_1086, %dma_start3A_1087] : memref<20000x64xf32, #tpu.memory_space<hbm>> -> memref<20000x64xf32, #tpu.memory_space<hbm>>
      %dma_start3A_1089 = tpu.memref_slice %arg13[%dma_start3A_1078] : memref<5x!tpu.dma_semaphore, #tpu.memory_space<semaphore_mem>> -> memref<1x!tpu.dma_semaphore, #tpu.memory_space<semaphore_mem>>
      %dma_start3A_1090 = tpu.memref_squeeze %dma_start3A_1089 : memref<1x!tpu.dma_semaphore, #tpu.memory_space<semaphore_mem>> -> memref<!tpu.dma_semaphore, #tpu.memory_space<semaphore_mem>>
      tpu.enqueue_indirect_dma source(%dma_start3A_1088 : memref<20000x64xf32, #tpu.memory_space<hbm>>) target(%dma_start3A_1082 : memref<80x64xf32, #tpu.memory_space<vmem>>) offsets(%dma_start3A_1085 : memref<80xi32, #tpu.memory_space<vmem>>) semaphore(%dma_start3A_1090 : memref<!tpu.dma_semaphore, #tpu.memory_space<semaphore_mem>>)
      %add3A_1091 = arith.constant 4 : i32
      %add3A_1092 = arith.addi %mul3A_745, %add3A_1091 : i32
      %dma_wait3A_1093 = arith.constant 4 : i32
      %dma_wait3A_1094 = arith.constant 4 : i32
      %dma_wait3A_1095 = arith.constant 0 : i32
      %dma_wait3A_1096 = arith.constant 0 : i32
      %dma_wait3A_1097 = tpu.memref_slice %arg8[%dma_wait3A_1093, %dma_wait3A_1095, %dma_wait3A_1096] : memref<5x80x64xf32, #tpu.memory_space<vmem>> -> memref<1x80x64xf32, #tpu.memory_space<vmem>>
      %dma_wait3A_1098 = tpu.memref_squeeze %dma_wait3A_1097 : memref<1x80x64xf32, #tpu.memory_space<vmem>> -> memref<80x64xf32, #tpu.memory_space<vmem>>
      %dma_wait3A_1099 = arith.constant 0 : i32
      %dma_wait3A_1100 = tpu.memref_slice %arg7[%add3A_1092, %dma_wait3A_1099] : memref<250x80xi32, #tpu.memory_space<vmem>> -> memref<1x80xi32, #tpu.memory_space<vmem>>
      %dma_wait3A_1101 = tpu.memref_squeeze %dma_wait3A_1100 : memref<1x80xi32, #tpu.memory_space<vmem>> -> memref<80xi32, #tpu.memory_space<vmem>>
      %dma_wait3A_1102 = arith.constant 0 : i32
      %dma_wait3A_1103 = arith.constant 0 : i32
      %dma_wait3A_1104 = tpu.memref_slice %arg17[%dma_wait3A_1102, %dma_wait3A_1103] : memref<10240x64xf32, #tpu.memory_space<vmem_shared>> -> memref<10240x64xf32, #tpu.memory_space<vmem_shared>>
      %dma_wait3A_1105 = tpu.memref_slice %arg14[%dma_wait3A_1094] : memref<5x!tpu.dma_semaphore, #tpu.memory_space<semaphore_mem>> -> memref<1x!tpu.dma_semaphore, #tpu.memory_space<semaphore_mem>>
      %dma_wait3A_1106 = tpu.memref_squeeze %dma_wait3A_1105 : memref<1x!tpu.dma_semaphore, #tpu.memory_space<semaphore_mem>> -> memref<!tpu.dma_semaphore, #tpu.memory_space<semaphore_mem>>
      tpu.wait_indirect_dma semaphore(%dma_wait3A_1106 : memref<!tpu.dma_semaphore, #tpu.memory_space<semaphore_mem>>) src(%dma_wait3A_1098 : memref<80x64xf32, #tpu.memory_space<vmem>>) dst(%dma_wait3A_1104 : memref<10240x64xf32, #tpu.memory_space<vmem_shared>>)
      %add3A_1107 = arith.constant 5 : i32
      %add3A_1108 = arith.addi %mul3A_745, %add3A_1107 : i32
      %add3A_1109 = arith.constant 4 : i32
      %add3A_1110 = arith.addi %add3A_1108, %add3A_1109 : i32
      %dma_start3A_1111 = arith.constant 4 : i32
      %dma_start3A_1112 = arith.constant 4 : i32
      %dma_start3A_1113 = arith.constant 0 : i32
      %dma_start3A_1114 = arith.constant 0 : i32
      %dma_start3A_1115 = tpu.memref_slice %arg8[%dma_start3A_1111, %dma_start3A_1113, %dma_start3A_1114] : memref<5x80x64xf32, #tpu.memory_space<vmem>> -> memref<1x80x64xf32, #tpu.memory_space<vmem>>
      %dma_start3A_1116 = tpu.memref_squeeze %dma_start3A_1115 : memref<1x80x64xf32, #tpu.memory_space<vmem>> -> memref<80x64xf32, #tpu.memory_space<vmem>>
      %dma_start3A_1117 = arith.constant 0 : i32
      %dma_start3A_1118 = tpu.memref_slice %arg6[%add3A_1110, %dma_start3A_1117] : memref<250x80xi32, #tpu.memory_space<vmem>> -> memref<1x80xi32, #tpu.memory_space<vmem>>
      %dma_start3A_1119 = tpu.memref_squeeze %dma_start3A_1118 : memref<1x80xi32, #tpu.memory_space<vmem>> -> memref<80xi32, #tpu.memory_space<vmem>>
      %dma_start3A_1120 = arith.constant 0 : i32
      %dma_start3A_1121 = arith.constant 0 : i32
      %dma_start3A_1122 = tpu.memref_slice %arg2[%dma_start3A_1120, %dma_start3A_1121] : memref<20000x64xf32, #tpu.memory_space<hbm>> -> memref<20000x64xf32, #tpu.memory_space<hbm>>
      %dma_start3A_1123 = tpu.memref_slice %arg13[%dma_start3A_1112] : memref<5x!tpu.dma_semaphore, #tpu.memory_space<semaphore_mem>> -> memref<1x!tpu.dma_semaphore, #tpu.memory_space<semaphore_mem>>
      %dma_start3A_1124 = tpu.memref_squeeze %dma_start3A_1123 : memref<1x!tpu.dma_semaphore, #tpu.memory_space<semaphore_mem>> -> memref<!tpu.dma_semaphore, #tpu.memory_space<semaphore_mem>>
      tpu.enqueue_indirect_dma source(%dma_start3A_1122 : memref<20000x64xf32, #tpu.memory_space<hbm>>) target(%dma_start3A_1116 : memref<80x64xf32, #tpu.memory_space<vmem>>) offsets(%dma_start3A_1119 : memref<80xi32, #tpu.memory_space<vmem>>) semaphore(%dma_start3A_1124 : memref<!tpu.dma_semaphore, #tpu.memory_space<semaphore_mem>>)
    }
    %scan3A_131 = arith.constant 49 : i32
    %dma_wait3A_132 = arith.constant 245 : i32
    %dma_wait3A_133 = arith.constant 0 : i32
    %dma_wait3A_134 = arith.constant 0 : i32
    %dma_wait3A_135 = arith.constant 0 : i32
    %dma_wait3A_136 = arith.constant 0 : i32
    %dma_wait3A_137 = tpu.memref_slice %arg8[%dma_wait3A_133, %dma_wait3A_135, %dma_wait3A_136] : memref<5x80x64xf32, #tpu.memory_space<vmem>> -> memref<1x80x64xf32, #tpu.memory_space<vmem>>
    %dma_wait3A_138 = tpu.memref_squeeze %dma_wait3A_137 : memref<1x80x64xf32, #tpu.memory_space<vmem>> -> memref<80x64xf32, #tpu.memory_space<vmem>>
    %dma_wait3A_139 = arith.constant 0 : i32
    %dma_wait3A_140 = tpu.memref_slice %arg6[%dma_wait3A_132, %dma_wait3A_139] : memref<250x80xi32, #tpu.memory_space<vmem>> -> memref<1x80xi32, #tpu.memory_space<vmem>>
    %dma_wait3A_141 = tpu.memref_squeeze %dma_wait3A_140 : memref<1x80xi32, #tpu.memory_space<vmem>> -> memref<80xi32, #tpu.memory_space<vmem>>
    %dma_wait3A_142 = arith.constant 0 : i32
    %dma_wait3A_143 = arith.constant 0 : i32
    %dma_wait3A_144 = tpu.memref_slice %arg2[%dma_wait3A_142, %dma_wait3A_143] : memref<20000x64xf32, #tpu.memory_space<hbm>> -> memref<20000x64xf32, #tpu.memory_space<hbm>>
    %dma_wait3A_145 = tpu.memref_slice %arg13[%dma_wait3A_134] : memref<5x!tpu.dma_semaphore, #tpu.memory_space<semaphore_mem>> -> memref<1x!tpu.dma_semaphore, #tpu.memory_space<semaphore_mem>>
    %dma_wait3A_146 = tpu.memref_squeeze %dma_wait3A_145 : memref<1x!tpu.dma_semaphore, #tpu.memory_space<semaphore_mem>> -> memref<!tpu.dma_semaphore, #tpu.memory_space<semaphore_mem>>
    tpu.wait_indirect_dma semaphore(%dma_wait3A_146 : memref<!tpu.dma_semaphore, #tpu.memory_space<semaphore_mem>>) src(%dma_wait3A_144 : memref<20000x64xf32, #tpu.memory_space<hbm>>) dst(%dma_wait3A_138 : memref<80x64xf32, #tpu.memory_space<vmem>>)
    %dma_start3A_147 = arith.constant 0 : i32
    %dma_start3A_148 = arith.constant 245 : i32
    %dma_start3A_149 = arith.constant 0 : i32
    %dma_start3A_150 = arith.constant 0 : i32
    %dma_start3A_151 = arith.constant 0 : i32
    %dma_start3A_152 = tpu.memref_slice %arg8[%dma_start3A_147, %dma_start3A_150, %dma_start3A_151] : memref<5x80x64xf32, #tpu.memory_space<vmem>> -> memref<1x80x64xf32, #tpu.memory_space<vmem>>
    %dma_start3A_153 = tpu.memref_squeeze %dma_start3A_152 : memref<1x80x64xf32, #tpu.memory_space<vmem>> -> memref<80x64xf32, #tpu.memory_space<vmem>>
    %dma_start3A_154 = arith.constant 0 : i32
    %dma_start3A_155 = tpu.memref_slice %arg7[%dma_start3A_148, %dma_start3A_154] : memref<250x80xi32, #tpu.memory_space<vmem>> -> memref<1x80xi32, #tpu.memory_space<vmem>>
    %dma_start3A_156 = tpu.memref_squeeze %dma_start3A_155 : memref<1x80xi32, #tpu.memory_space<vmem>> -> memref<80xi32, #tpu.memory_space<vmem>>
    %dma_start3A_157 = arith.constant 0 : i32
    %dma_start3A_158 = arith.constant 0 : i32
    %dma_start3A_159 = tpu.memref_slice %arg17[%dma_start3A_157, %dma_start3A_158] : memref<10240x64xf32, #tpu.memory_space<vmem_shared>> -> memref<10240x64xf32, #tpu.memory_space<vmem_shared>>
    %dma_start3A_160 = tpu.memref_slice %arg14[%dma_start3A_149] : memref<5x!tpu.dma_semaphore, #tpu.memory_space<semaphore_mem>> -> memref<1x!tpu.dma_semaphore, #tpu.memory_space<semaphore_mem>>
    %dma_start3A_161 = tpu.memref_squeeze %dma_start3A_160 : memref<1x!tpu.dma_semaphore, #tpu.memory_space<semaphore_mem>> -> memref<!tpu.dma_semaphore, #tpu.memory_space<semaphore_mem>>
    tpu.enqueue_indirect_dma source(%dma_start3A_153 : memref<80x64xf32, #tpu.memory_space<vmem>>) target(%dma_start3A_159 : memref<10240x64xf32, #tpu.memory_space<vmem_shared>>) offsets(%dma_start3A_156 : memref<80xi32, #tpu.memory_space<vmem>>) semaphore(%dma_start3A_161 : memref<!tpu.dma_semaphore, #tpu.memory_space<semaphore_mem>>) {add = true}
    %eq3A = arith.constant 0 : i32
    %eq3A_162 = arith.cmpi eq, %arg0, %eq3A : i32
    %eq3A_163 = arith.constant false
    %eq3A_164 = arith.xori %eq3A_162, %eq3A_163 : i1
    %eq3A_165 = arith.constant true
    %eq3A_166 = arith.xori %eq3A_164, %eq3A_165 : i1
    %convert_element_type3A = arith.extui %eq3A_166 : i1 to i32
    %cond3A = arith.constant 0 : i32
    %cond3A_167 = arith.cmpi ne, %convert_element_type3A, %cond3A : i32
    scf.if %cond3A_167 {
      %dma_start3A_743 = arith.constant 245 : i32
      %dma_start3A_744 = arith.constant 0 : i32
      %dma_start3A_745 = tpu.memref_slice %arg7[%dma_start3A_743, %dma_start3A_744] : memref<250x80xi32, #tpu.memory_space<vmem>> -> memref<1x80xi32, #tpu.memory_space<vmem>>
      %dma_start3A_746 = tpu.memref_squeeze %dma_start3A_745 : memref<1x80xi32, #tpu.memory_space<vmem>> -> memref<80xi32, #tpu.memory_space<vmem>>
      %dma_start3A_747 = arith.constant 0 : i32
      %dma_start3A_748 = arith.constant 0 : i32
      %dma_start3A_749 = tpu.memref_slice %arg18[%dma_start3A_747, %dma_start3A_748] : memref<10240x16xf32, #tpu.memory_space<vmem_shared>> -> memref<10240x16xf32, #tpu.memory_space<vmem_shared>>
      tpu.enqueue_indirect_dma source(%arg9 : memref<80x16xf32, #tpu.memory_space<vmem>>) target(%dma_start3A_749 : memref<10240x16xf32, #tpu.memory_space<vmem_shared>>) offsets(%dma_start3A_746 : memref<80xi32, #tpu.memory_space<vmem>>) semaphore(%arg15 : memref<!tpu.dma_semaphore, #tpu.memory_space<semaphore_mem>>) {add = true}
    } else {
    }
    %dma_wait3A_168 = arith.constant 246 : i32
    %dma_wait3A_169 = arith.constant 1 : i32
    %dma_wait3A_170 = arith.constant 1 : i32
    %dma_wait3A_171 = arith.constant 0 : i32
    %dma_wait3A_172 = arith.constant 0 : i32
    %dma_wait3A_173 = tpu.memref_slice %arg8[%dma_wait3A_169, %dma_wait3A_171, %dma_wait3A_172] : memref<5x80x64xf32, #tpu.memory_space<vmem>> -> memref<1x80x64xf32, #tpu.memory_space<vmem>>
    %dma_wait3A_174 = tpu.memref_squeeze %dma_wait3A_173 : memref<1x80x64xf32, #tpu.memory_space<vmem>> -> memref<80x64xf32, #tpu.memory_space<vmem>>
    %dma_wait3A_175 = arith.constant 0 : i32
    %dma_wait3A_176 = tpu.memref_slice %arg6[%dma_wait3A_168, %dma_wait3A_175] : memref<250x80xi32, #tpu.memory_space<vmem>> -> memref<1x80xi32, #tpu.memory_space<vmem>>
    %dma_wait3A_177 = tpu.memref_squeeze %dma_wait3A_176 : memref<1x80xi32, #tpu.memory_space<vmem>> -> memref<80xi32, #tpu.memory_space<vmem>>
    %dma_wait3A_178 = arith.constant 0 : i32
    %dma_wait3A_179 = arith.constant 0 : i32
    %dma_wait3A_180 = tpu.memref_slice %arg2[%dma_wait3A_178, %dma_wait3A_179] : memref<20000x64xf32, #tpu.memory_space<hbm>> -> memref<20000x64xf32, #tpu.memory_space<hbm>>
    %dma_wait3A_181 = tpu.memref_slice %arg13[%dma_wait3A_170] : memref<5x!tpu.dma_semaphore, #tpu.memory_space<semaphore_mem>> -> memref<1x!tpu.dma_semaphore, #tpu.memory_space<semaphore_mem>>
    %dma_wait3A_182 = tpu.memref_squeeze %dma_wait3A_181 : memref<1x!tpu.dma_semaphore, #tpu.memory_space<semaphore_mem>> -> memref<!tpu.dma_semaphore, #tpu.memory_space<semaphore_mem>>
    tpu.wait_indirect_dma semaphore(%dma_wait3A_182 : memref<!tpu.dma_semaphore, #tpu.memory_space<semaphore_mem>>) src(%dma_wait3A_180 : memref<20000x64xf32, #tpu.memory_space<hbm>>) dst(%dma_wait3A_174 : memref<80x64xf32, #tpu.memory_space<vmem>>)
    %dma_start3A_183 = arith.constant 1 : i32
    %dma_start3A_184 = arith.constant 246 : i32
    %dma_start3A_185 = arith.constant 1 : i32
    %dma_start3A_186 = arith.constant 0 : i32
    %dma_start3A_187 = arith.constant 0 : i32
    %dma_start3A_188 = tpu.memref_slice %arg8[%dma_start3A_183, %dma_start3A_186, %dma_start3A_187] : memref<5x80x64xf32, #tpu.memory_space<vmem>> -> memref<1x80x64xf32, #tpu.memory_space<vmem>>
    %dma_start3A_189 = tpu.memref_squeeze %dma_start3A_188 : memref<1x80x64xf32, #tpu.memory_space<vmem>> -> memref<80x64xf32, #tpu.memory_space<vmem>>
    %dma_start3A_190 = arith.constant 0 : i32
    %dma_start3A_191 = tpu.memref_slice %arg7[%dma_start3A_184, %dma_start3A_190] : memref<250x80xi32, #tpu.memory_space<vmem>> -> memref<1x80xi32, #tpu.memory_space<vmem>>
    %dma_start3A_192 = tpu.memref_squeeze %dma_start3A_191 : memref<1x80xi32, #tpu.memory_space<vmem>> -> memref<80xi32, #tpu.memory_space<vmem>>
    %dma_start3A_193 = arith.constant 0 : i32
    %dma_start3A_194 = arith.constant 0 : i32
    %dma_start3A_195 = tpu.memref_slice %arg17[%dma_start3A_193, %dma_start3A_194] : memref<10240x64xf32, #tpu.memory_space<vmem_shared>> -> memref<10240x64xf32, #tpu.memory_space<vmem_shared>>
    %dma_start3A_196 = tpu.memref_slice %arg14[%dma_start3A_185] : memref<5x!tpu.dma_semaphore, #tpu.memory_space<semaphore_mem>> -> memref<1x!tpu.dma_semaphore, #tpu.memory_space<semaphore_mem>>
    %dma_start3A_197 = tpu.memref_squeeze %dma_start3A_196 : memref<1x!tpu.dma_semaphore, #tpu.memory_space<semaphore_mem>> -> memref<!tpu.dma_semaphore, #tpu.memory_space<semaphore_mem>>
    tpu.enqueue_indirect_dma source(%dma_start3A_189 : memref<80x64xf32, #tpu.memory_space<vmem>>) target(%dma_start3A_195 : memref<10240x64xf32, #tpu.memory_space<vmem_shared>>) offsets(%dma_start3A_192 : memref<80xi32, #tpu.memory_space<vmem>>) semaphore(%dma_start3A_197 : memref<!tpu.dma_semaphore, #tpu.memory_space<semaphore_mem>>) {add = true}
    %eq3A_198 = arith.constant 0 : i32
    %eq3A_199 = arith.cmpi eq, %arg0, %eq3A_198 : i32
    %eq3A_200 = arith.constant false
    %eq3A_201 = arith.xori %eq3A_199, %eq3A_200 : i1
    %eq3A_202 = arith.constant true
    %eq3A_203 = arith.xori %eq3A_201, %eq3A_202 : i1
    %convert_element_type3A_204 = arith.extui %eq3A_203 : i1 to i32
    %cond3A_205 = arith.constant 0 : i32
    %cond3A_206 = arith.cmpi ne, %convert_element_type3A_204, %cond3A_205 : i32
    scf.if %cond3A_206 {
      %dma_start3A_743 = arith.constant 246 : i32
      %dma_start3A_744 = arith.constant 0 : i32
      %dma_start3A_745 = tpu.memref_slice %arg7[%dma_start3A_743, %dma_start3A_744] : memref<250x80xi32, #tpu.memory_space<vmem>> -> memref<1x80xi32, #tpu.memory_space<vmem>>
      %dma_start3A_746 = tpu.memref_squeeze %dma_start3A_745 : memref<1x80xi32, #tpu.memory_space<vmem>> -> memref<80xi32, #tpu.memory_space<vmem>>
      %dma_start3A_747 = arith.constant 0 : i32
      %dma_start3A_748 = arith.constant 0 : i32
      %dma_start3A_749 = tpu.memref_slice %arg18[%dma_start3A_747, %dma_start3A_748] : memref<10240x16xf32, #tpu.memory_space<vmem_shared>> -> memref<10240x16xf32, #tpu.memory_space<vmem_shared>>
      tpu.enqueue_indirect_dma source(%arg9 : memref<80x16xf32, #tpu.memory_space<vmem>>) target(%dma_start3A_749 : memref<10240x16xf32, #tpu.memory_space<vmem_shared>>) offsets(%dma_start3A_746 : memref<80xi32, #tpu.memory_space<vmem>>) semaphore(%arg15 : memref<!tpu.dma_semaphore, #tpu.memory_space<semaphore_mem>>) {add = true}
    } else {
    }
    %dma_wait3A_207 = arith.constant 247 : i32
    %dma_wait3A_208 = arith.constant 2 : i32
    %dma_wait3A_209 = arith.constant 2 : i32
    %dma_wait3A_210 = arith.constant 0 : i32
    %dma_wait3A_211 = arith.constant 0 : i32
    %dma_wait3A_212 = tpu.memref_slice %arg8[%dma_wait3A_208, %dma_wait3A_210, %dma_wait3A_211] : memref<5x80x64xf32, #tpu.memory_space<vmem>> -> memref<1x80x64xf32, #tpu.memory_space<vmem>>
    %dma_wait3A_213 = tpu.memref_squeeze %dma_wait3A_212 : memref<1x80x64xf32, #tpu.memory_space<vmem>> -> memref<80x64xf32, #tpu.memory_space<vmem>>
    %dma_wait3A_214 = arith.constant 0 : i32
    %dma_wait3A_215 = tpu.memref_slice %arg6[%dma_wait3A_207, %dma_wait3A_214] : memref<250x80xi32, #tpu.memory_space<vmem>> -> memref<1x80xi32, #tpu.memory_space<vmem>>
    %dma_wait3A_216 = tpu.memref_squeeze %dma_wait3A_215 : memref<1x80xi32, #tpu.memory_space<vmem>> -> memref<80xi32, #tpu.memory_space<vmem>>
    %dma_wait3A_217 = arith.constant 0 : i32
    %dma_wait3A_218 = arith.constant 0 : i32
    %dma_wait3A_219 = tpu.memref_slice %arg2[%dma_wait3A_217, %dma_wait3A_218] : memref<20000x64xf32, #tpu.memory_space<hbm>> -> memref<20000x64xf32, #tpu.memory_space<hbm>>
    %dma_wait3A_220 = tpu.memref_slice %arg13[%dma_wait3A_209] : memref<5x!tpu.dma_semaphore, #tpu.memory_space<semaphore_mem>> -> memref<1x!tpu.dma_semaphore, #tpu.memory_space<semaphore_mem>>
    %dma_wait3A_221 = tpu.memref_squeeze %dma_wait3A_220 : memref<1x!tpu.dma_semaphore, #tpu.memory_space<semaphore_mem>> -> memref<!tpu.dma_semaphore, #tpu.memory_space<semaphore_mem>>
    tpu.wait_indirect_dma semaphore(%dma_wait3A_221 : memref<!tpu.dma_semaphore, #tpu.memory_space<semaphore_mem>>) src(%dma_wait3A_219 : memref<20000x64xf32, #tpu.memory_space<hbm>>) dst(%dma_wait3A_213 : memref<80x64xf32, #tpu.memory_space<vmem>>)
    %dma_start3A_222 = arith.constant 2 : i32
    %dma_start3A_223 = arith.constant 247 : i32
    %dma_start3A_224 = arith.constant 2 : i32
    %dma_start3A_225 = arith.constant 0 : i32
    %dma_start3A_226 = arith.constant 0 : i32
    %dma_start3A_227 = tpu.memref_slice %arg8[%dma_start3A_222, %dma_start3A_225, %dma_start3A_226] : memref<5x80x64xf32, #tpu.memory_space<vmem>> -> memref<1x80x64xf32, #tpu.memory_space<vmem>>
    %dma_start3A_228 = tpu.memref_squeeze %dma_start3A_227 : memref<1x80x64xf32, #tpu.memory_space<vmem>> -> memref<80x64xf32, #tpu.memory_space<vmem>>
    %dma_start3A_229 = arith.constant 0 : i32
    %dma_start3A_230 = tpu.memref_slice %arg7[%dma_start3A_223, %dma_start3A_229] : memref<250x80xi32, #tpu.memory_space<vmem>> -> memref<1x80xi32, #tpu.memory_space<vmem>>
    %dma_start3A_231 = tpu.memref_squeeze %dma_start3A_230 : memref<1x80xi32, #tpu.memory_space<vmem>> -> memref<80xi32, #tpu.memory_space<vmem>>
    %dma_start3A_232 = arith.constant 0 : i32
    %dma_start3A_233 = arith.constant 0 : i32
    %dma_start3A_234 = tpu.memref_slice %arg17[%dma_start3A_232, %dma_start3A_233] : memref<10240x64xf32, #tpu.memory_space<vmem_shared>> -> memref<10240x64xf32, #tpu.memory_space<vmem_shared>>
    %dma_start3A_235 = tpu.memref_slice %arg14[%dma_start3A_224] : memref<5x!tpu.dma_semaphore, #tpu.memory_space<semaphore_mem>> -> memref<1x!tpu.dma_semaphore, #tpu.memory_space<semaphore_mem>>
    %dma_start3A_236 = tpu.memref_squeeze %dma_start3A_235 : memref<1x!tpu.dma_semaphore, #tpu.memory_space<semaphore_mem>> -> memref<!tpu.dma_semaphore, #tpu.memory_space<semaphore_mem>>
    tpu.enqueue_indirect_dma source(%dma_start3A_228 : memref<80x64xf32, #tpu.memory_space<vmem>>) target(%dma_start3A_234 : memref<10240x64xf32, #tpu.memory_space<vmem_shared>>) offsets(%dma_start3A_231 : memref<80xi32, #tpu.memory_space<vmem>>) semaphore(%dma_start3A_236 : memref<!tpu.dma_semaphore, #tpu.memory_space<semaphore_mem>>) {add = true}
    %eq3A_237 = arith.constant 0 : i32
    %eq3A_238 = arith.cmpi eq, %arg0, %eq3A_237 : i32
    %eq3A_239 = arith.constant false
    %eq3A_240 = arith.xori %eq3A_238, %eq3A_239 : i1
    %eq3A_241 = arith.constant true
    %eq3A_242 = arith.xori %eq3A_240, %eq3A_241 : i1
    %convert_element_type3A_243 = arith.extui %eq3A_242 : i1 to i32
    %cond3A_244 = arith.constant 0 : i32
    %cond3A_245 = arith.cmpi ne, %convert_element_type3A_243, %cond3A_244 : i32
    scf.if %cond3A_245 {
      %dma_start3A_743 = arith.constant 247 : i32
      %dma_start3A_744 = arith.constant 0 : i32
      %dma_start3A_745 = tpu.memref_slice %arg7[%dma_start3A_743, %dma_start3A_744] : memref<250x80xi32, #tpu.memory_space<vmem>> -> memref<1x80xi32, #tpu.memory_space<vmem>>
      %dma_start3A_746 = tpu.memref_squeeze %dma_start3A_745 : memref<1x80xi32, #tpu.memory_space<vmem>> -> memref<80xi32, #tpu.memory_space<vmem>>
      %dma_start3A_747 = arith.constant 0 : i32
      %dma_start3A_748 = arith.constant 0 : i32
      %dma_start3A_749 = tpu.memref_slice %arg18[%dma_start3A_747, %dma_start3A_748] : memref<10240x16xf32, #tpu.memory_space<vmem_shared>> -> memref<10240x16xf32, #tpu.memory_space<vmem_shared>>
      tpu.enqueue_indirect_dma source(%arg9 : memref<80x16xf32, #tpu.memory_space<vmem>>) target(%dma_start3A_749 : memref<10240x16xf32, #tpu.memory_space<vmem_shared>>) offsets(%dma_start3A_746 : memref<80xi32, #tpu.memory_space<vmem>>) semaphore(%arg15 : memref<!tpu.dma_semaphore, #tpu.memory_space<semaphore_mem>>) {add = true}
    } else {
    }
    %dma_wait3A_246 = arith.constant 248 : i32
    %dma_wait3A_247 = arith.constant 3 : i32
    %dma_wait3A_248 = arith.constant 3 : i32
    %dma_wait3A_249 = arith.constant 0 : i32
    %dma_wait3A_250 = arith.constant 0 : i32
    %dma_wait3A_251 = tpu.memref_slice %arg8[%dma_wait3A_247, %dma_wait3A_249, %dma_wait3A_250] : memref<5x80x64xf32, #tpu.memory_space<vmem>> -> memref<1x80x64xf32, #tpu.memory_space<vmem>>
    %dma_wait3A_252 = tpu.memref_squeeze %dma_wait3A_251 : memref<1x80x64xf32, #tpu.memory_space<vmem>> -> memref<80x64xf32, #tpu.memory_space<vmem>>
    %dma_wait3A_253 = arith.constant 0 : i32
    %dma_wait3A_254 = tpu.memref_slice %arg6[%dma_wait3A_246, %dma_wait3A_253] : memref<250x80xi32, #tpu.memory_space<vmem>> -> memref<1x80xi32, #tpu.memory_space<vmem>>
    %dma_wait3A_255 = tpu.memref_squeeze %dma_wait3A_254 : memref<1x80xi32, #tpu.memory_space<vmem>> -> memref<80xi32, #tpu.memory_space<vmem>>
    %dma_wait3A_256 = arith.constant 0 : i32
    %dma_wait3A_257 = arith.constant 0 : i32
    %dma_wait3A_258 = tpu.memref_slice %arg2[%dma_wait3A_256, %dma_wait3A_257] : memref<20000x64xf32, #tpu.memory_space<hbm>> -> memref<20000x64xf32, #tpu.memory_space<hbm>>
    %dma_wait3A_259 = tpu.memref_slice %arg13[%dma_wait3A_248] : memref<5x!tpu.dma_semaphore, #tpu.memory_space<semaphore_mem>> -> memref<1x!tpu.dma_semaphore, #tpu.memory_space<semaphore_mem>>
    %dma_wait3A_260 = tpu.memref_squeeze %dma_wait3A_259 : memref<1x!tpu.dma_semaphore, #tpu.memory_space<semaphore_mem>> -> memref<!tpu.dma_semaphore, #tpu.memory_space<semaphore_mem>>
    tpu.wait_indirect_dma semaphore(%dma_wait3A_260 : memref<!tpu.dma_semaphore, #tpu.memory_space<semaphore_mem>>) src(%dma_wait3A_258 : memref<20000x64xf32, #tpu.memory_space<hbm>>) dst(%dma_wait3A_252 : memref<80x64xf32, #tpu.memory_space<vmem>>)
    %dma_start3A_261 = arith.constant 3 : i32
    %dma_start3A_262 = arith.constant 248 : i32
    %dma_start3A_263 = arith.constant 3 : i32
    %dma_start3A_264 = arith.constant 0 : i32
    %dma_start3A_265 = arith.constant 0 : i32
    %dma_start3A_266 = tpu.memref_slice %arg8[%dma_start3A_261, %dma_start3A_264, %dma_start3A_265] : memref<5x80x64xf32, #tpu.memory_space<vmem>> -> memref<1x80x64xf32, #tpu.memory_space<vmem>>
    %dma_start3A_267 = tpu.memref_squeeze %dma_start3A_266 : memref<1x80x64xf32, #tpu.memory_space<vmem>> -> memref<80x64xf32, #tpu.memory_space<vmem>>
    %dma_start3A_268 = arith.constant 0 : i32
    %dma_start3A_269 = tpu.memref_slice %arg7[%dma_start3A_262, %dma_start3A_268] : memref<250x80xi32, #tpu.memory_space<vmem>> -> memref<1x80xi32, #tpu.memory_space<vmem>>
    %dma_start3A_270 = tpu.memref_squeeze %dma_start3A_269 : memref<1x80xi32, #tpu.memory_space<vmem>> -> memref<80xi32, #tpu.memory_space<vmem>>
    %dma_start3A_271 = arith.constant 0 : i32
    %dma_start3A_272 = arith.constant 0 : i32
    %dma_start3A_273 = tpu.memref_slice %arg17[%dma_start3A_271, %dma_start3A_272] : memref<10240x64xf32, #tpu.memory_space<vmem_shared>> -> memref<10240x64xf32, #tpu.memory_space<vmem_shared>>
    %dma_start3A_274 = tpu.memref_slice %arg14[%dma_start3A_263] : memref<5x!tpu.dma_semaphore, #tpu.memory_space<semaphore_mem>> -> memref<1x!tpu.dma_semaphore, #tpu.memory_space<semaphore_mem>>
    %dma_start3A_275 = tpu.memref_squeeze %dma_start3A_274 : memref<1x!tpu.dma_semaphore, #tpu.memory_space<semaphore_mem>> -> memref<!tpu.dma_semaphore, #tpu.memory_space<semaphore_mem>>
    tpu.enqueue_indirect_dma source(%dma_start3A_267 : memref<80x64xf32, #tpu.memory_space<vmem>>) target(%dma_start3A_273 : memref<10240x64xf32, #tpu.memory_space<vmem_shared>>) offsets(%dma_start3A_270 : memref<80xi32, #tpu.memory_space<vmem>>) semaphore(%dma_start3A_275 : memref<!tpu.dma_semaphore, #tpu.memory_space<semaphore_mem>>) {add = true}
    %eq3A_276 = arith.constant 0 : i32
    %eq3A_277 = arith.cmpi eq, %arg0, %eq3A_276 : i32
    %eq3A_278 = arith.constant false
    %eq3A_279 = arith.xori %eq3A_277, %eq3A_278 : i1
    %eq3A_280 = arith.constant true
    %eq3A_281 = arith.xori %eq3A_279, %eq3A_280 : i1
    %convert_element_type3A_282 = arith.extui %eq3A_281 : i1 to i32
    %cond3A_283 = arith.constant 0 : i32
    %cond3A_284 = arith.cmpi ne, %convert_element_type3A_282, %cond3A_283 : i32
    scf.if %cond3A_284 {
      %dma_start3A_743 = arith.constant 248 : i32
      %dma_start3A_744 = arith.constant 0 : i32
      %dma_start3A_745 = tpu.memref_slice %arg7[%dma_start3A_743, %dma_start3A_744] : memref<250x80xi32, #tpu.memory_space<vmem>> -> memref<1x80xi32, #tpu.memory_space<vmem>>
      %dma_start3A_746 = tpu.memref_squeeze %dma_start3A_745 : memref<1x80xi32, #tpu.memory_space<vmem>> -> memref<80xi32, #tpu.memory_space<vmem>>
      %dma_start3A_747 = arith.constant 0 : i32
      %dma_start3A_748 = arith.constant 0 : i32
      %dma_start3A_749 = tpu.memref_slice %arg18[%dma_start3A_747, %dma_start3A_748] : memref<10240x16xf32, #tpu.memory_space<vmem_shared>> -> memref<10240x16xf32, #tpu.memory_space<vmem_shared>>
      tpu.enqueue_indirect_dma source(%arg9 : memref<80x16xf32, #tpu.memory_space<vmem>>) target(%dma_start3A_749 : memref<10240x16xf32, #tpu.memory_space<vmem_shared>>) offsets(%dma_start3A_746 : memref<80xi32, #tpu.memory_space<vmem>>) semaphore(%arg15 : memref<!tpu.dma_semaphore, #tpu.memory_space<semaphore_mem>>) {add = true}
    } else {
    }
    %dma_wait3A_285 = arith.constant 249 : i32
    %dma_wait3A_286 = arith.constant 4 : i32
    %dma_wait3A_287 = arith.constant 4 : i32
    %dma_wait3A_288 = arith.constant 0 : i32
    %dma_wait3A_289 = arith.constant 0 : i32
    %dma_wait3A_290 = tpu.memref_slice %arg8[%dma_wait3A_286, %dma_wait3A_288, %dma_wait3A_289] : memref<5x80x64xf32, #tpu.memory_space<vmem>> -> memref<1x80x64xf32, #tpu.memory_space<vmem>>
    %dma_wait3A_291 = tpu.memref_squeeze %dma_wait3A_290 : memref<1x80x64xf32, #tpu.memory_space<vmem>> -> memref<80x64xf32, #tpu.memory_space<vmem>>
    %dma_wait3A_292 = arith.constant 0 : i32
    %dma_wait3A_293 = tpu.memref_slice %arg6[%dma_wait3A_285, %dma_wait3A_292] : memref<250x80xi32, #tpu.memory_space<vmem>> -> memref<1x80xi32, #tpu.memory_space<vmem>>
    %dma_wait3A_294 = tpu.memref_squeeze %dma_wait3A_293 : memref<1x80xi32, #tpu.memory_space<vmem>> -> memref<80xi32, #tpu.memory_space<vmem>>
    %dma_wait3A_295 = arith.constant 0 : i32
    %dma_wait3A_296 = arith.constant 0 : i32
    %dma_wait3A_297 = tpu.memref_slice %arg2[%dma_wait3A_295, %dma_wait3A_296] : memref<20000x64xf32, #tpu.memory_space<hbm>> -> memref<20000x64xf32, #tpu.memory_space<hbm>>
    %dma_wait3A_298 = tpu.memref_slice %arg13[%dma_wait3A_287] : memref<5x!tpu.dma_semaphore, #tpu.memory_space<semaphore_mem>> -> memref<1x!tpu.dma_semaphore, #tpu.memory_space<semaphore_mem>>
    %dma_wait3A_299 = tpu.memref_squeeze %dma_wait3A_298 : memref<1x!tpu.dma_semaphore, #tpu.memory_space<semaphore_mem>> -> memref<!tpu.dma_semaphore, #tpu.memory_space<semaphore_mem>>
    tpu.wait_indirect_dma semaphore(%dma_wait3A_299 : memref<!tpu.dma_semaphore, #tpu.memory_space<semaphore_mem>>) src(%dma_wait3A_297 : memref<20000x64xf32, #tpu.memory_space<hbm>>) dst(%dma_wait3A_291 : memref<80x64xf32, #tpu.memory_space<vmem>>)
    %dma_start3A_300 = arith.constant 4 : i32
    %dma_start3A_301 = arith.constant 249 : i32
    %dma_start3A_302 = arith.constant 4 : i32
    %dma_start3A_303 = arith.constant 0 : i32
    %dma_start3A_304 = arith.constant 0 : i32
    %dma_start3A_305 = tpu.memref_slice %arg8[%dma_start3A_300, %dma_start3A_303, %dma_start3A_304] : memref<5x80x64xf32, #tpu.memory_space<vmem>> -> memref<1x80x64xf32, #tpu.memory_space<vmem>>
    %dma_start3A_306 = tpu.memref_squeeze %dma_start3A_305 : memref<1x80x64xf32, #tpu.memory_space<vmem>> -> memref<80x64xf32, #tpu.memory_space<vmem>>
    %dma_start3A_307 = arith.constant 0 : i32
    %dma_start3A_308 = tpu.memref_slice %arg7[%dma_start3A_301, %dma_start3A_307] : memref<250x80xi32, #tpu.memory_space<vmem>> -> memref<1x80xi32, #tpu.memory_space<vmem>>
    %dma_start3A_309 = tpu.memref_squeeze %dma_start3A_308 : memref<1x80xi32, #tpu.memory_space<vmem>> -> memref<80xi32, #tpu.memory_space<vmem>>
    %dma_start3A_310 = arith.constant 0 : i32
    %dma_start3A_311 = arith.constant 0 : i32
    %dma_start3A_312 = tpu.memref_slice %arg17[%dma_start3A_310, %dma_start3A_311] : memref<10240x64xf32, #tpu.memory_space<vmem_shared>> -> memref<10240x64xf32, #tpu.memory_space<vmem_shared>>
    %dma_start3A_313 = tpu.memref_slice %arg14[%dma_start3A_302] : memref<5x!tpu.dma_semaphore, #tpu.memory_space<semaphore_mem>> -> memref<1x!tpu.dma_semaphore, #tpu.memory_space<semaphore_mem>>
    %dma_start3A_314 = tpu.memref_squeeze %dma_start3A_313 : memref<1x!tpu.dma_semaphore, #tpu.memory_space<semaphore_mem>> -> memref<!tpu.dma_semaphore, #tpu.memory_space<semaphore_mem>>
    tpu.enqueue_indirect_dma source(%dma_start3A_306 : memref<80x64xf32, #tpu.memory_space<vmem>>) target(%dma_start3A_312 : memref<10240x64xf32, #tpu.memory_space<vmem_shared>>) offsets(%dma_start3A_309 : memref<80xi32, #tpu.memory_space<vmem>>) semaphore(%dma_start3A_314 : memref<!tpu.dma_semaphore, #tpu.memory_space<semaphore_mem>>) {add = true}
    %eq3A_315 = arith.constant 0 : i32
    %eq3A_316 = arith.cmpi eq, %arg0, %eq3A_315 : i32
    %eq3A_317 = arith.constant false
    %eq3A_318 = arith.xori %eq3A_316, %eq3A_317 : i1
    %eq3A_319 = arith.constant true
    %eq3A_320 = arith.xori %eq3A_318, %eq3A_319 : i1
    %convert_element_type3A_321 = arith.extui %eq3A_320 : i1 to i32
    %cond3A_322 = arith.constant 0 : i32
    %cond3A_323 = arith.cmpi ne, %convert_element_type3A_321, %cond3A_322 : i32
    scf.if %cond3A_323 {
      %dma_start3A_743 = arith.constant 249 : i32
      %dma_start3A_744 = arith.constant 0 : i32
      %dma_start3A_745 = tpu.memref_slice %arg7[%dma_start3A_743, %dma_start3A_744] : memref<250x80xi32, #tpu.memory_space<vmem>> -> memref<1x80xi32, #tpu.memory_space<vmem>>
      %dma_start3A_746 = tpu.memref_squeeze %dma_start3A_745 : memref<1x80xi32, #tpu.memory_space<vmem>> -> memref<80xi32, #tpu.memory_space<vmem>>
      %dma_start3A_747 = arith.constant 0 : i32
      %dma_start3A_748 = arith.constant 0 : i32
      %dma_start3A_749 = tpu.memref_slice %arg18[%dma_start3A_747, %dma_start3A_748] : memref<10240x16xf32, #tpu.memory_space<vmem_shared>> -> memref<10240x16xf32, #tpu.memory_space<vmem_shared>>
      tpu.enqueue_indirect_dma source(%arg9 : memref<80x16xf32, #tpu.memory_space<vmem>>) target(%dma_start3A_749 : memref<10240x16xf32, #tpu.memory_space<vmem_shared>>) offsets(%dma_start3A_746 : memref<80xi32, #tpu.memory_space<vmem>>) semaphore(%arg15 : memref<!tpu.dma_semaphore, #tpu.memory_space<semaphore_mem>>) {add = true}
    } else {
    }
    %dma_wait3A_324 = arith.constant 0 : i32
    %dma_wait3A_325 = arith.constant 245 : i32
    %dma_wait3A_326 = arith.constant 0 : i32
    %dma_wait3A_327 = arith.constant 0 : i32
    %dma_wait3A_328 = arith.constant 0 : i32
    %dma_wait3A_329 = tpu.memref_slice %arg8[%dma_wait3A_324, %dma_wait3A_327, %dma_wait3A_328] : memref<5x80x64xf32, #tpu.memory_space<vmem>> -> memref<1x80x64xf32, #tpu.memory_space<vmem>>
    %dma_wait3A_330 = tpu.memref_squeeze %dma_wait3A_329 : memref<1x80x64xf32, #tpu.memory_space<vmem>> -> memref<80x64xf32, #tpu.memory_space<vmem>>
    %dma_wait3A_331 = arith.constant 0 : i32
    %dma_wait3A_332 = tpu.memref_slice %arg7[%dma_wait3A_325, %dma_wait3A_331] : memref<250x80xi32, #tpu.memory_space<vmem>> -> memref<1x80xi32, #tpu.memory_space<vmem>>
    %dma_wait3A_333 = tpu.memref_squeeze %dma_wait3A_332 : memref<1x80xi32, #tpu.memory_space<vmem>> -> memref<80xi32, #tpu.memory_space<vmem>>
    %dma_wait3A_334 = arith.constant 0 : i32
    %dma_wait3A_335 = arith.constant 0 : i32
    %dma_wait3A_336 = tpu.memref_slice %arg17[%dma_wait3A_334, %dma_wait3A_335] : memref<10240x64xf32, #tpu.memory_space<vmem_shared>> -> memref<10240x64xf32, #tpu.memory_space<vmem_shared>>
    %dma_wait3A_337 = tpu.memref_slice %arg14[%dma_wait3A_326] : memref<5x!tpu.dma_semaphore, #tpu.memory_space<semaphore_mem>> -> memref<1x!tpu.dma_semaphore, #tpu.memory_space<semaphore_mem>>
    %dma_wait3A_338 = tpu.memref_squeeze %dma_wait3A_337 : memref<1x!tpu.dma_semaphore, #tpu.memory_space<semaphore_mem>> -> memref<!tpu.dma_semaphore, #tpu.memory_space<semaphore_mem>>
    tpu.wait_indirect_dma semaphore(%dma_wait3A_338 : memref<!tpu.dma_semaphore, #tpu.memory_space<semaphore_mem>>) src(%dma_wait3A_330 : memref<80x64xf32, #tpu.memory_space<vmem>>) dst(%dma_wait3A_336 : memref<10240x64xf32, #tpu.memory_space<vmem_shared>>)
    %dma_wait3A_339 = arith.constant 1 : i32
    %dma_wait3A_340 = arith.constant 246 : i32
    %dma_wait3A_341 = arith.constant 1 : i32
    %dma_wait3A_342 = arith.constant 0 : i32
    %dma_wait3A_343 = arith.constant 0 : i32
    %dma_wait3A_344 = tpu.memref_slice %arg8[%dma_wait3A_339, %dma_wait3A_342, %dma_wait3A_343] : memref<5x80x64xf32, #tpu.memory_space<vmem>> -> memref<1x80x64xf32, #tpu.memory_space<vmem>>
    %dma_wait3A_345 = tpu.memref_squeeze %dma_wait3A_344 : memref<1x80x64xf32, #tpu.memory_space<vmem>> -> memref<80x64xf32, #tpu.memory_space<vmem>>
    %dma_wait3A_346 = arith.constant 0 : i32
    %dma_wait3A_347 = tpu.memref_slice %arg7[%dma_wait3A_340, %dma_wait3A_346] : memref<250x80xi32, #tpu.memory_space<vmem>> -> memref<1x80xi32, #tpu.memory_space<vmem>>
    %dma_wait3A_348 = tpu.memref_squeeze %dma_wait3A_347 : memref<1x80xi32, #tpu.memory_space<vmem>> -> memref<80xi32, #tpu.memory_space<vmem>>
    %dma_wait3A_349 = arith.constant 0 : i32
    %dma_wait3A_350 = arith.constant 0 : i32
    %dma_wait3A_351 = tpu.memref_slice %arg17[%dma_wait3A_349, %dma_wait3A_350] : memref<10240x64xf32, #tpu.memory_space<vmem_shared>> -> memref<10240x64xf32, #tpu.memory_space<vmem_shared>>
    %dma_wait3A_352 = tpu.memref_slice %arg14[%dma_wait3A_341] : memref<5x!tpu.dma_semaphore, #tpu.memory_space<semaphore_mem>> -> memref<1x!tpu.dma_semaphore, #tpu.memory_space<semaphore_mem>>
    %dma_wait3A_353 = tpu.memref_squeeze %dma_wait3A_352 : memref<1x!tpu.dma_semaphore, #tpu.memory_space<semaphore_mem>> -> memref<!tpu.dma_semaphore, #tpu.memory_space<semaphore_mem>>
    tpu.wait_indirect_dma semaphore(%dma_wait3A_353 : memref<!tpu.dma_semaphore, #tpu.memory_space<semaphore_mem>>) src(%dma_wait3A_345 : memref<80x64xf32, #tpu.memory_space<vmem>>) dst(%dma_wait3A_351 : memref<10240x64xf32, #tpu.memory_space<vmem_shared>>)
    %dma_wait3A_354 = arith.constant 2 : i32
    %dma_wait3A_355 = arith.constant 247 : i32
    %dma_wait3A_356 = arith.constant 2 : i32
    %dma_wait3A_357 = arith.constant 0 : i32
    %dma_wait3A_358 = arith.constant 0 : i32
    %dma_wait3A_359 = tpu.memref_slice %arg8[%dma_wait3A_354, %dma_wait3A_357, %dma_wait3A_358] : memref<5x80x64xf32, #tpu.memory_space<vmem>> -> memref<1x80x64xf32, #tpu.memory_space<vmem>>
    %dma_wait3A_360 = tpu.memref_squeeze %dma_wait3A_359 : memref<1x80x64xf32, #tpu.memory_space<vmem>> -> memref<80x64xf32, #tpu.memory_space<vmem>>
    %dma_wait3A_361 = arith.constant 0 : i32
    %dma_wait3A_362 = tpu.memref_slice %arg7[%dma_wait3A_355, %dma_wait3A_361] : memref<250x80xi32, #tpu.memory_space<vmem>> -> memref<1x80xi32, #tpu.memory_space<vmem>>
    %dma_wait3A_363 = tpu.memref_squeeze %dma_wait3A_362 : memref<1x80xi32, #tpu.memory_space<vmem>> -> memref<80xi32, #tpu.memory_space<vmem>>
    %dma_wait3A_364 = arith.constant 0 : i32
    %dma_wait3A_365 = arith.constant 0 : i32
    %dma_wait3A_366 = tpu.memref_slice %arg17[%dma_wait3A_364, %dma_wait3A_365] : memref<10240x64xf32, #tpu.memory_space<vmem_shared>> -> memref<10240x64xf32, #tpu.memory_space<vmem_shared>>
    %dma_wait3A_367 = tpu.memref_slice %arg14[%dma_wait3A_356] : memref<5x!tpu.dma_semaphore, #tpu.memory_space<semaphore_mem>> -> memref<1x!tpu.dma_semaphore, #tpu.memory_space<semaphore_mem>>
    %dma_wait3A_368 = tpu.memref_squeeze %dma_wait3A_367 : memref<1x!tpu.dma_semaphore, #tpu.memory_space<semaphore_mem>> -> memref<!tpu.dma_semaphore, #tpu.memory_space<semaphore_mem>>
    tpu.wait_indirect_dma semaphore(%dma_wait3A_368 : memref<!tpu.dma_semaphore, #tpu.memory_space<semaphore_mem>>) src(%dma_wait3A_360 : memref<80x64xf32, #tpu.memory_space<vmem>>) dst(%dma_wait3A_366 : memref<10240x64xf32, #tpu.memory_space<vmem_shared>>)
    %dma_wait3A_369 = arith.constant 3 : i32
    %dma_wait3A_370 = arith.constant 248 : i32
    %dma_wait3A_371 = arith.constant 3 : i32
    %dma_wait3A_372 = arith.constant 0 : i32
    %dma_wait3A_373 = arith.constant 0 : i32
    %dma_wait3A_374 = tpu.memref_slice %arg8[%dma_wait3A_369, %dma_wait3A_372, %dma_wait3A_373] : memref<5x80x64xf32, #tpu.memory_space<vmem>> -> memref<1x80x64xf32, #tpu.memory_space<vmem>>
    %dma_wait3A_375 = tpu.memref_squeeze %dma_wait3A_374 : memref<1x80x64xf32, #tpu.memory_space<vmem>> -> memref<80x64xf32, #tpu.memory_space<vmem>>
    %dma_wait3A_376 = arith.constant 0 : i32
    %dma_wait3A_377 = tpu.memref_slice %arg7[%dma_wait3A_370, %dma_wait3A_376] : memref<250x80xi32, #tpu.memory_space<vmem>> -> memref<1x80xi32, #tpu.memory_space<vmem>>
    %dma_wait3A_378 = tpu.memref_squeeze %dma_wait3A_377 : memref<1x80xi32, #tpu.memory_space<vmem>> -> memref<80xi32, #tpu.memory_space<vmem>>
    %dma_wait3A_379 = arith.constant 0 : i32
    %dma_wait3A_380 = arith.constant 0 : i32
    %dma_wait3A_381 = tpu.memref_slice %arg17[%dma_wait3A_379, %dma_wait3A_380] : memref<10240x64xf32, #tpu.memory_space<vmem_shared>> -> memref<10240x64xf32, #tpu.memory_space<vmem_shared>>
    %dma_wait3A_382 = tpu.memref_slice %arg14[%dma_wait3A_371] : memref<5x!tpu.dma_semaphore, #tpu.memory_space<semaphore_mem>> -> memref<1x!tpu.dma_semaphore, #tpu.memory_space<semaphore_mem>>
    %dma_wait3A_383 = tpu.memref_squeeze %dma_wait3A_382 : memref<1x!tpu.dma_semaphore, #tpu.memory_space<semaphore_mem>> -> memref<!tpu.dma_semaphore, #tpu.memory_space<semaphore_mem>>
    tpu.wait_indirect_dma semaphore(%dma_wait3A_383 : memref<!tpu.dma_semaphore, #tpu.memory_space<semaphore_mem>>) src(%dma_wait3A_375 : memref<80x64xf32, #tpu.memory_space<vmem>>) dst(%dma_wait3A_381 : memref<10240x64xf32, #tpu.memory_space<vmem_shared>>)
    %dma_wait3A_384 = arith.constant 4 : i32
    %dma_wait3A_385 = arith.constant 249 : i32
    %dma_wait3A_386 = arith.constant 4 : i32
    %dma_wait3A_387 = arith.constant 0 : i32
    %dma_wait3A_388 = arith.constant 0 : i32
    %dma_wait3A_389 = tpu.memref_slice %arg8[%dma_wait3A_384, %dma_wait3A_387, %dma_wait3A_388] : memref<5x80x64xf32, #tpu.memory_space<vmem>> -> memref<1x80x64xf32, #tpu.memory_space<vmem>>
    %dma_wait3A_390 = tpu.memref_squeeze %dma_wait3A_389 : memref<1x80x64xf32, #tpu.memory_space<vmem>> -> memref<80x64xf32, #tpu.memory_space<vmem>>
    %dma_wait3A_391 = arith.constant 0 : i32
    %dma_wait3A_392 = tpu.memref_slice %arg7[%dma_wait3A_385, %dma_wait3A_391] : memref<250x80xi32, #tpu.memory_space<vmem>> -> memref<1x80xi32, #tpu.memory_space<vmem>>
    %dma_wait3A_393 = tpu.memref_squeeze %dma_wait3A_392 : memref<1x80xi32, #tpu.memory_space<vmem>> -> memref<80xi32, #tpu.memory_space<vmem>>
    %dma_wait3A_394 = arith.constant 0 : i32
    %dma_wait3A_395 = arith.constant 0 : i32
    %dma_wait3A_396 = tpu.memref_slice %arg17[%dma_wait3A_394, %dma_wait3A_395] : memref<10240x64xf32, #tpu.memory_space<vmem_shared>> -> memref<10240x64xf32, #tpu.memory_space<vmem_shared>>
    %dma_wait3A_397 = tpu.memref_slice %arg14[%dma_wait3A_386] : memref<5x!tpu.dma_semaphore, #tpu.memory_space<semaphore_mem>> -> memref<1x!tpu.dma_semaphore, #tpu.memory_space<semaphore_mem>>
    %dma_wait3A_398 = tpu.memref_squeeze %dma_wait3A_397 : memref<1x!tpu.dma_semaphore, #tpu.memory_space<semaphore_mem>> -> memref<!tpu.dma_semaphore, #tpu.memory_space<semaphore_mem>>
    tpu.wait_indirect_dma semaphore(%dma_wait3A_398 : memref<!tpu.dma_semaphore, #tpu.memory_space<semaphore_mem>>) src(%dma_wait3A_390 : memref<80x64xf32, #tpu.memory_space<vmem>>) dst(%dma_wait3A_396 : memref<10240x64xf32, #tpu.memory_space<vmem_shared>>)
    %scan3A_399 = arith.constant 0 : i32
    %scan3A_400 = arith.constant 0 : i32
    %scan3A_401 = arith.constant 125 : i32
    %scan3A_402 = arith.addi %scan3A_400, %scan3A_401 : i32
    %scan3A_403 = arith.constant 1 : i32
    scf.for %scan3A_743 = %scan3A_400 to %scan3A_402 step %scan3A_403  : i32 {
      %mul3A_744 = arith.constant 125 : i32
      %mul3A_745 = arith.muli %arg0, %mul3A_744 : i32
      %add3A_746 = arith.addi %scan3A_743, %mul3A_745 : i32
      %dma_wait3A_747 = arith.constant 0 : i32
      %dma_wait3A_748 = tpu.memref_slice %arg7[%add3A_746, %dma_wait3A_747] : memref<250x80xi32, #tpu.memory_space<vmem>> -> memref<1x80xi32, #tpu.memory_space<vmem>>
      %dma_wait3A_749 = tpu.memref_squeeze %dma_wait3A_748 : memref<1x80xi32, #tpu.memory_space<vmem>> -> memref<80xi32, #tpu.memory_space<vmem>>
      %dma_wait3A_750 = arith.constant 0 : i32
      %dma_wait3A_751 = arith.constant 0 : i32
      %dma_wait3A_752 = tpu.memref_slice %arg18[%dma_wait3A_750, %dma_wait3A_751] : memref<10240x16xf32, #tpu.memory_space<vmem_shared>> -> memref<10240x16xf32, #tpu.memory_space<vmem_shared>>
      tpu.wait_indirect_dma semaphore(%arg15 : memref<!tpu.dma_semaphore, #tpu.memory_space<semaphore_mem>>) src(%arg9 : memref<80x16xf32, #tpu.memory_space<vmem>>) dst(%dma_wait3A_752 : memref<10240x16xf32, #tpu.memory_space<vmem_shared>>)
    }
    %scan3A_404 = arith.constant 125 : i32
    %barrier3A_405 = arith.constant 0 : index
    tpu.barrier barrier_id(%barrier3A_405)
    %add3A_406 = arith.constant 0 : i32
    %add3A_407 = arith.addi %mul3A_2, %add3A_406 : i32
    %dma_start3A_408 = arith.constant 0 : i32
    %dma_start3A_409 = arith.constant 0 : i32
    %dma_start3A_410 = arith.constant 0 : i32
    %dma_start3A_411 = arith.constant 0 : i32
    %dma_start3A_412 = tpu.memref_slice %arg8[%dma_start3A_408, %dma_start3A_410, %dma_start3A_411] : memref<5x80x64xf32, #tpu.memory_space<vmem>> -> memref<1x80x64xf32, #tpu.memory_space<vmem>>
    %dma_start3A_413 = tpu.memref_squeeze %dma_start3A_412 : memref<1x80x64xf32, #tpu.memory_space<vmem>> -> memref<80x64xf32, #tpu.memory_space<vmem>>
    %dma_start3A_414 = arith.constant 0 : i32
    %dma_start3A_415 = tpu.memref_slice %arg17[%add3A_407, %dma_start3A_414] : memref<10240x64xf32, #tpu.memory_space<vmem_shared>> -> memref<80x64xf32, #tpu.memory_space<vmem_shared>>
    %dma_start3A_416 = tpu.memref_slice %arg13[%dma_start3A_409] : memref<5x!tpu.dma_semaphore, #tpu.memory_space<semaphore_mem>> -> memref<1x!tpu.dma_semaphore, #tpu.memory_space<semaphore_mem>>
    %dma_start3A_417 = tpu.memref_squeeze %dma_start3A_416 : memref<1x!tpu.dma_semaphore, #tpu.memory_space<semaphore_mem>> -> memref<!tpu.dma_semaphore, #tpu.memory_space<semaphore_mem>>
    %dma_start3A_418 = arith.constant 0 : i32
    %dma_start3A_419 = arith.constant 0 : i32
    %dma_start3A_420 = tpu.memref_slice %arg8[%dma_start3A_408, %dma_start3A_418, %dma_start3A_419] : memref<5x80x64xf32, #tpu.memory_space<vmem>> -> memref<1x80x64xf32, #tpu.memory_space<vmem>>
    %dma_start3A_421 = tpu.memref_squeeze %dma_start3A_420 : memref<1x80x64xf32, #tpu.memory_space<vmem>> -> memref<80x64xf32, #tpu.memory_space<vmem>>
    %dma_start3A_422 = arith.constant 0 : i32
    %dma_start3A_423 = tpu.memref_slice %arg17[%add3A_407, %dma_start3A_422] : memref<10240x64xf32, #tpu.memory_space<vmem_shared>> -> memref<80x64xf32, #tpu.memory_space<vmem_shared>>
    tpu.enqueue_dma source(%dma_start3A_423 : memref<80x64xf32, #tpu.memory_space<vmem_shared>>) target(%dma_start3A_421 : memref<80x64xf32, #tpu.memory_space<vmem>>) target_semaphore(%dma_start3A_417 : memref<!tpu.dma_semaphore, #tpu.memory_space<semaphore_mem>>)
    %add3A_424 = arith.constant 80 : i32
    %add3A_425 = arith.addi %mul3A_2, %add3A_424 : i32
    %dma_start3A_426 = arith.constant 1 : i32
    %dma_start3A_427 = arith.constant 1 : i32
    %dma_start3A_428 = arith.constant 0 : i32
    %dma_start3A_429 = arith.constant 0 : i32
    %dma_start3A_430 = tpu.memref_slice %arg8[%dma_start3A_426, %dma_start3A_428, %dma_start3A_429] : memref<5x80x64xf32, #tpu.memory_space<vmem>> -> memref<1x80x64xf32, #tpu.memory_space<vmem>>
    %dma_start3A_431 = tpu.memref_squeeze %dma_start3A_430 : memref<1x80x64xf32, #tpu.memory_space<vmem>> -> memref<80x64xf32, #tpu.memory_space<vmem>>
    %dma_start3A_432 = arith.constant 0 : i32
    %dma_start3A_433 = tpu.memref_slice %arg17[%add3A_425, %dma_start3A_432] : memref<10240x64xf32, #tpu.memory_space<vmem_shared>> -> memref<80x64xf32, #tpu.memory_space<vmem_shared>>
    %dma_start3A_434 = tpu.memref_slice %arg13[%dma_start3A_427] : memref<5x!tpu.dma_semaphore, #tpu.memory_space<semaphore_mem>> -> memref<1x!tpu.dma_semaphore, #tpu.memory_space<semaphore_mem>>
    %dma_start3A_435 = tpu.memref_squeeze %dma_start3A_434 : memref<1x!tpu.dma_semaphore, #tpu.memory_space<semaphore_mem>> -> memref<!tpu.dma_semaphore, #tpu.memory_space<semaphore_mem>>
    %dma_start3A_436 = arith.constant 0 : i32
    %dma_start3A_437 = arith.constant 0 : i32
    %dma_start3A_438 = tpu.memref_slice %arg8[%dma_start3A_426, %dma_start3A_436, %dma_start3A_437] : memref<5x80x64xf32, #tpu.memory_space<vmem>> -> memref<1x80x64xf32, #tpu.memory_space<vmem>>
    %dma_start3A_439 = tpu.memref_squeeze %dma_start3A_438 : memref<1x80x64xf32, #tpu.memory_space<vmem>> -> memref<80x64xf32, #tpu.memory_space<vmem>>
    %dma_start3A_440 = arith.constant 0 : i32
    %dma_start3A_441 = tpu.memref_slice %arg17[%add3A_425, %dma_start3A_440] : memref<10240x64xf32, #tpu.memory_space<vmem_shared>> -> memref<80x64xf32, #tpu.memory_space<vmem_shared>>
    tpu.enqueue_dma source(%dma_start3A_441 : memref<80x64xf32, #tpu.memory_space<vmem_shared>>) target(%dma_start3A_439 : memref<80x64xf32, #tpu.memory_space<vmem>>) target_semaphore(%dma_start3A_435 : memref<!tpu.dma_semaphore, #tpu.memory_space<semaphore_mem>>)
    %add3A_442 = arith.constant 160 : i32
    %add3A_443 = arith.addi %mul3A_2, %add3A_442 : i32
    %dma_start3A_444 = arith.constant 2 : i32
    %dma_start3A_445 = arith.constant 2 : i32
    %dma_start3A_446 = arith.constant 0 : i32
    %dma_start3A_447 = arith.constant 0 : i32
    %dma_start3A_448 = tpu.memref_slice %arg8[%dma_start3A_444, %dma_start3A_446, %dma_start3A_447] : memref<5x80x64xf32, #tpu.memory_space<vmem>> -> memref<1x80x64xf32, #tpu.memory_space<vmem>>
    %dma_start3A_449 = tpu.memref_squeeze %dma_start3A_448 : memref<1x80x64xf32, #tpu.memory_space<vmem>> -> memref<80x64xf32, #tpu.memory_space<vmem>>
    %dma_start3A_450 = arith.constant 0 : i32
    %dma_start3A_451 = tpu.memref_slice %arg17[%add3A_443, %dma_start3A_450] : memref<10240x64xf32, #tpu.memory_space<vmem_shared>> -> memref<80x64xf32, #tpu.memory_space<vmem_shared>>
    %dma_start3A_452 = tpu.memref_slice %arg13[%dma_start3A_445] : memref<5x!tpu.dma_semaphore, #tpu.memory_space<semaphore_mem>> -> memref<1x!tpu.dma_semaphore, #tpu.memory_space<semaphore_mem>>
    %dma_start3A_453 = tpu.memref_squeeze %dma_start3A_452 : memref<1x!tpu.dma_semaphore, #tpu.memory_space<semaphore_mem>> -> memref<!tpu.dma_semaphore, #tpu.memory_space<semaphore_mem>>
    %dma_start3A_454 = arith.constant 0 : i32
    %dma_start3A_455 = arith.constant 0 : i32
    %dma_start3A_456 = tpu.memref_slice %arg8[%dma_start3A_444, %dma_start3A_454, %dma_start3A_455] : memref<5x80x64xf32, #tpu.memory_space<vmem>> -> memref<1x80x64xf32, #tpu.memory_space<vmem>>
    %dma_start3A_457 = tpu.memref_squeeze %dma_start3A_456 : memref<1x80x64xf32, #tpu.memory_space<vmem>> -> memref<80x64xf32, #tpu.memory_space<vmem>>
    %dma_start3A_458 = arith.constant 0 : i32
    %dma_start3A_459 = tpu.memref_slice %arg17[%add3A_443, %dma_start3A_458] : memref<10240x64xf32, #tpu.memory_space<vmem_shared>> -> memref<80x64xf32, #tpu.memory_space<vmem_shared>>
    tpu.enqueue_dma source(%dma_start3A_459 : memref<80x64xf32, #tpu.memory_space<vmem_shared>>) target(%dma_start3A_457 : memref<80x64xf32, #tpu.memory_space<vmem>>) target_semaphore(%dma_start3A_453 : memref<!tpu.dma_semaphore, #tpu.memory_space<semaphore_mem>>)
    %add3A_460 = arith.constant 240 : i32
    %add3A_461 = arith.addi %mul3A_2, %add3A_460 : i32
    %dma_start3A_462 = arith.constant 3 : i32
    %dma_start3A_463 = arith.constant 3 : i32
    %dma_start3A_464 = arith.constant 0 : i32
    %dma_start3A_465 = arith.constant 0 : i32
    %dma_start3A_466 = tpu.memref_slice %arg8[%dma_start3A_462, %dma_start3A_464, %dma_start3A_465] : memref<5x80x64xf32, #tpu.memory_space<vmem>> -> memref<1x80x64xf32, #tpu.memory_space<vmem>>
    %dma_start3A_467 = tpu.memref_squeeze %dma_start3A_466 : memref<1x80x64xf32, #tpu.memory_space<vmem>> -> memref<80x64xf32, #tpu.memory_space<vmem>>
    %dma_start3A_468 = arith.constant 0 : i32
    %dma_start3A_469 = tpu.memref_slice %arg17[%add3A_461, %dma_start3A_468] : memref<10240x64xf32, #tpu.memory_space<vmem_shared>> -> memref<80x64xf32, #tpu.memory_space<vmem_shared>>
    %dma_start3A_470 = tpu.memref_slice %arg13[%dma_start3A_463] : memref<5x!tpu.dma_semaphore, #tpu.memory_space<semaphore_mem>> -> memref<1x!tpu.dma_semaphore, #tpu.memory_space<semaphore_mem>>
    %dma_start3A_471 = tpu.memref_squeeze %dma_start3A_470 : memref<1x!tpu.dma_semaphore, #tpu.memory_space<semaphore_mem>> -> memref<!tpu.dma_semaphore, #tpu.memory_space<semaphore_mem>>
    %dma_start3A_472 = arith.constant 0 : i32
    %dma_start3A_473 = arith.constant 0 : i32
    %dma_start3A_474 = tpu.memref_slice %arg8[%dma_start3A_462, %dma_start3A_472, %dma_start3A_473] : memref<5x80x64xf32, #tpu.memory_space<vmem>> -> memref<1x80x64xf32, #tpu.memory_space<vmem>>
    %dma_start3A_475 = tpu.memref_squeeze %dma_start3A_474 : memref<1x80x64xf32, #tpu.memory_space<vmem>> -> memref<80x64xf32, #tpu.memory_space<vmem>>
    %dma_start3A_476 = arith.constant 0 : i32
    %dma_start3A_477 = tpu.memref_slice %arg17[%add3A_461, %dma_start3A_476] : memref<10240x64xf32, #tpu.memory_space<vmem_shared>> -> memref<80x64xf32, #tpu.memory_space<vmem_shared>>
    tpu.enqueue_dma source(%dma_start3A_477 : memref<80x64xf32, #tpu.memory_space<vmem_shared>>) target(%dma_start3A_475 : memref<80x64xf32, #tpu.memory_space<vmem>>) target_semaphore(%dma_start3A_471 : memref<!tpu.dma_semaphore, #tpu.memory_space<semaphore_mem>>)
    %add3A_478 = arith.constant 320 : i32
    %add3A_479 = arith.addi %mul3A_2, %add3A_478 : i32
    %dma_start3A_480 = arith.constant 4 : i32
    %dma_start3A_481 = arith.constant 4 : i32
    %dma_start3A_482 = arith.constant 0 : i32
    %dma_start3A_483 = arith.constant 0 : i32
    %dma_start3A_484 = tpu.memref_slice %arg8[%dma_start3A_480, %dma_start3A_482, %dma_start3A_483] : memref<5x80x64xf32, #tpu.memory_space<vmem>> -> memref<1x80x64xf32, #tpu.memory_space<vmem>>
    %dma_start3A_485 = tpu.memref_squeeze %dma_start3A_484 : memref<1x80x64xf32, #tpu.memory_space<vmem>> -> memref<80x64xf32, #tpu.memory_space<vmem>>
    %dma_start3A_486 = arith.constant 0 : i32
    %dma_start3A_487 = tpu.memref_slice %arg17[%add3A_479, %dma_start3A_486] : memref<10240x64xf32, #tpu.memory_space<vmem_shared>> -> memref<80x64xf32, #tpu.memory_space<vmem_shared>>
    %dma_start3A_488 = tpu.memref_slice %arg13[%dma_start3A_481] : memref<5x!tpu.dma_semaphore, #tpu.memory_space<semaphore_mem>> -> memref<1x!tpu.dma_semaphore, #tpu.memory_space<semaphore_mem>>
    %dma_start3A_489 = tpu.memref_squeeze %dma_start3A_488 : memref<1x!tpu.dma_semaphore, #tpu.memory_space<semaphore_mem>> -> memref<!tpu.dma_semaphore, #tpu.memory_space<semaphore_mem>>
    %dma_start3A_490 = arith.constant 0 : i32
    %dma_start3A_491 = arith.constant 0 : i32
    %dma_start3A_492 = tpu.memref_slice %arg8[%dma_start3A_480, %dma_start3A_490, %dma_start3A_491] : memref<5x80x64xf32, #tpu.memory_space<vmem>> -> memref<1x80x64xf32, #tpu.memory_space<vmem>>
    %dma_start3A_493 = tpu.memref_squeeze %dma_start3A_492 : memref<1x80x64xf32, #tpu.memory_space<vmem>> -> memref<80x64xf32, #tpu.memory_space<vmem>>
    %dma_start3A_494 = arith.constant 0 : i32
    %dma_start3A_495 = tpu.memref_slice %arg17[%add3A_479, %dma_start3A_494] : memref<10240x64xf32, #tpu.memory_space<vmem_shared>> -> memref<80x64xf32, #tpu.memory_space<vmem_shared>>
    tpu.enqueue_dma source(%dma_start3A_495 : memref<80x64xf32, #tpu.memory_space<vmem_shared>>) target(%dma_start3A_493 : memref<80x64xf32, #tpu.memory_space<vmem>>) target_semaphore(%dma_start3A_489 : memref<!tpu.dma_semaphore, #tpu.memory_space<semaphore_mem>>)
    %add3A_496 = arith.constant 0 : i32
    %add3A_497 = arith.addi %mul3A_2, %add3A_496 : i32
    %dma_wait3A_498 = arith.constant 0 : i32
    %dma_wait3A_499 = arith.constant 0 : i32
    %dma_wait3A_500 = arith.constant 0 : i32
    %dma_wait3A_501 = arith.constant 0 : i32
    %dma_wait3A_502 = tpu.memref_slice %arg8[%dma_wait3A_498, %dma_wait3A_500, %dma_wait3A_501] : memref<5x80x64xf32, #tpu.memory_space<vmem>> -> memref<1x80x64xf32, #tpu.memory_space<vmem>>
    %dma_wait3A_503 = tpu.memref_squeeze %dma_wait3A_502 : memref<1x80x64xf32, #tpu.memory_space<vmem>> -> memref<80x64xf32, #tpu.memory_space<vmem>>
    %dma_wait3A_504 = arith.constant 0 : i32
    %dma_wait3A_505 = tpu.memref_slice %arg17[%add3A_497, %dma_wait3A_504] : memref<10240x64xf32, #tpu.memory_space<vmem_shared>> -> memref<80x64xf32, #tpu.memory_space<vmem_shared>>
    %dma_wait3A_506 = tpu.memref_slice %arg13[%dma_wait3A_499] : memref<5x!tpu.dma_semaphore, #tpu.memory_space<semaphore_mem>> -> memref<1x!tpu.dma_semaphore, #tpu.memory_space<semaphore_mem>>
    %dma_wait3A_507 = tpu.memref_squeeze %dma_wait3A_506 : memref<1x!tpu.dma_semaphore, #tpu.memory_space<semaphore_mem>> -> memref<!tpu.dma_semaphore, #tpu.memory_space<semaphore_mem>>
    %dma_wait3A_508 = arith.constant 0 : i32
    %dma_wait3A_509 = arith.constant 0 : i32
    %dma_wait3A_510 = tpu.memref_slice %arg8[%dma_wait3A_498, %dma_wait3A_508, %dma_wait3A_509] : memref<5x80x64xf32, #tpu.memory_space<vmem>> -> memref<1x80x64xf32, #tpu.memory_space<vmem>>
    %dma_wait3A_511 = tpu.memref_squeeze %dma_wait3A_510 : memref<1x80x64xf32, #tpu.memory_space<vmem>> -> memref<80x64xf32, #tpu.memory_space<vmem>>
    %dma_wait3A_512 = arith.constant 0 : i32
    %dma_wait3A_513 = tpu.memref_slice %arg17[%add3A_497, %dma_wait3A_512] : memref<10240x64xf32, #tpu.memory_space<vmem_shared>> -> memref<80x64xf32, #tpu.memory_space<vmem_shared>>
    tpu.wait_dma2 semaphore(%dma_wait3A_507 : memref<!tpu.dma_semaphore, #tpu.memory_space<semaphore_mem>>) src(%dma_wait3A_513 : memref<80x64xf32, #tpu.memory_space<vmem_shared>>) dst(%dma_wait3A_511 : memref<80x64xf32, #tpu.memory_space<vmem>>)
    %add3A_514 = arith.constant 0 : i32
    %add3A_515 = arith.addi %mul3A_2, %add3A_514 : i32
    %mul3A_516 = arith.constant 64 : i32
    %mul3A_517 = arith.muli %arg0, %mul3A_516 : i32
    %run_scoped3A = arith.constant 0 : i32
    "tpu.region"() ({
      %run_scoped3A_743 = tpu.sem_alloc : memref<!tpu.dma_semaphore, #tpu.memory_space<semaphore_mem>>
      %dma_start3A_744 = arith.constant 0 : i32
      %dma_start3A_745 = arith.constant 0 : i32
      %dma_start3A_746 = tpu.memref_slice %arg8[%run_scoped3A, %dma_start3A_744, %dma_start3A_745] : memref<5x80x64xf32, #tpu.memory_space<vmem>> -> memref<1x80x64xf32, #tpu.memory_space<vmem>>
      %dma_start3A_747 = tpu.memref_squeeze %dma_start3A_746 : memref<1x80x64xf32, #tpu.memory_space<vmem>> -> memref<80x64xf32, #tpu.memory_space<vmem>>
      %dma_start3A_748 = tpu.memref_slice %arg4[%add3A_515, %mul3A_517] : memref<10240x128xf32, #tpu.memory_space<hbm>> -> memref<80x64xf32, #tpu.memory_space<hbm>>
      %dma_start3A_749 = tpu.memref_slice %arg4[%add3A_515, %mul3A_517] : memref<10240x128xf32, #tpu.memory_space<hbm>> -> memref<80x64xf32, #tpu.memory_space<hbm>>
      %dma_start3A_750 = arith.constant 0 : i32
      %dma_start3A_751 = arith.constant 0 : i32
      %dma_start3A_752 = tpu.memref_slice %arg8[%run_scoped3A, %dma_start3A_750, %dma_start3A_751] : memref<5x80x64xf32, #tpu.memory_space<vmem>> -> memref<1x80x64xf32, #tpu.memory_space<vmem>>
      %dma_start3A_753 = tpu.memref_squeeze %dma_start3A_752 : memref<1x80x64xf32, #tpu.memory_space<vmem>> -> memref<80x64xf32, #tpu.memory_space<vmem>>
      tpu.enqueue_dma source(%dma_start3A_753 : memref<80x64xf32, #tpu.memory_space<vmem>>) target(%dma_start3A_749 : memref<80x64xf32, #tpu.memory_space<hbm>>) target_semaphore(%run_scoped3A_743 : memref<!tpu.dma_semaphore, #tpu.memory_space<semaphore_mem>>)
      %dma_wait3A_754 = arith.constant 0 : i32
      %dma_wait3A_755 = arith.constant 0 : i32
      %dma_wait3A_756 = tpu.memref_slice %arg8[%run_scoped3A, %dma_wait3A_754, %dma_wait3A_755] : memref<5x80x64xf32, #tpu.memory_space<vmem>> -> memref<1x80x64xf32, #tpu.memory_space<vmem>>
      %dma_wait3A_757 = tpu.memref_squeeze %dma_wait3A_756 : memref<1x80x64xf32, #tpu.memory_space<vmem>> -> memref<80x64xf32, #tpu.memory_space<vmem>>
      %dma_wait3A_758 = tpu.memref_slice %arg4[%add3A_515, %mul3A_517] : memref<10240x128xf32, #tpu.memory_space<hbm>> -> memref<80x64xf32, #tpu.memory_space<hbm>>
      %dma_wait3A_759 = tpu.memref_slice %arg4[%add3A_515, %mul3A_517] : memref<10240x128xf32, #tpu.memory_space<hbm>> -> memref<80x64xf32, #tpu.memory_space<hbm>>
      %dma_wait3A_760 = arith.constant 0 : i32
      %dma_wait3A_761 = arith.constant 0 : i32
      %dma_wait3A_762 = tpu.memref_slice %arg8[%run_scoped3A, %dma_wait3A_760, %dma_wait3A_761] : memref<5x80x64xf32, #tpu.memory_space<vmem>> -> memref<1x80x64xf32, #tpu.memory_space<vmem>>
      %dma_wait3A_763 = tpu.memref_squeeze %dma_wait3A_762 : memref<1x80x64xf32, #tpu.memory_space<vmem>> -> memref<80x64xf32, #tpu.memory_space<vmem>>
      tpu.wait_dma2 semaphore(%run_scoped3A_743 : memref<!tpu.dma_semaphore, #tpu.memory_space<semaphore_mem>>) src(%dma_wait3A_763 : memref<80x64xf32, #tpu.memory_space<vmem>>) dst(%dma_wait3A_759 : memref<80x64xf32, #tpu.memory_space<hbm>>)
      tpu.yield
    }) : () -> ()
    %add3A_518 = arith.constant 400 : i32
    %add3A_519 = arith.addi %mul3A_2, %add3A_518 : i32
    %dma_start3A_520 = arith.constant 0 : i32
    %dma_start3A_521 = arith.constant 0 : i32
    %dma_start3A_522 = arith.constant 0 : i32
    %dma_start3A_523 = arith.constant 0 : i32
    %dma_start3A_524 = tpu.memref_slice %arg8[%dma_start3A_520, %dma_start3A_522, %dma_start3A_523] : memref<5x80x64xf32, #tpu.memory_space<vmem>> -> memref<1x80x64xf32, #tpu.memory_space<vmem>>
    %dma_start3A_525 = tpu.memref_squeeze %dma_start3A_524 : memref<1x80x64xf32, #tpu.memory_space<vmem>> -> memref<80x64xf32, #tpu.memory_space<vmem>>
    %dma_start3A_526 = arith.constant 0 : i32
    %dma_start3A_527 = tpu.memref_slice %arg17[%add3A_519, %dma_start3A_526] : memref<10240x64xf32, #tpu.memory_space<vmem_shared>> -> memref<80x64xf32, #tpu.memory_space<vmem_shared>>
    %dma_start3A_528 = tpu.memref_slice %arg13[%dma_start3A_521] : memref<5x!tpu.dma_semaphore, #tpu.memory_space<semaphore_mem>> -> memref<1x!tpu.dma_semaphore, #tpu.memory_space<semaphore_mem>>
    %dma_start3A_529 = tpu.memref_squeeze %dma_start3A_528 : memref<1x!tpu.dma_semaphore, #tpu.memory_space<semaphore_mem>> -> memref<!tpu.dma_semaphore, #tpu.memory_space<semaphore_mem>>
    %dma_start3A_530 = arith.constant 0 : i32
    %dma_start3A_531 = arith.constant 0 : i32
    %dma_start3A_532 = tpu.memref_slice %arg8[%dma_start3A_520, %dma_start3A_530, %dma_start3A_531] : memref<5x80x64xf32, #tpu.memory_space<vmem>> -> memref<1x80x64xf32, #tpu.memory_space<vmem>>
    %dma_start3A_533 = tpu.memref_squeeze %dma_start3A_532 : memref<1x80x64xf32, #tpu.memory_space<vmem>> -> memref<80x64xf32, #tpu.memory_space<vmem>>
    %dma_start3A_534 = arith.constant 0 : i32
    %dma_start3A_535 = tpu.memref_slice %arg17[%add3A_519, %dma_start3A_534] : memref<10240x64xf32, #tpu.memory_space<vmem_shared>> -> memref<80x64xf32, #tpu.memory_space<vmem_shared>>
    tpu.enqueue_dma source(%dma_start3A_535 : memref<80x64xf32, #tpu.memory_space<vmem_shared>>) target(%dma_start3A_533 : memref<80x64xf32, #tpu.memory_space<vmem>>) target_semaphore(%dma_start3A_529 : memref<!tpu.dma_semaphore, #tpu.memory_space<semaphore_mem>>)
    %add3A_536 = arith.constant 80 : i32
    %add3A_537 = arith.addi %mul3A_2, %add3A_536 : i32
    %dma_wait3A_538 = arith.constant 1 : i32
    %dma_wait3A_539 = arith.constant 1 : i32
    %dma_wait3A_540 = arith.constant 0 : i32
    %dma_wait3A_541 = arith.constant 0 : i32
    %dma_wait3A_542 = tpu.memref_slice %arg8[%dma_wait3A_538, %dma_wait3A_540, %dma_wait3A_541] : memref<5x80x64xf32, #tpu.memory_space<vmem>> -> memref<1x80x64xf32, #tpu.memory_space<vmem>>
    %dma_wait3A_543 = tpu.memref_squeeze %dma_wait3A_542 : memref<1x80x64xf32, #tpu.memory_space<vmem>> -> memref<80x64xf32, #tpu.memory_space<vmem>>
    %dma_wait3A_544 = arith.constant 0 : i32
    %dma_wait3A_545 = tpu.memref_slice %arg17[%add3A_537, %dma_wait3A_544] : memref<10240x64xf32, #tpu.memory_space<vmem_shared>> -> memref<80x64xf32, #tpu.memory_space<vmem_shared>>
    %dma_wait3A_546 = tpu.memref_slice %arg13[%dma_wait3A_539] : memref<5x!tpu.dma_semaphore, #tpu.memory_space<semaphore_mem>> -> memref<1x!tpu.dma_semaphore, #tpu.memory_space<semaphore_mem>>
    %dma_wait3A_547 = tpu.memref_squeeze %dma_wait3A_546 : memref<1x!tpu.dma_semaphore, #tpu.memory_space<semaphore_mem>> -> memref<!tpu.dma_semaphore, #tpu.memory_space<semaphore_mem>>
    %dma_wait3A_548 = arith.constant 0 : i32
    %dma_wait3A_549 = arith.constant 0 : i32
    %dma_wait3A_550 = tpu.memref_slice %arg8[%dma_wait3A_538, %dma_wait3A_548, %dma_wait3A_549] : memref<5x80x64xf32, #tpu.memory_space<vmem>> -> memref<1x80x64xf32, #tpu.memory_space<vmem>>
    %dma_wait3A_551 = tpu.memref_squeeze %dma_wait3A_550 : memref<1x80x64xf32, #tpu.memory_space<vmem>> -> memref<80x64xf32, #tpu.memory_space<vmem>>
    %dma_wait3A_552 = arith.constant 0 : i32
    %dma_wait3A_553 = tpu.memref_slice %arg17[%add3A_537, %dma_wait3A_552] : memref<10240x64xf32, #tpu.memory_space<vmem_shared>> -> memref<80x64xf32, #tpu.memory_space<vmem_shared>>
    tpu.wait_dma2 semaphore(%dma_wait3A_547 : memref<!tpu.dma_semaphore, #tpu.memory_space<semaphore_mem>>) src(%dma_wait3A_553 : memref<80x64xf32, #tpu.memory_space<vmem_shared>>) dst(%dma_wait3A_551 : memref<80x64xf32, #tpu.memory_space<vmem>>)
    %add3A_554 = arith.constant 80 : i32
    %add3A_555 = arith.addi %mul3A_2, %add3A_554 : i32
    %mul3A_556 = arith.constant 64 : i32
    %mul3A_557 = arith.muli %arg0, %mul3A_556 : i32
    %run_scoped3A_558 = arith.constant 1 : i32
    "tpu.region"() ({
      %run_scoped3A_743 = tpu.sem_alloc : memref<!tpu.dma_semaphore, #tpu.memory_space<semaphore_mem>>
      %dma_start3A_744 = arith.constant 0 : i32
      %dma_start3A_745 = arith.constant 0 : i32
      %dma_start3A_746 = tpu.memref_slice %arg8[%run_scoped3A_558, %dma_start3A_744, %dma_start3A_745] : memref<5x80x64xf32, #tpu.memory_space<vmem>> -> memref<1x80x64xf32, #tpu.memory_space<vmem>>
      %dma_start3A_747 = tpu.memref_squeeze %dma_start3A_746 : memref<1x80x64xf32, #tpu.memory_space<vmem>> -> memref<80x64xf32, #tpu.memory_space<vmem>>
      %dma_start3A_748 = tpu.memref_slice %arg4[%add3A_555, %mul3A_557] : memref<10240x128xf32, #tpu.memory_space<hbm>> -> memref<80x64xf32, #tpu.memory_space<hbm>>
      %dma_start3A_749 = tpu.memref_slice %arg4[%add3A_555, %mul3A_557] : memref<10240x128xf32, #tpu.memory_space<hbm>> -> memref<80x64xf32, #tpu.memory_space<hbm>>
      %dma_start3A_750 = arith.constant 0 : i32
      %dma_start3A_751 = arith.constant 0 : i32
      %dma_start3A_752 = tpu.memref_slice %arg8[%run_scoped3A_558, %dma_start3A_750, %dma_start3A_751] : memref<5x80x64xf32, #tpu.memory_space<vmem>> -> memref<1x80x64xf32, #tpu.memory_space<vmem>>
      %dma_start3A_753 = tpu.memref_squeeze %dma_start3A_752 : memref<1x80x64xf32, #tpu.memory_space<vmem>> -> memref<80x64xf32, #tpu.memory_space<vmem>>
      tpu.enqueue_dma source(%dma_start3A_753 : memref<80x64xf32, #tpu.memory_space<vmem>>) target(%dma_start3A_749 : memref<80x64xf32, #tpu.memory_space<hbm>>) target_semaphore(%run_scoped3A_743 : memref<!tpu.dma_semaphore, #tpu.memory_space<semaphore_mem>>)
      %dma_wait3A_754 = arith.constant 0 : i32
      %dma_wait3A_755 = arith.constant 0 : i32
      %dma_wait3A_756 = tpu.memref_slice %arg8[%run_scoped3A_558, %dma_wait3A_754, %dma_wait3A_755] : memref<5x80x64xf32, #tpu.memory_space<vmem>> -> memref<1x80x64xf32, #tpu.memory_space<vmem>>
      %dma_wait3A_757 = tpu.memref_squeeze %dma_wait3A_756 : memref<1x80x64xf32, #tpu.memory_space<vmem>> -> memref<80x64xf32, #tpu.memory_space<vmem>>
      %dma_wait3A_758 = tpu.memref_slice %arg4[%add3A_555, %mul3A_557] : memref<10240x128xf32, #tpu.memory_space<hbm>> -> memref<80x64xf32, #tpu.memory_space<hbm>>
      %dma_wait3A_759 = tpu.memref_slice %arg4[%add3A_555, %mul3A_557] : memref<10240x128xf32, #tpu.memory_space<hbm>> -> memref<80x64xf32, #tpu.memory_space<hbm>>
      %dma_wait3A_760 = arith.constant 0 : i32
      %dma_wait3A_761 = arith.constant 0 : i32
      %dma_wait3A_762 = tpu.memref_slice %arg8[%run_scoped3A_558, %dma_wait3A_760, %dma_wait3A_761] : memref<5x80x64xf32, #tpu.memory_space<vmem>> -> memref<1x80x64xf32, #tpu.memory_space<vmem>>
      %dma_wait3A_763 = tpu.memref_squeeze %dma_wait3A_762 : memref<1x80x64xf32, #tpu.memory_space<vmem>> -> memref<80x64xf32, #tpu.memory_space<vmem>>
      tpu.wait_dma2 semaphore(%run_scoped3A_743 : memref<!tpu.dma_semaphore, #tpu.memory_space<semaphore_mem>>) src(%dma_wait3A_763 : memref<80x64xf32, #tpu.memory_space<vmem>>) dst(%dma_wait3A_759 : memref<80x64xf32, #tpu.memory_space<hbm>>)
      tpu.yield
    }) : () -> ()
    %add3A_559 = arith.constant 480 : i32
    %add3A_560 = arith.addi %mul3A_2, %add3A_559 : i32
    %dma_start3A_561 = arith.constant 1 : i32
    %dma_start3A_562 = arith.constant 1 : i32
    %dma_start3A_563 = arith.constant 0 : i32
    %dma_start3A_564 = arith.constant 0 : i32
    %dma_start3A_565 = tpu.memref_slice %arg8[%dma_start3A_561, %dma_start3A_563, %dma_start3A_564] : memref<5x80x64xf32, #tpu.memory_space<vmem>> -> memref<1x80x64xf32, #tpu.memory_space<vmem>>
    %dma_start3A_566 = tpu.memref_squeeze %dma_start3A_565 : memref<1x80x64xf32, #tpu.memory_space<vmem>> -> memref<80x64xf32, #tpu.memory_space<vmem>>
    %dma_start3A_567 = arith.constant 0 : i32
    %dma_start3A_568 = tpu.memref_slice %arg17[%add3A_560, %dma_start3A_567] : memref<10240x64xf32, #tpu.memory_space<vmem_shared>> -> memref<80x64xf32, #tpu.memory_space<vmem_shared>>
    %dma_start3A_569 = tpu.memref_slice %arg13[%dma_start3A_562] : memref<5x!tpu.dma_semaphore, #tpu.memory_space<semaphore_mem>> -> memref<1x!tpu.dma_semaphore, #tpu.memory_space<semaphore_mem>>
    %dma_start3A_570 = tpu.memref_squeeze %dma_start3A_569 : memref<1x!tpu.dma_semaphore, #tpu.memory_space<semaphore_mem>> -> memref<!tpu.dma_semaphore, #tpu.memory_space<semaphore_mem>>
    %dma_start3A_571 = arith.constant 0 : i32
    %dma_start3A_572 = arith.constant 0 : i32
    %dma_start3A_573 = tpu.memref_slice %arg8[%dma_start3A_561, %dma_start3A_571, %dma_start3A_572] : memref<5x80x64xf32, #tpu.memory_space<vmem>> -> memref<1x80x64xf32, #tpu.memory_space<vmem>>
    %dma_start3A_574 = tpu.memref_squeeze %dma_start3A_573 : memref<1x80x64xf32, #tpu.memory_space<vmem>> -> memref<80x64xf32, #tpu.memory_space<vmem>>
    %dma_start3A_575 = arith.constant 0 : i32
    %dma_start3A_576 = tpu.memref_slice %arg17[%add3A_560, %dma_start3A_575] : memref<10240x64xf32, #tpu.memory_space<vmem_shared>> -> memref<80x64xf32, #tpu.memory_space<vmem_shared>>
    tpu.enqueue_dma source(%dma_start3A_576 : memref<80x64xf32, #tpu.memory_space<vmem_shared>>) target(%dma_start3A_574 : memref<80x64xf32, #tpu.memory_space<vmem>>) target_semaphore(%dma_start3A_570 : memref<!tpu.dma_semaphore, #tpu.memory_space<semaphore_mem>>)
    %add3A_577 = arith.constant 160 : i32
    %add3A_578 = arith.addi %mul3A_2, %add3A_577 : i32
    %dma_wait3A_579 = arith.constant 2 : i32
    %dma_wait3A_580 = arith.constant 2 : i32
    %dma_wait3A_581 = arith.constant 0 : i32
    %dma_wait3A_582 = arith.constant 0 : i32
    %dma_wait3A_583 = tpu.memref_slice %arg8[%dma_wait3A_579, %dma_wait3A_581, %dma_wait3A_582] : memref<5x80x64xf32, #tpu.memory_space<vmem>> -> memref<1x80x64xf32, #tpu.memory_space<vmem>>
    %dma_wait3A_584 = tpu.memref_squeeze %dma_wait3A_583 : memref<1x80x64xf32, #tpu.memory_space<vmem>> -> memref<80x64xf32, #tpu.memory_space<vmem>>
    %dma_wait3A_585 = arith.constant 0 : i32
    %dma_wait3A_586 = tpu.memref_slice %arg17[%add3A_578, %dma_wait3A_585] : memref<10240x64xf32, #tpu.memory_space<vmem_shared>> -> memref<80x64xf32, #tpu.memory_space<vmem_shared>>
    %dma_wait3A_587 = tpu.memref_slice %arg13[%dma_wait3A_580] : memref<5x!tpu.dma_semaphore, #tpu.memory_space<semaphore_mem>> -> memref<1x!tpu.dma_semaphore, #tpu.memory_space<semaphore_mem>>
    %dma_wait3A_588 = tpu.memref_squeeze %dma_wait3A_587 : memref<1x!tpu.dma_semaphore, #tpu.memory_space<semaphore_mem>> -> memref<!tpu.dma_semaphore, #tpu.memory_space<semaphore_mem>>
    %dma_wait3A_589 = arith.constant 0 : i32
    %dma_wait3A_590 = arith.constant 0 : i32
    %dma_wait3A_591 = tpu.memref_slice %arg8[%dma_wait3A_579, %dma_wait3A_589, %dma_wait3A_590] : memref<5x80x64xf32, #tpu.memory_space<vmem>> -> memref<1x80x64xf32, #tpu.memory_space<vmem>>
    %dma_wait3A_592 = tpu.memref_squeeze %dma_wait3A_591 : memref<1x80x64xf32, #tpu.memory_space<vmem>> -> memref<80x64xf32, #tpu.memory_space<vmem>>
    %dma_wait3A_593 = arith.constant 0 : i32
    %dma_wait3A_594 = tpu.memref_slice %arg17[%add3A_578, %dma_wait3A_593] : memref<10240x64xf32, #tpu.memory_space<vmem_shared>> -> memref<80x64xf32, #tpu.memory_space<vmem_shared>>
    tpu.wait_dma2 semaphore(%dma_wait3A_588 : memref<!tpu.dma_semaphore, #tpu.memory_space<semaphore_mem>>) src(%dma_wait3A_594 : memref<80x64xf32, #tpu.memory_space<vmem_shared>>) dst(%dma_wait3A_592 : memref<80x64xf32, #tpu.memory_space<vmem>>)
    %add3A_595 = arith.constant 160 : i32
    %add3A_596 = arith.addi %mul3A_2, %add3A_595 : i32
    %mul3A_597 = arith.constant 64 : i32
    %mul3A_598 = arith.muli %arg0, %mul3A_597 : i32
    %run_scoped3A_599 = arith.constant 2 : i32
    "tpu.region"() ({
      %run_scoped3A_743 = tpu.sem_alloc : memref<!tpu.dma_semaphore, #tpu.memory_space<semaphore_mem>>
      %dma_start3A_744 = arith.constant 0 : i32
      %dma_start3A_745 = arith.constant 0 : i32
      %dma_start3A_746 = tpu.memref_slice %arg8[%run_scoped3A_599, %dma_start3A_744, %dma_start3A_745] : memref<5x80x64xf32, #tpu.memory_space<vmem>> -> memref<1x80x64xf32, #tpu.memory_space<vmem>>
      %dma_start3A_747 = tpu.memref_squeeze %dma_start3A_746 : memref<1x80x64xf32, #tpu.memory_space<vmem>> -> memref<80x64xf32, #tpu.memory_space<vmem>>
      %dma_start3A_748 = tpu.memref_slice %arg4[%add3A_596, %mul3A_598] : memref<10240x128xf32, #tpu.memory_space<hbm>> -> memref<80x64xf32, #tpu.memory_space<hbm>>
      %dma_start3A_749 = tpu.memref_slice %arg4[%add3A_596, %mul3A_598] : memref<10240x128xf32, #tpu.memory_space<hbm>> -> memref<80x64xf32, #tpu.memory_space<hbm>>
      %dma_start3A_750 = arith.constant 0 : i32
      %dma_start3A_751 = arith.constant 0 : i32
      %dma_start3A_752 = tpu.memref_slice %arg8[%run_scoped3A_599, %dma_start3A_750, %dma_start3A_751] : memref<5x80x64xf32, #tpu.memory_space<vmem>> -> memref<1x80x64xf32, #tpu.memory_space<vmem>>
      %dma_start3A_753 = tpu.memref_squeeze %dma_start3A_752 : memref<1x80x64xf32, #tpu.memory_space<vmem>> -> memref<80x64xf32, #tpu.memory_space<vmem>>
      tpu.enqueue_dma source(%dma_start3A_753 : memref<80x64xf32, #tpu.memory_space<vmem>>) target(%dma_start3A_749 : memref<80x64xf32, #tpu.memory_space<hbm>>) target_semaphore(%run_scoped3A_743 : memref<!tpu.dma_semaphore, #tpu.memory_space<semaphore_mem>>)
      %dma_wait3A_754 = arith.constant 0 : i32
      %dma_wait3A_755 = arith.constant 0 : i32
      %dma_wait3A_756 = tpu.memref_slice %arg8[%run_scoped3A_599, %dma_wait3A_754, %dma_wait3A_755] : memref<5x80x64xf32, #tpu.memory_space<vmem>> -> memref<1x80x64xf32, #tpu.memory_space<vmem>>
      %dma_wait3A_757 = tpu.memref_squeeze %dma_wait3A_756 : memref<1x80x64xf32, #tpu.memory_space<vmem>> -> memref<80x64xf32, #tpu.memory_space<vmem>>
      %dma_wait3A_758 = tpu.memref_slice %arg4[%add3A_596, %mul3A_598] : memref<10240x128xf32, #tpu.memory_space<hbm>> -> memref<80x64xf32, #tpu.memory_space<hbm>>
      %dma_wait3A_759 = tpu.memref_slice %arg4[%add3A_596, %mul3A_598] : memref<10240x128xf32, #tpu.memory_space<hbm>> -> memref<80x64xf32, #tpu.memory_space<hbm>>
      %dma_wait3A_760 = arith.constant 0 : i32
      %dma_wait3A_761 = arith.constant 0 : i32
      %dma_wait3A_762 = tpu.memref_slice %arg8[%run_scoped3A_599, %dma_wait3A_760, %dma_wait3A_761] : memref<5x80x64xf32, #tpu.memory_space<vmem>> -> memref<1x80x64xf32, #tpu.memory_space<vmem>>
      %dma_wait3A_763 = tpu.memref_squeeze %dma_wait3A_762 : memref<1x80x64xf32, #tpu.memory_space<vmem>> -> memref<80x64xf32, #tpu.memory_space<vmem>>
      tpu.wait_dma2 semaphore(%run_scoped3A_743 : memref<!tpu.dma_semaphore, #tpu.memory_space<semaphore_mem>>) src(%dma_wait3A_763 : memref<80x64xf32, #tpu.memory_space<vmem>>) dst(%dma_wait3A_759 : memref<80x64xf32, #tpu.memory_space<hbm>>)
      tpu.yield
    }) : () -> ()
    %add3A_600 = arith.constant 560 : i32
    %add3A_601 = arith.addi %mul3A_2, %add3A_600 : i32
    %dma_start3A_602 = arith.constant 2 : i32
    %dma_start3A_603 = arith.constant 2 : i32
    %dma_start3A_604 = arith.constant 0 : i32
    %dma_start3A_605 = arith.constant 0 : i32
    %dma_start3A_606 = tpu.memref_slice %arg8[%dma_start3A_602, %dma_start3A_604, %dma_start3A_605] : memref<5x80x64xf32, #tpu.memory_space<vmem>> -> memref<1x80x64xf32, #tpu.memory_space<vmem>>
    %dma_start3A_607 = tpu.memref_squeeze %dma_start3A_606 : memref<1x80x64xf32, #tpu.memory_space<vmem>> -> memref<80x64xf32, #tpu.memory_space<vmem>>
    %dma_start3A_608 = arith.constant 0 : i32
    %dma_start3A_609 = tpu.memref_slice %arg17[%add3A_601, %dma_start3A_608] : memref<10240x64xf32, #tpu.memory_space<vmem_shared>> -> memref<80x64xf32, #tpu.memory_space<vmem_shared>>
    %dma_start3A_610 = tpu.memref_slice %arg13[%dma_start3A_603] : memref<5x!tpu.dma_semaphore, #tpu.memory_space<semaphore_mem>> -> memref<1x!tpu.dma_semaphore, #tpu.memory_space<semaphore_mem>>
    %dma_start3A_611 = tpu.memref_squeeze %dma_start3A_610 : memref<1x!tpu.dma_semaphore, #tpu.memory_space<semaphore_mem>> -> memref<!tpu.dma_semaphore, #tpu.memory_space<semaphore_mem>>
    %dma_start3A_612 = arith.constant 0 : i32
    %dma_start3A_613 = arith.constant 0 : i32
    %dma_start3A_614 = tpu.memref_slice %arg8[%dma_start3A_602, %dma_start3A_612, %dma_start3A_613] : memref<5x80x64xf32, #tpu.memory_space<vmem>> -> memref<1x80x64xf32, #tpu.memory_space<vmem>>
    %dma_start3A_615 = tpu.memref_squeeze %dma_start3A_614 : memref<1x80x64xf32, #tpu.memory_space<vmem>> -> memref<80x64xf32, #tpu.memory_space<vmem>>
    %dma_start3A_616 = arith.constant 0 : i32
    %dma_start3A_617 = tpu.memref_slice %arg17[%add3A_601, %dma_start3A_616] : memref<10240x64xf32, #tpu.memory_space<vmem_shared>> -> memref<80x64xf32, #tpu.memory_space<vmem_shared>>
    tpu.enqueue_dma source(%dma_start3A_617 : memref<80x64xf32, #tpu.memory_space<vmem_shared>>) target(%dma_start3A_615 : memref<80x64xf32, #tpu.memory_space<vmem>>) target_semaphore(%dma_start3A_611 : memref<!tpu.dma_semaphore, #tpu.memory_space<semaphore_mem>>)
    %add3A_618 = arith.constant 240 : i32
    %add3A_619 = arith.addi %mul3A_2, %add3A_618 : i32
    %dma_wait3A_620 = arith.constant 3 : i32
    %dma_wait3A_621 = arith.constant 3 : i32
    %dma_wait3A_622 = arith.constant 0 : i32
    %dma_wait3A_623 = arith.constant 0 : i32
    %dma_wait3A_624 = tpu.memref_slice %arg8[%dma_wait3A_620, %dma_wait3A_622, %dma_wait3A_623] : memref<5x80x64xf32, #tpu.memory_space<vmem>> -> memref<1x80x64xf32, #tpu.memory_space<vmem>>
    %dma_wait3A_625 = tpu.memref_squeeze %dma_wait3A_624 : memref<1x80x64xf32, #tpu.memory_space<vmem>> -> memref<80x64xf32, #tpu.memory_space<vmem>>
    %dma_wait3A_626 = arith.constant 0 : i32
    %dma_wait3A_627 = tpu.memref_slice %arg17[%add3A_619, %dma_wait3A_626] : memref<10240x64xf32, #tpu.memory_space<vmem_shared>> -> memref<80x64xf32, #tpu.memory_space<vmem_shared>>
    %dma_wait3A_628 = tpu.memref_slice %arg13[%dma_wait3A_621] : memref<5x!tpu.dma_semaphore, #tpu.memory_space<semaphore_mem>> -> memref<1x!tpu.dma_semaphore, #tpu.memory_space<semaphore_mem>>
    %dma_wait3A_629 = tpu.memref_squeeze %dma_wait3A_628 : memref<1x!tpu.dma_semaphore, #tpu.memory_space<semaphore_mem>> -> memref<!tpu.dma_semaphore, #tpu.memory_space<semaphore_mem>>
    %dma_wait3A_630 = arith.constant 0 : i32
    %dma_wait3A_631 = arith.constant 0 : i32
    %dma_wait3A_632 = tpu.memref_slice %arg8[%dma_wait3A_620, %dma_wait3A_630, %dma_wait3A_631] : memref<5x80x64xf32, #tpu.memory_space<vmem>> -> memref<1x80x64xf32, #tpu.memory_space<vmem>>
    %dma_wait3A_633 = tpu.memref_squeeze %dma_wait3A_632 : memref<1x80x64xf32, #tpu.memory_space<vmem>> -> memref<80x64xf32, #tpu.memory_space<vmem>>
    %dma_wait3A_634 = arith.constant 0 : i32
    %dma_wait3A_635 = tpu.memref_slice %arg17[%add3A_619, %dma_wait3A_634] : memref<10240x64xf32, #tpu.memory_space<vmem_shared>> -> memref<80x64xf32, #tpu.memory_space<vmem_shared>>
    tpu.wait_dma2 semaphore(%dma_wait3A_629 : memref<!tpu.dma_semaphore, #tpu.memory_space<semaphore_mem>>) src(%dma_wait3A_635 : memref<80x64xf32, #tpu.memory_space<vmem_shared>>) dst(%dma_wait3A_633 : memref<80x64xf32, #tpu.memory_space<vmem>>)
    %add3A_636 = arith.constant 240 : i32
    %add3A_637 = arith.addi %mul3A_2, %add3A_636 : i32
    %mul3A_638 = arith.constant 64 : i32
    %mul3A_639 = arith.muli %arg0, %mul3A_638 : i32
    %run_scoped3A_640 = arith.constant 3 : i32
    "tpu.region"() ({
      %run_scoped3A_743 = tpu.sem_alloc : memref<!tpu.dma_semaphore, #tpu.memory_space<semaphore_mem>>
      %dma_start3A_744 = arith.constant 0 : i32
      %dma_start3A_745 = arith.constant 0 : i32
      %dma_start3A_746 = tpu.memref_slice %arg8[%run_scoped3A_640, %dma_start3A_744, %dma_start3A_745] : memref<5x80x64xf32, #tpu.memory_space<vmem>> -> memref<1x80x64xf32, #tpu.memory_space<vmem>>
      %dma_start3A_747 = tpu.memref_squeeze %dma_start3A_746 : memref<1x80x64xf32, #tpu.memory_space<vmem>> -> memref<80x64xf32, #tpu.memory_space<vmem>>
      %dma_start3A_748 = tpu.memref_slice %arg4[%add3A_637, %mul3A_639] : memref<10240x128xf32, #tpu.memory_space<hbm>> -> memref<80x64xf32, #tpu.memory_space<hbm>>
      %dma_start3A_749 = tpu.memref_slice %arg4[%add3A_637, %mul3A_639] : memref<10240x128xf32, #tpu.memory_space<hbm>> -> memref<80x64xf32, #tpu.memory_space<hbm>>
      %dma_start3A_750 = arith.constant 0 : i32
      %dma_start3A_751 = arith.constant 0 : i32
      %dma_start3A_752 = tpu.memref_slice %arg8[%run_scoped3A_640, %dma_start3A_750, %dma_start3A_751] : memref<5x80x64xf32, #tpu.memory_space<vmem>> -> memref<1x80x64xf32, #tpu.memory_space<vmem>>
      %dma_start3A_753 = tpu.memref_squeeze %dma_start3A_752 : memref<1x80x64xf32, #tpu.memory_space<vmem>> -> memref<80x64xf32, #tpu.memory_space<vmem>>
      tpu.enqueue_dma source(%dma_start3A_753 : memref<80x64xf32, #tpu.memory_space<vmem>>) target(%dma_start3A_749 : memref<80x64xf32, #tpu.memory_space<hbm>>) target_semaphore(%run_scoped3A_743 : memref<!tpu.dma_semaphore, #tpu.memory_space<semaphore_mem>>)
      %dma_wait3A_754 = arith.constant 0 : i32
      %dma_wait3A_755 = arith.constant 0 : i32
      %dma_wait3A_756 = tpu.memref_slice %arg8[%run_scoped3A_640, %dma_wait3A_754, %dma_wait3A_755] : memref<5x80x64xf32, #tpu.memory_space<vmem>> -> memref<1x80x64xf32, #tpu.memory_space<vmem>>
      %dma_wait3A_757 = tpu.memref_squeeze %dma_wait3A_756 : memref<1x80x64xf32, #tpu.memory_space<vmem>> -> memref<80x64xf32, #tpu.memory_space<vmem>>
      %dma_wait3A_758 = tpu.memref_slice %arg4[%add3A_637, %mul3A_639] : memref<10240x128xf32, #tpu.memory_space<hbm>> -> memref<80x64xf32, #tpu.memory_space<hbm>>
      %dma_wait3A_759 = tpu.memref_slice %arg4[%add3A_637, %mul3A_639] : memref<10240x128xf32, #tpu.memory_space<hbm>> -> memref<80x64xf32, #tpu.memory_space<hbm>>
      %dma_wait3A_760 = arith.constant 0 : i32
      %dma_wait3A_761 = arith.constant 0 : i32
      %dma_wait3A_762 = tpu.memref_slice %arg8[%run_scoped3A_640, %dma_wait3A_760, %dma_wait3A_761] : memref<5x80x64xf32, #tpu.memory_space<vmem>> -> memref<1x80x64xf32, #tpu.memory_space<vmem>>
      %dma_wait3A_763 = tpu.memref_squeeze %dma_wait3A_762 : memref<1x80x64xf32, #tpu.memory_space<vmem>> -> memref<80x64xf32, #tpu.memory_space<vmem>>
      tpu.wait_dma2 semaphore(%run_scoped3A_743 : memref<!tpu.dma_semaphore, #tpu.memory_space<semaphore_mem>>) src(%dma_wait3A_763 : memref<80x64xf32, #tpu.memory_space<vmem>>) dst(%dma_wait3A_759 : memref<80x64xf32, #tpu.memory_space<hbm>>)
      tpu.yield
    }) : () -> ()
    %add3A_641 = arith.constant 320 : i32
    %add3A_642 = arith.addi %mul3A_2, %add3A_641 : i32
    %dma_wait3A_643 = arith.constant 4 : i32
    %dma_wait3A_644 = arith.constant 4 : i32
    %dma_wait3A_645 = arith.constant 0 : i32
    %dma_wait3A_646 = arith.constant 0 : i32
    %dma_wait3A_647 = tpu.memref_slice %arg8[%dma_wait3A_643, %dma_wait3A_645, %dma_wait3A_646] : memref<5x80x64xf32, #tpu.memory_space<vmem>> -> memref<1x80x64xf32, #tpu.memory_space<vmem>>
    %dma_wait3A_648 = tpu.memref_squeeze %dma_wait3A_647 : memref<1x80x64xf32, #tpu.memory_space<vmem>> -> memref<80x64xf32, #tpu.memory_space<vmem>>
    %dma_wait3A_649 = arith.constant 0 : i32
    %dma_wait3A_650 = tpu.memref_slice %arg17[%add3A_642, %dma_wait3A_649] : memref<10240x64xf32, #tpu.memory_space<vmem_shared>> -> memref<80x64xf32, #tpu.memory_space<vmem_shared>>
    %dma_wait3A_651 = tpu.memref_slice %arg13[%dma_wait3A_644] : memref<5x!tpu.dma_semaphore, #tpu.memory_space<semaphore_mem>> -> memref<1x!tpu.dma_semaphore, #tpu.memory_space<semaphore_mem>>
    %dma_wait3A_652 = tpu.memref_squeeze %dma_wait3A_651 : memref<1x!tpu.dma_semaphore, #tpu.memory_space<semaphore_mem>> -> memref<!tpu.dma_semaphore, #tpu.memory_space<semaphore_mem>>
    %dma_wait3A_653 = arith.constant 0 : i32
    %dma_wait3A_654 = arith.constant 0 : i32
    %dma_wait3A_655 = tpu.memref_slice %arg8[%dma_wait3A_643, %dma_wait3A_653, %dma_wait3A_654] : memref<5x80x64xf32, #tpu.memory_space<vmem>> -> memref<1x80x64xf32, #tpu.memory_space<vmem>>
    %dma_wait3A_656 = tpu.memref_squeeze %dma_wait3A_655 : memref<1x80x64xf32, #tpu.memory_space<vmem>> -> memref<80x64xf32, #tpu.memory_space<vmem>>
    %dma_wait3A_657 = arith.constant 0 : i32
    %dma_wait3A_658 = tpu.memref_slice %arg17[%add3A_642, %dma_wait3A_657] : memref<10240x64xf32, #tpu.memory_space<vmem_shared>> -> memref<80x64xf32, #tpu.memory_space<vmem_shared>>
    tpu.wait_dma2 semaphore(%dma_wait3A_652 : memref<!tpu.dma_semaphore, #tpu.memory_space<semaphore_mem>>) src(%dma_wait3A_658 : memref<80x64xf32, #tpu.memory_space<vmem_shared>>) dst(%dma_wait3A_656 : memref<80x64xf32, #tpu.memory_space<vmem>>)
    %add3A_659 = arith.constant 320 : i32
    %add3A_660 = arith.addi %mul3A_2, %add3A_659 : i32
    %mul3A_661 = arith.constant 64 : i32
    %mul3A_662 = arith.muli %arg0, %mul3A_661 : i32
    %run_scoped3A_663 = arith.constant 4 : i32
    "tpu.region"() ({
      %run_scoped3A_743 = tpu.sem_alloc : memref<!tpu.dma_semaphore, #tpu.memory_space<semaphore_mem>>
      %dma_start3A_744 = arith.constant 0 : i32
      %dma_start3A_745 = arith.constant 0 : i32
      %dma_start3A_746 = tpu.memref_slice %arg8[%run_scoped3A_663, %dma_start3A_744, %dma_start3A_745] : memref<5x80x64xf32, #tpu.memory_space<vmem>> -> memref<1x80x64xf32, #tpu.memory_space<vmem>>
      %dma_start3A_747 = tpu.memref_squeeze %dma_start3A_746 : memref<1x80x64xf32, #tpu.memory_space<vmem>> -> memref<80x64xf32, #tpu.memory_space<vmem>>
      %dma_start3A_748 = tpu.memref_slice %arg4[%add3A_660, %mul3A_662] : memref<10240x128xf32, #tpu.memory_space<hbm>> -> memref<80x64xf32, #tpu.memory_space<hbm>>
      %dma_start3A_749 = tpu.memref_slice %arg4[%add3A_660, %mul3A_662] : memref<10240x128xf32, #tpu.memory_space<hbm>> -> memref<80x64xf32, #tpu.memory_space<hbm>>
      %dma_start3A_750 = arith.constant 0 : i32
      %dma_start3A_751 = arith.constant 0 : i32
      %dma_start3A_752 = tpu.memref_slice %arg8[%run_scoped3A_663, %dma_start3A_750, %dma_start3A_751] : memref<5x80x64xf32, #tpu.memory_space<vmem>> -> memref<1x80x64xf32, #tpu.memory_space<vmem>>
      %dma_start3A_753 = tpu.memref_squeeze %dma_start3A_752 : memref<1x80x64xf32, #tpu.memory_space<vmem>> -> memref<80x64xf32, #tpu.memory_space<vmem>>
      tpu.enqueue_dma source(%dma_start3A_753 : memref<80x64xf32, #tpu.memory_space<vmem>>) target(%dma_start3A_749 : memref<80x64xf32, #tpu.memory_space<hbm>>) target_semaphore(%run_scoped3A_743 : memref<!tpu.dma_semaphore, #tpu.memory_space<semaphore_mem>>)
      %dma_wait3A_754 = arith.constant 0 : i32
      %dma_wait3A_755 = arith.constant 0 : i32
      %dma_wait3A_756 = tpu.memref_slice %arg8[%run_scoped3A_663, %dma_wait3A_754, %dma_wait3A_755] : memref<5x80x64xf32, #tpu.memory_space<vmem>> -> memref<1x80x64xf32, #tpu.memory_space<vmem>>
      %dma_wait3A_757 = tpu.memref_squeeze %dma_wait3A_756 : memref<1x80x64xf32, #tpu.memory_space<vmem>> -> memref<80x64xf32, #tpu.memory_space<vmem>>
      %dma_wait3A_758 = tpu.memref_slice %arg4[%add3A_660, %mul3A_662] : memref<10240x128xf32, #tpu.memory_space<hbm>> -> memref<80x64xf32, #tpu.memory_space<hbm>>
      %dma_wait3A_759 = tpu.memref_slice %arg4[%add3A_660, %mul3A_662] : memref<10240x128xf32, #tpu.memory_space<hbm>> -> memref<80x64xf32, #tpu.memory_space<hbm>>
      %dma_wait3A_760 = arith.constant 0 : i32
      %dma_wait3A_761 = arith.constant 0 : i32
      %dma_wait3A_762 = tpu.memref_slice %arg8[%run_scoped3A_663, %dma_wait3A_760, %dma_wait3A_761] : memref<5x80x64xf32, #tpu.memory_space<vmem>> -> memref<1x80x64xf32, #tpu.memory_space<vmem>>
      %dma_wait3A_763 = tpu.memref_squeeze %dma_wait3A_762 : memref<1x80x64xf32, #tpu.memory_space<vmem>> -> memref<80x64xf32, #tpu.memory_space<vmem>>
      tpu.wait_dma2 semaphore(%run_scoped3A_743 : memref<!tpu.dma_semaphore, #tpu.memory_space<semaphore_mem>>) src(%dma_wait3A_763 : memref<80x64xf32, #tpu.memory_space<vmem>>) dst(%dma_wait3A_759 : memref<80x64xf32, #tpu.memory_space<hbm>>)
      tpu.yield
    }) : () -> ()
    %add3A_664 = arith.constant 400 : i32
    %add3A_665 = arith.addi %mul3A_2, %add3A_664 : i32
    %dma_wait3A_666 = arith.constant 0 : i32
    %dma_wait3A_667 = arith.constant 0 : i32
    %dma_wait3A_668 = arith.constant 0 : i32
    %dma_wait3A_669 = arith.constant 0 : i32
    %dma_wait3A_670 = tpu.memref_slice %arg8[%dma_wait3A_666, %dma_wait3A_668, %dma_wait3A_669] : memref<5x80x64xf32, #tpu.memory_space<vmem>> -> memref<1x80x64xf32, #tpu.memory_space<vmem>>
    %dma_wait3A_671 = tpu.memref_squeeze %dma_wait3A_670 : memref<1x80x64xf32, #tpu.memory_space<vmem>> -> memref<80x64xf32, #tpu.memory_space<vmem>>
    %dma_wait3A_672 = arith.constant 0 : i32
    %dma_wait3A_673 = tpu.memref_slice %arg17[%add3A_665, %dma_wait3A_672] : memref<10240x64xf32, #tpu.memory_space<vmem_shared>> -> memref<80x64xf32, #tpu.memory_space<vmem_shared>>
    %dma_wait3A_674 = tpu.memref_slice %arg13[%dma_wait3A_667] : memref<5x!tpu.dma_semaphore, #tpu.memory_space<semaphore_mem>> -> memref<1x!tpu.dma_semaphore, #tpu.memory_space<semaphore_mem>>
    %dma_wait3A_675 = tpu.memref_squeeze %dma_wait3A_674 : memref<1x!tpu.dma_semaphore, #tpu.memory_space<semaphore_mem>> -> memref<!tpu.dma_semaphore, #tpu.memory_space<semaphore_mem>>
    %dma_wait3A_676 = arith.constant 0 : i32
    %dma_wait3A_677 = arith.constant 0 : i32
    %dma_wait3A_678 = tpu.memref_slice %arg8[%dma_wait3A_666, %dma_wait3A_676, %dma_wait3A_677] : memref<5x80x64xf32, #tpu.memory_space<vmem>> -> memref<1x80x64xf32, #tpu.memory_space<vmem>>
    %dma_wait3A_679 = tpu.memref_squeeze %dma_wait3A_678 : memref<1x80x64xf32, #tpu.memory_space<vmem>> -> memref<80x64xf32, #tpu.memory_space<vmem>>
    %dma_wait3A_680 = arith.constant 0 : i32
    %dma_wait3A_681 = tpu.memref_slice %arg17[%add3A_665, %dma_wait3A_680] : memref<10240x64xf32, #tpu.memory_space<vmem_shared>> -> memref<80x64xf32, #tpu.memory_space<vmem_shared>>
    tpu.wait_dma2 semaphore(%dma_wait3A_675 : memref<!tpu.dma_semaphore, #tpu.memory_space<semaphore_mem>>) src(%dma_wait3A_681 : memref<80x64xf32, #tpu.memory_space<vmem_shared>>) dst(%dma_wait3A_679 : memref<80x64xf32, #tpu.memory_space<vmem>>)
    %add3A_682 = arith.constant 400 : i32
    %add3A_683 = arith.addi %mul3A_2, %add3A_682 : i32
    %mul3A_684 = arith.constant 64 : i32
    %mul3A_685 = arith.muli %arg0, %mul3A_684 : i32
    %run_scoped3A_686 = arith.constant 0 : i32
    "tpu.region"() ({
      %run_scoped3A_743 = tpu.sem_alloc : memref<!tpu.dma_semaphore, #tpu.memory_space<semaphore_mem>>
      %dma_start3A_744 = arith.constant 0 : i32
      %dma_start3A_745 = arith.constant 0 : i32
      %dma_start3A_746 = tpu.memref_slice %arg8[%run_scoped3A_686, %dma_start3A_744, %dma_start3A_745] : memref<5x80x64xf32, #tpu.memory_space<vmem>> -> memref<1x80x64xf32, #tpu.memory_space<vmem>>
      %dma_start3A_747 = tpu.memref_squeeze %dma_start3A_746 : memref<1x80x64xf32, #tpu.memory_space<vmem>> -> memref<80x64xf32, #tpu.memory_space<vmem>>
      %dma_start3A_748 = tpu.memref_slice %arg4[%add3A_683, %mul3A_685] : memref<10240x128xf32, #tpu.memory_space<hbm>> -> memref<80x64xf32, #tpu.memory_space<hbm>>
      %dma_start3A_749 = tpu.memref_slice %arg4[%add3A_683, %mul3A_685] : memref<10240x128xf32, #tpu.memory_space<hbm>> -> memref<80x64xf32, #tpu.memory_space<hbm>>
      %dma_start3A_750 = arith.constant 0 : i32
      %dma_start3A_751 = arith.constant 0 : i32
      %dma_start3A_752 = tpu.memref_slice %arg8[%run_scoped3A_686, %dma_start3A_750, %dma_start3A_751] : memref<5x80x64xf32, #tpu.memory_space<vmem>> -> memref<1x80x64xf32, #tpu.memory_space<vmem>>
      %dma_start3A_753 = tpu.memref_squeeze %dma_start3A_752 : memref<1x80x64xf32, #tpu.memory_space<vmem>> -> memref<80x64xf32, #tpu.memory_space<vmem>>
      tpu.enqueue_dma source(%dma_start3A_753 : memref<80x64xf32, #tpu.memory_space<vmem>>) target(%dma_start3A_749 : memref<80x64xf32, #tpu.memory_space<hbm>>) target_semaphore(%run_scoped3A_743 : memref<!tpu.dma_semaphore, #tpu.memory_space<semaphore_mem>>)
      %dma_wait3A_754 = arith.constant 0 : i32
      %dma_wait3A_755 = arith.constant 0 : i32
      %dma_wait3A_756 = tpu.memref_slice %arg8[%run_scoped3A_686, %dma_wait3A_754, %dma_wait3A_755] : memref<5x80x64xf32, #tpu.memory_space<vmem>> -> memref<1x80x64xf32, #tpu.memory_space<vmem>>
      %dma_wait3A_757 = tpu.memref_squeeze %dma_wait3A_756 : memref<1x80x64xf32, #tpu.memory_space<vmem>> -> memref<80x64xf32, #tpu.memory_space<vmem>>
      %dma_wait3A_758 = tpu.memref_slice %arg4[%add3A_683, %mul3A_685] : memref<10240x128xf32, #tpu.memory_space<hbm>> -> memref<80x64xf32, #tpu.memory_space<hbm>>
      %dma_wait3A_759 = tpu.memref_slice %arg4[%add3A_683, %mul3A_685] : memref<10240x128xf32, #tpu.memory_space<hbm>> -> memref<80x64xf32, #tpu.memory_space<hbm>>
      %dma_wait3A_760 = arith.constant 0 : i32
      %dma_wait3A_761 = arith.constant 0 : i32
      %dma_wait3A_762 = tpu.memref_slice %arg8[%run_scoped3A_686, %dma_wait3A_760, %dma_wait3A_761] : memref<5x80x64xf32, #tpu.memory_space<vmem>> -> memref<1x80x64xf32, #tpu.memory_space<vmem>>
      %dma_wait3A_763 = tpu.memref_squeeze %dma_wait3A_762 : memref<1x80x64xf32, #tpu.memory_space<vmem>> -> memref<80x64xf32, #tpu.memory_space<vmem>>
      tpu.wait_dma2 semaphore(%run_scoped3A_743 : memref<!tpu.dma_semaphore, #tpu.memory_space<semaphore_mem>>) src(%dma_wait3A_763 : memref<80x64xf32, #tpu.memory_space<vmem>>) dst(%dma_wait3A_759 : memref<80x64xf32, #tpu.memory_space<hbm>>)
      tpu.yield
    }) : () -> ()
    %add3A_687 = arith.constant 480 : i32
    %add3A_688 = arith.addi %mul3A_2, %add3A_687 : i32
    %dma_wait3A_689 = arith.constant 1 : i32
    %dma_wait3A_690 = arith.constant 1 : i32
    %dma_wait3A_691 = arith.constant 0 : i32
    %dma_wait3A_692 = arith.constant 0 : i32
    %dma_wait3A_693 = tpu.memref_slice %arg8[%dma_wait3A_689, %dma_wait3A_691, %dma_wait3A_692] : memref<5x80x64xf32, #tpu.memory_space<vmem>> -> memref<1x80x64xf32, #tpu.memory_space<vmem>>
    %dma_wait3A_694 = tpu.memref_squeeze %dma_wait3A_693 : memref<1x80x64xf32, #tpu.memory_space<vmem>> -> memref<80x64xf32, #tpu.memory_space<vmem>>
    %dma_wait3A_695 = arith.constant 0 : i32
    %dma_wait3A_696 = tpu.memref_slice %arg17[%add3A_688, %dma_wait3A_695] : memref<10240x64xf32, #tpu.memory_space<vmem_shared>> -> memref<80x64xf32, #tpu.memory_space<vmem_shared>>
    %dma_wait3A_697 = tpu.memref_slice %arg13[%dma_wait3A_690] : memref<5x!tpu.dma_semaphore, #tpu.memory_space<semaphore_mem>> -> memref<1x!tpu.dma_semaphore, #tpu.memory_space<semaphore_mem>>
    %dma_wait3A_698 = tpu.memref_squeeze %dma_wait3A_697 : memref<1x!tpu.dma_semaphore, #tpu.memory_space<semaphore_mem>> -> memref<!tpu.dma_semaphore, #tpu.memory_space<semaphore_mem>>
    %dma_wait3A_699 = arith.constant 0 : i32
    %dma_wait3A_700 = arith.constant 0 : i32
    %dma_wait3A_701 = tpu.memref_slice %arg8[%dma_wait3A_689, %dma_wait3A_699, %dma_wait3A_700] : memref<5x80x64xf32, #tpu.memory_space<vmem>> -> memref<1x80x64xf32, #tpu.memory_space<vmem>>
    %dma_wait3A_702 = tpu.memref_squeeze %dma_wait3A_701 : memref<1x80x64xf32, #tpu.memory_space<vmem>> -> memref<80x64xf32, #tpu.memory_space<vmem>>
    %dma_wait3A_703 = arith.constant 0 : i32
    %dma_wait3A_704 = tpu.memref_slice %arg17[%add3A_688, %dma_wait3A_703] : memref<10240x64xf32, #tpu.memory_space<vmem_shared>> -> memref<80x64xf32, #tpu.memory_space<vmem_shared>>
    tpu.wait_dma2 semaphore(%dma_wait3A_698 : memref<!tpu.dma_semaphore, #tpu.memory_space<semaphore_mem>>) src(%dma_wait3A_704 : memref<80x64xf32, #tpu.memory_space<vmem_shared>>) dst(%dma_wait3A_702 : memref<80x64xf32, #tpu.memory_space<vmem>>)
    %add3A_705 = arith.constant 480 : i32
    %add3A_706 = arith.addi %mul3A_2, %add3A_705 : i32
    %mul3A_707 = arith.constant 64 : i32
    %mul3A_708 = arith.muli %arg0, %mul3A_707 : i32
    %run_scoped3A_709 = arith.constant 1 : i32
    "tpu.region"() ({
      %run_scoped3A_743 = tpu.sem_alloc : memref<!tpu.dma_semaphore, #tpu.memory_space<semaphore_mem>>
      %dma_start3A_744 = arith.constant 0 : i32
      %dma_start3A_745 = arith.constant 0 : i32
      %dma_start3A_746 = tpu.memref_slice %arg8[%run_scoped3A_709, %dma_start3A_744, %dma_start3A_745] : memref<5x80x64xf32, #tpu.memory_space<vmem>> -> memref<1x80x64xf32, #tpu.memory_space<vmem>>
      %dma_start3A_747 = tpu.memref_squeeze %dma_start3A_746 : memref<1x80x64xf32, #tpu.memory_space<vmem>> -> memref<80x64xf32, #tpu.memory_space<vmem>>
      %dma_start3A_748 = tpu.memref_slice %arg4[%add3A_706, %mul3A_708] : memref<10240x128xf32, #tpu.memory_space<hbm>> -> memref<80x64xf32, #tpu.memory_space<hbm>>
      %dma_start3A_749 = tpu.memref_slice %arg4[%add3A_706, %mul3A_708] : memref<10240x128xf32, #tpu.memory_space<hbm>> -> memref<80x64xf32, #tpu.memory_space<hbm>>
      %dma_start3A_750 = arith.constant 0 : i32
      %dma_start3A_751 = arith.constant 0 : i32
      %dma_start3A_752 = tpu.memref_slice %arg8[%run_scoped3A_709, %dma_start3A_750, %dma_start3A_751] : memref<5x80x64xf32, #tpu.memory_space<vmem>> -> memref<1x80x64xf32, #tpu.memory_space<vmem>>
      %dma_start3A_753 = tpu.memref_squeeze %dma_start3A_752 : memref<1x80x64xf32, #tpu.memory_space<vmem>> -> memref<80x64xf32, #tpu.memory_space<vmem>>
      tpu.enqueue_dma source(%dma_start3A_753 : memref<80x64xf32, #tpu.memory_space<vmem>>) target(%dma_start3A_749 : memref<80x64xf32, #tpu.memory_space<hbm>>) target_semaphore(%run_scoped3A_743 : memref<!tpu.dma_semaphore, #tpu.memory_space<semaphore_mem>>)
      %dma_wait3A_754 = arith.constant 0 : i32
      %dma_wait3A_755 = arith.constant 0 : i32
      %dma_wait3A_756 = tpu.memref_slice %arg8[%run_scoped3A_709, %dma_wait3A_754, %dma_wait3A_755] : memref<5x80x64xf32, #tpu.memory_space<vmem>> -> memref<1x80x64xf32, #tpu.memory_space<vmem>>
      %dma_wait3A_757 = tpu.memref_squeeze %dma_wait3A_756 : memref<1x80x64xf32, #tpu.memory_space<vmem>> -> memref<80x64xf32, #tpu.memory_space<vmem>>
      %dma_wait3A_758 = tpu.memref_slice %arg4[%add3A_706, %mul3A_708] : memref<10240x128xf32, #tpu.memory_space<hbm>> -> memref<80x64xf32, #tpu.memory_space<hbm>>
      %dma_wait3A_759 = tpu.memref_slice %arg4[%add3A_706, %mul3A_708] : memref<10240x128xf32, #tpu.memory_space<hbm>> -> memref<80x64xf32, #tpu.memory_space<hbm>>
      %dma_wait3A_760 = arith.constant 0 : i32
      %dma_wait3A_761 = arith.constant 0 : i32
      %dma_wait3A_762 = tpu.memref_slice %arg8[%run_scoped3A_709, %dma_wait3A_760, %dma_wait3A_761] : memref<5x80x64xf32, #tpu.memory_space<vmem>> -> memref<1x80x64xf32, #tpu.memory_space<vmem>>
      %dma_wait3A_763 = tpu.memref_squeeze %dma_wait3A_762 : memref<1x80x64xf32, #tpu.memory_space<vmem>> -> memref<80x64xf32, #tpu.memory_space<vmem>>
      tpu.wait_dma2 semaphore(%run_scoped3A_743 : memref<!tpu.dma_semaphore, #tpu.memory_space<semaphore_mem>>) src(%dma_wait3A_763 : memref<80x64xf32, #tpu.memory_space<vmem>>) dst(%dma_wait3A_759 : memref<80x64xf32, #tpu.memory_space<hbm>>)
      tpu.yield
    }) : () -> ()
    %add3A_710 = arith.constant 560 : i32
    %add3A_711 = arith.addi %mul3A_2, %add3A_710 : i32
    %dma_wait3A_712 = arith.constant 2 : i32
    %dma_wait3A_713 = arith.constant 2 : i32
    %dma_wait3A_714 = arith.constant 0 : i32
    %dma_wait3A_715 = arith.constant 0 : i32
    %dma_wait3A_716 = tpu.memref_slice %arg8[%dma_wait3A_712, %dma_wait3A_714, %dma_wait3A_715] : memref<5x80x64xf32, #tpu.memory_space<vmem>> -> memref<1x80x64xf32, #tpu.memory_space<vmem>>
    %dma_wait3A_717 = tpu.memref_squeeze %dma_wait3A_716 : memref<1x80x64xf32, #tpu.memory_space<vmem>> -> memref<80x64xf32, #tpu.memory_space<vmem>>
    %dma_wait3A_718 = arith.constant 0 : i32
    %dma_wait3A_719 = tpu.memref_slice %arg17[%add3A_711, %dma_wait3A_718] : memref<10240x64xf32, #tpu.memory_space<vmem_shared>> -> memref<80x64xf32, #tpu.memory_space<vmem_shared>>
    %dma_wait3A_720 = tpu.memref_slice %arg13[%dma_wait3A_713] : memref<5x!tpu.dma_semaphore, #tpu.memory_space<semaphore_mem>> -> memref<1x!tpu.dma_semaphore, #tpu.memory_space<semaphore_mem>>
    %dma_wait3A_721 = tpu.memref_squeeze %dma_wait3A_720 : memref<1x!tpu.dma_semaphore, #tpu.memory_space<semaphore_mem>> -> memref<!tpu.dma_semaphore, #tpu.memory_space<semaphore_mem>>
    %dma_wait3A_722 = arith.constant 0 : i32
    %dma_wait3A_723 = arith.constant 0 : i32
    %dma_wait3A_724 = tpu.memref_slice %arg8[%dma_wait3A_712, %dma_wait3A_722, %dma_wait3A_723] : memref<5x80x64xf32, #tpu.memory_space<vmem>> -> memref<1x80x64xf32, #tpu.memory_space<vmem>>
    %dma_wait3A_725 = tpu.memref_squeeze %dma_wait3A_724 : memref<1x80x64xf32, #tpu.memory_space<vmem>> -> memref<80x64xf32, #tpu.memory_space<vmem>>
    %dma_wait3A_726 = arith.constant 0 : i32
    %dma_wait3A_727 = tpu.memref_slice %arg17[%add3A_711, %dma_wait3A_726] : memref<10240x64xf32, #tpu.memory_space<vmem_shared>> -> memref<80x64xf32, #tpu.memory_space<vmem_shared>>
    tpu.wait_dma2 semaphore(%dma_wait3A_721 : memref<!tpu.dma_semaphore, #tpu.memory_space<semaphore_mem>>) src(%dma_wait3A_727 : memref<80x64xf32, #tpu.memory_space<vmem_shared>>) dst(%dma_wait3A_725 : memref<80x64xf32, #tpu.memory_space<vmem>>)
    %add3A_728 = arith.constant 560 : i32
    %add3A_729 = arith.addi %mul3A_2, %add3A_728 : i32
    %mul3A_730 = arith.constant 64 : i32
    %mul3A_731 = arith.muli %arg0, %mul3A_730 : i32
    %run_scoped3A_732 = arith.constant 2 : i32
    "tpu.region"() ({
      %run_scoped3A_743 = tpu.sem_alloc : memref<!tpu.dma_semaphore, #tpu.memory_space<semaphore_mem>>
      %dma_start3A_744 = arith.constant 0 : i32
      %dma_start3A_745 = arith.constant 0 : i32
      %dma_start3A_746 = tpu.memref_slice %arg8[%run_scoped3A_732, %dma_start3A_744, %dma_start3A_745] : memref<5x80x64xf32, #tpu.memory_space<vmem>> -> memref<1x80x64xf32, #tpu.memory_space<vmem>>
      %dma_start3A_747 = tpu.memref_squeeze %dma_start3A_746 : memref<1x80x64xf32, #tpu.memory_space<vmem>> -> memref<80x64xf32, #tpu.memory_space<vmem>>
      %dma_start3A_748 = tpu.memref_slice %arg4[%add3A_729, %mul3A_731] : memref<10240x128xf32, #tpu.memory_space<hbm>> -> memref<80x64xf32, #tpu.memory_space<hbm>>
      %dma_start3A_749 = tpu.memref_slice %arg4[%add3A_729, %mul3A_731] : memref<10240x128xf32, #tpu.memory_space<hbm>> -> memref<80x64xf32, #tpu.memory_space<hbm>>
      %dma_start3A_750 = arith.constant 0 : i32
      %dma_start3A_751 = arith.constant 0 : i32
      %dma_start3A_752 = tpu.memref_slice %arg8[%run_scoped3A_732, %dma_start3A_750, %dma_start3A_751] : memref<5x80x64xf32, #tpu.memory_space<vmem>> -> memref<1x80x64xf32, #tpu.memory_space<vmem>>
      %dma_start3A_753 = tpu.memref_squeeze %dma_start3A_752 : memref<1x80x64xf32, #tpu.memory_space<vmem>> -> memref<80x64xf32, #tpu.memory_space<vmem>>
      tpu.enqueue_dma source(%dma_start3A_753 : memref<80x64xf32, #tpu.memory_space<vmem>>) target(%dma_start3A_749 : memref<80x64xf32, #tpu.memory_space<hbm>>) target_semaphore(%run_scoped3A_743 : memref<!tpu.dma_semaphore, #tpu.memory_space<semaphore_mem>>)
      %dma_wait3A_754 = arith.constant 0 : i32
      %dma_wait3A_755 = arith.constant 0 : i32
      %dma_wait3A_756 = tpu.memref_slice %arg8[%run_scoped3A_732, %dma_wait3A_754, %dma_wait3A_755] : memref<5x80x64xf32, #tpu.memory_space<vmem>> -> memref<1x80x64xf32, #tpu.memory_space<vmem>>
      %dma_wait3A_757 = tpu.memref_squeeze %dma_wait3A_756 : memref<1x80x64xf32, #tpu.memory_space<vmem>> -> memref<80x64xf32, #tpu.memory_space<vmem>>
      %dma_wait3A_758 = tpu.memref_slice %arg4[%add3A_729, %mul3A_731] : memref<10240x128xf32, #tpu.memory_space<hbm>> -> memref<80x64xf32, #tpu.memory_space<hbm>>
      %dma_wait3A_759 = tpu.memref_slice %arg4[%add3A_729, %mul3A_731] : memref<10240x128xf32, #tpu.memory_space<hbm>> -> memref<80x64xf32, #tpu.memory_space<hbm>>
      %dma_wait3A_760 = arith.constant 0 : i32
      %dma_wait3A_761 = arith.constant 0 : i32
      %dma_wait3A_762 = tpu.memref_slice %arg8[%run_scoped3A_732, %dma_wait3A_760, %dma_wait3A_761] : memref<5x80x64xf32, #tpu.memory_space<vmem>> -> memref<1x80x64xf32, #tpu.memory_space<vmem>>
      %dma_wait3A_763 = tpu.memref_squeeze %dma_wait3A_762 : memref<1x80x64xf32, #tpu.memory_space<vmem>> -> memref<80x64xf32, #tpu.memory_space<vmem>>
      tpu.wait_dma2 semaphore(%run_scoped3A_743 : memref<!tpu.dma_semaphore, #tpu.memory_space<semaphore_mem>>) src(%dma_wait3A_763 : memref<80x64xf32, #tpu.memory_space<vmem>>) dst(%dma_wait3A_759 : memref<80x64xf32, #tpu.memory_space<hbm>>)
      tpu.yield
    }) : () -> ()
    %add3A_733 = arith.constant 0 : i32
    %add3A_734 = arith.addi %mul3A_2, %add3A_733 : i32
    "tpu.region"() ({
      %run_scoped3A_743 = tpu.sem_alloc : memref<!tpu.dma_semaphore, #tpu.memory_space<semaphore_mem>>
      %dma_start3A_744 = arith.constant 0 : i32
      %dma_start3A_745 = tpu.memref_slice %arg18[%add3A_734, %dma_start3A_744] : memref<10240x16xf32, #tpu.memory_space<vmem_shared>> -> memref<128x16xf32, #tpu.memory_space<vmem_shared>>
      %dma_start3A_746 = arith.constant 0 : i32
      %dma_start3A_747 = tpu.memref_slice %arg18[%add3A_734, %dma_start3A_746] : memref<10240x16xf32, #tpu.memory_space<vmem_shared>> -> memref<128x16xf32, #tpu.memory_space<vmem_shared>>
      tpu.enqueue_dma source(%dma_start3A_747 : memref<128x16xf32, #tpu.memory_space<vmem_shared>>) target(%arg11 : memref<128x16xf32, #tpu.memory_space<vmem>>) target_semaphore(%run_scoped3A_743 : memref<!tpu.dma_semaphore, #tpu.memory_space<semaphore_mem>>)
      %dma_wait3A_748 = arith.constant 0 : i32
      %dma_wait3A_749 = tpu.memref_slice %arg18[%add3A_734, %dma_wait3A_748] : memref<10240x16xf32, #tpu.memory_space<vmem_shared>> -> memref<128x16xf32, #tpu.memory_space<vmem_shared>>
      %dma_wait3A_750 = arith.constant 0 : i32
      %dma_wait3A_751 = tpu.memref_slice %arg18[%add3A_734, %dma_wait3A_750] : memref<10240x16xf32, #tpu.memory_space<vmem_shared>> -> memref<128x16xf32, #tpu.memory_space<vmem_shared>>
      tpu.wait_dma2 semaphore(%run_scoped3A_743 : memref<!tpu.dma_semaphore, #tpu.memory_space<semaphore_mem>>) src(%dma_wait3A_751 : memref<128x16xf32, #tpu.memory_space<vmem_shared>>) dst(%arg11 : memref<128x16xf32, #tpu.memory_space<vmem>>)
      tpu.yield
    }) : () -> ()
    "tpu.region"() ({
      %run_scoped3A_743 = tpu.sem_alloc : memref<!tpu.dma_semaphore, #tpu.memory_space<semaphore_mem>>
      %dma_start3A_744 = arith.constant 0 : i32
      %dma_start3A_745 = tpu.memref_slice %arg5[%arg0, %add3A_734, %dma_start3A_744] : memref<2x10240x16xf32, #tpu.memory_space<hbm>> -> memref<1x128x16xf32, #tpu.memory_space<hbm>>
      %dma_start3A_746 = tpu.memref_squeeze %dma_start3A_745 : memref<1x128x16xf32, #tpu.memory_space<hbm>> -> memref<128x16xf32, #tpu.memory_space<hbm>>
      %dma_start3A_747 = arith.constant 0 : i32
      %dma_start3A_748 = tpu.memref_slice %arg5[%arg0, %add3A_734, %dma_start3A_747] : memref<2x10240x16xf32, #tpu.memory_space<hbm>> -> memref<1x128x16xf32, #tpu.memory_space<hbm>>
      %dma_start3A_749 = tpu.memref_squeeze %dma_start3A_748 : memref<1x128x16xf32, #tpu.memory_space<hbm>> -> memref<128x16xf32, #tpu.memory_space<hbm>>
      tpu.enqueue_dma source(%arg11 : memref<128x16xf32, #tpu.memory_space<vmem>>) target(%dma_start3A_749 : memref<128x16xf32, #tpu.memory_space<hbm>>) target_semaphore(%run_scoped3A_743 : memref<!tpu.dma_semaphore, #tpu.memory_space<semaphore_mem>>)
      %dma_wait3A_750 = arith.constant 0 : i32
      %dma_wait3A_751 = tpu.memref_slice %arg5[%arg0, %add3A_734, %dma_wait3A_750] : memref<2x10240x16xf32, #tpu.memory_space<hbm>> -> memref<1x128x16xf32, #tpu.memory_space<hbm>>
      %dma_wait3A_752 = tpu.memref_squeeze %dma_wait3A_751 : memref<1x128x16xf32, #tpu.memory_space<hbm>> -> memref<128x16xf32, #tpu.memory_space<hbm>>
      %dma_wait3A_753 = arith.constant 0 : i32
      %dma_wait3A_754 = tpu.memref_slice %arg5[%arg0, %add3A_734, %dma_wait3A_753] : memref<2x10240x16xf32, #tpu.memory_space<hbm>> -> memref<1x128x16xf32, #tpu.memory_space<hbm>>
      %dma_wait3A_755 = tpu.memref_squeeze %dma_wait3A_754 : memref<1x128x16xf32, #tpu.memory_space<hbm>> -> memref<128x16xf32, #tpu.memory_space<hbm>>
      tpu.wait_dma2 semaphore(%run_scoped3A_743 : memref<!tpu.dma_semaphore, #tpu.memory_space<semaphore_mem>>) src(%arg11 : memref<128x16xf32, #tpu.memory_space<vmem>>) dst(%dma_wait3A_755 : memref<128x16xf32, #tpu.memory_space<hbm>>)
      tpu.yield
    }) : () -> ()
    %add3A_735 = arith.constant 128 : i32
    %add3A_736 = arith.addi %mul3A_2, %add3A_735 : i32
    "tpu.region"() ({
      %run_scoped3A_743 = tpu.sem_alloc : memref<!tpu.dma_semaphore, #tpu.memory_space<semaphore_mem>>
      %dma_start3A_744 = arith.constant 0 : i32
      %dma_start3A_745 = tpu.memref_slice %arg18[%add3A_736, %dma_start3A_744] : memref<10240x16xf32, #tpu.memory_space<vmem_shared>> -> memref<128x16xf32, #tpu.memory_space<vmem_shared>>
      %dma_start3A_746 = arith.constant 0 : i32
      %dma_start3A_747 = tpu.memref_slice %arg18[%add3A_736, %dma_start3A_746] : memref<10240x16xf32, #tpu.memory_space<vmem_shared>> -> memref<128x16xf32, #tpu.memory_space<vmem_shared>>
      tpu.enqueue_dma source(%dma_start3A_747 : memref<128x16xf32, #tpu.memory_space<vmem_shared>>) target(%arg11 : memref<128x16xf32, #tpu.memory_space<vmem>>) target_semaphore(%run_scoped3A_743 : memref<!tpu.dma_semaphore, #tpu.memory_space<semaphore_mem>>)
      %dma_wait3A_748 = arith.constant 0 : i32
      %dma_wait3A_749 = tpu.memref_slice %arg18[%add3A_736, %dma_wait3A_748] : memref<10240x16xf32, #tpu.memory_space<vmem_shared>> -> memref<128x16xf32, #tpu.memory_space<vmem_shared>>
      %dma_wait3A_750 = arith.constant 0 : i32
      %dma_wait3A_751 = tpu.memref_slice %arg18[%add3A_736, %dma_wait3A_750] : memref<10240x16xf32, #tpu.memory_space<vmem_shared>> -> memref<128x16xf32, #tpu.memory_space<vmem_shared>>
      tpu.wait_dma2 semaphore(%run_scoped3A_743 : memref<!tpu.dma_semaphore, #tpu.memory_space<semaphore_mem>>) src(%dma_wait3A_751 : memref<128x16xf32, #tpu.memory_space<vmem_shared>>) dst(%arg11 : memref<128x16xf32, #tpu.memory_space<vmem>>)
      tpu.yield
    }) : () -> ()
    "tpu.region"() ({
      %run_scoped3A_743 = tpu.sem_alloc : memref<!tpu.dma_semaphore, #tpu.memory_space<semaphore_mem>>
      %dma_start3A_744 = arith.constant 0 : i32
      %dma_start3A_745 = tpu.memref_slice %arg5[%arg0, %add3A_736, %dma_start3A_744] : memref<2x10240x16xf32, #tpu.memory_space<hbm>> -> memref<1x128x16xf32, #tpu.memory_space<hbm>>
      %dma_start3A_746 = tpu.memref_squeeze %dma_start3A_745 : memref<1x128x16xf32, #tpu.memory_space<hbm>> -> memref<128x16xf32, #tpu.memory_space<hbm>>
      %dma_start3A_747 = arith.constant 0 : i32
      %dma_start3A_748 = tpu.memref_slice %arg5[%arg0, %add3A_736, %dma_start3A_747] : memref<2x10240x16xf32, #tpu.memory_space<hbm>> -> memref<1x128x16xf32, #tpu.memory_space<hbm>>
      %dma_start3A_749 = tpu.memref_squeeze %dma_start3A_748 : memref<1x128x16xf32, #tpu.memory_space<hbm>> -> memref<128x16xf32, #tpu.memory_space<hbm>>
      tpu.enqueue_dma source(%arg11 : memref<128x16xf32, #tpu.memory_space<vmem>>) target(%dma_start3A_749 : memref<128x16xf32, #tpu.memory_space<hbm>>) target_semaphore(%run_scoped3A_743 : memref<!tpu.dma_semaphore, #tpu.memory_space<semaphore_mem>>)
      %dma_wait3A_750 = arith.constant 0 : i32
      %dma_wait3A_751 = tpu.memref_slice %arg5[%arg0, %add3A_736, %dma_wait3A_750] : memref<2x10240x16xf32, #tpu.memory_space<hbm>> -> memref<1x128x16xf32, #tpu.memory_space<hbm>>
      %dma_wait3A_752 = tpu.memref_squeeze %dma_wait3A_751 : memref<1x128x16xf32, #tpu.memory_space<hbm>> -> memref<128x16xf32, #tpu.memory_space<hbm>>
      %dma_wait3A_753 = arith.constant 0 : i32
      %dma_wait3A_754 = tpu.memref_slice %arg5[%arg0, %add3A_736, %dma_wait3A_753] : memref<2x10240x16xf32, #tpu.memory_space<hbm>> -> memref<1x128x16xf32, #tpu.memory_space<hbm>>
      %dma_wait3A_755 = tpu.memref_squeeze %dma_wait3A_754 : memref<1x128x16xf32, #tpu.memory_space<hbm>> -> memref<128x16xf32, #tpu.memory_space<hbm>>
      tpu.wait_dma2 semaphore(%run_scoped3A_743 : memref<!tpu.dma_semaphore, #tpu.memory_space<semaphore_mem>>) src(%arg11 : memref<128x16xf32, #tpu.memory_space<vmem>>) dst(%dma_wait3A_755 : memref<128x16xf32, #tpu.memory_space<hbm>>)
      tpu.yield
    }) : () -> ()
    %add3A_737 = arith.constant 256 : i32
    %add3A_738 = arith.addi %mul3A_2, %add3A_737 : i32
    "tpu.region"() ({
      %run_scoped3A_743 = tpu.sem_alloc : memref<!tpu.dma_semaphore, #tpu.memory_space<semaphore_mem>>
      %dma_start3A_744 = arith.constant 0 : i32
      %dma_start3A_745 = tpu.memref_slice %arg18[%add3A_738, %dma_start3A_744] : memref<10240x16xf32, #tpu.memory_space<vmem_shared>> -> memref<128x16xf32, #tpu.memory_space<vmem_shared>>
      %dma_start3A_746 = arith.constant 0 : i32
      %dma_start3A_747 = tpu.memref_slice %arg18[%add3A_738, %dma_start3A_746] : memref<10240x16xf32, #tpu.memory_space<vmem_shared>> -> memref<128x16xf32, #tpu.memory_space<vmem_shared>>
      tpu.enqueue_dma source(%dma_start3A_747 : memref<128x16xf32, #tpu.memory_space<vmem_shared>>) target(%arg11 : memref<128x16xf32, #tpu.memory_space<vmem>>) target_semaphore(%run_scoped3A_743 : memref<!tpu.dma_semaphore, #tpu.memory_space<semaphore_mem>>)
      %dma_wait3A_748 = arith.constant 0 : i32
      %dma_wait3A_749 = tpu.memref_slice %arg18[%add3A_738, %dma_wait3A_748] : memref<10240x16xf32, #tpu.memory_space<vmem_shared>> -> memref<128x16xf32, #tpu.memory_space<vmem_shared>>
      %dma_wait3A_750 = arith.constant 0 : i32
      %dma_wait3A_751 = tpu.memref_slice %arg18[%add3A_738, %dma_wait3A_750] : memref<10240x16xf32, #tpu.memory_space<vmem_shared>> -> memref<128x16xf32, #tpu.memory_space<vmem_shared>>
      tpu.wait_dma2 semaphore(%run_scoped3A_743 : memref<!tpu.dma_semaphore, #tpu.memory_space<semaphore_mem>>) src(%dma_wait3A_751 : memref<128x16xf32, #tpu.memory_space<vmem_shared>>) dst(%arg11 : memref<128x16xf32, #tpu.memory_space<vmem>>)
      tpu.yield
    }) : () -> ()
    "tpu.region"() ({
      %run_scoped3A_743 = tpu.sem_alloc : memref<!tpu.dma_semaphore, #tpu.memory_space<semaphore_mem>>
      %dma_start3A_744 = arith.constant 0 : i32
      %dma_start3A_745 = tpu.memref_slice %arg5[%arg0, %add3A_738, %dma_start3A_744] : memref<2x10240x16xf32, #tpu.memory_space<hbm>> -> memref<1x128x16xf32, #tpu.memory_space<hbm>>
      %dma_start3A_746 = tpu.memref_squeeze %dma_start3A_745 : memref<1x128x16xf32, #tpu.memory_space<hbm>> -> memref<128x16xf32, #tpu.memory_space<hbm>>
      %dma_start3A_747 = arith.constant 0 : i32
      %dma_start3A_748 = tpu.memref_slice %arg5[%arg0, %add3A_738, %dma_start3A_747] : memref<2x10240x16xf32, #tpu.memory_space<hbm>> -> memref<1x128x16xf32, #tpu.memory_space<hbm>>
      %dma_start3A_749 = tpu.memref_squeeze %dma_start3A_748 : memref<1x128x16xf32, #tpu.memory_space<hbm>> -> memref<128x16xf32, #tpu.memory_space<hbm>>
      tpu.enqueue_dma source(%arg11 : memref<128x16xf32, #tpu.memory_space<vmem>>) target(%dma_start3A_749 : memref<128x16xf32, #tpu.memory_space<hbm>>) target_semaphore(%run_scoped3A_743 : memref<!tpu.dma_semaphore, #tpu.memory_space<semaphore_mem>>)
      %dma_wait3A_750 = arith.constant 0 : i32
      %dma_wait3A_751 = tpu.memref_slice %arg5[%arg0, %add3A_738, %dma_wait3A_750] : memref<2x10240x16xf32, #tpu.memory_space<hbm>> -> memref<1x128x16xf32, #tpu.memory_space<hbm>>
      %dma_wait3A_752 = tpu.memref_squeeze %dma_wait3A_751 : memref<1x128x16xf32, #tpu.memory_space<hbm>> -> memref<128x16xf32, #tpu.memory_space<hbm>>
      %dma_wait3A_753 = arith.constant 0 : i32
      %dma_wait3A_754 = tpu.memref_slice %arg5[%arg0, %add3A_738, %dma_wait3A_753] : memref<2x10240x16xf32, #tpu.memory_space<hbm>> -> memref<1x128x16xf32, #tpu.memory_space<hbm>>
      %dma_wait3A_755 = tpu.memref_squeeze %dma_wait3A_754 : memref<1x128x16xf32, #tpu.memory_space<hbm>> -> memref<128x16xf32, #tpu.memory_space<hbm>>
      tpu.wait_dma2 semaphore(%run_scoped3A_743 : memref<!tpu.dma_semaphore, #tpu.memory_space<semaphore_mem>>) src(%arg11 : memref<128x16xf32, #tpu.memory_space<vmem>>) dst(%dma_wait3A_755 : memref<128x16xf32, #tpu.memory_space<hbm>>)
      tpu.yield
    }) : () -> ()
    %add3A_739 = arith.constant 384 : i32
    %add3A_740 = arith.addi %mul3A_2, %add3A_739 : i32
    "tpu.region"() ({
      %run_scoped3A_743 = tpu.sem_alloc : memref<!tpu.dma_semaphore, #tpu.memory_space<semaphore_mem>>
      %dma_start3A_744 = arith.constant 0 : i32
      %dma_start3A_745 = tpu.memref_slice %arg18[%add3A_740, %dma_start3A_744] : memref<10240x16xf32, #tpu.memory_space<vmem_shared>> -> memref<128x16xf32, #tpu.memory_space<vmem_shared>>
      %dma_start3A_746 = arith.constant 0 : i32
      %dma_start3A_747 = tpu.memref_slice %arg18[%add3A_740, %dma_start3A_746] : memref<10240x16xf32, #tpu.memory_space<vmem_shared>> -> memref<128x16xf32, #tpu.memory_space<vmem_shared>>
      tpu.enqueue_dma source(%dma_start3A_747 : memref<128x16xf32, #tpu.memory_space<vmem_shared>>) target(%arg11 : memref<128x16xf32, #tpu.memory_space<vmem>>) target_semaphore(%run_scoped3A_743 : memref<!tpu.dma_semaphore, #tpu.memory_space<semaphore_mem>>)
      %dma_wait3A_748 = arith.constant 0 : i32
      %dma_wait3A_749 = tpu.memref_slice %arg18[%add3A_740, %dma_wait3A_748] : memref<10240x16xf32, #tpu.memory_space<vmem_shared>> -> memref<128x16xf32, #tpu.memory_space<vmem_shared>>
      %dma_wait3A_750 = arith.constant 0 : i32
      %dma_wait3A_751 = tpu.memref_slice %arg18[%add3A_740, %dma_wait3A_750] : memref<10240x16xf32, #tpu.memory_space<vmem_shared>> -> memref<128x16xf32, #tpu.memory_space<vmem_shared>>
      tpu.wait_dma2 semaphore(%run_scoped3A_743 : memref<!tpu.dma_semaphore, #tpu.memory_space<semaphore_mem>>) src(%dma_wait3A_751 : memref<128x16xf32, #tpu.memory_space<vmem_shared>>) dst(%arg11 : memref<128x16xf32, #tpu.memory_space<vmem>>)
      tpu.yield
    }) : () -> ()
    "tpu.region"() ({
      %run_scoped3A_743 = tpu.sem_alloc : memref<!tpu.dma_semaphore, #tpu.memory_space<semaphore_mem>>
      %dma_start3A_744 = arith.constant 0 : i32
      %dma_start3A_745 = tpu.memref_slice %arg5[%arg0, %add3A_740, %dma_start3A_744] : memref<2x10240x16xf32, #tpu.memory_space<hbm>> -> memref<1x128x16xf32, #tpu.memory_space<hbm>>
      %dma_start3A_746 = tpu.memref_squeeze %dma_start3A_745 : memref<1x128x16xf32, #tpu.memory_space<hbm>> -> memref<128x16xf32, #tpu.memory_space<hbm>>
      %dma_start3A_747 = arith.constant 0 : i32
      %dma_start3A_748 = tpu.memref_slice %arg5[%arg0, %add3A_740, %dma_start3A_747] : memref<2x10240x16xf32, #tpu.memory_space<hbm>> -> memref<1x128x16xf32, #tpu.memory_space<hbm>>
      %dma_start3A_749 = tpu.memref_squeeze %dma_start3A_748 : memref<1x128x16xf32, #tpu.memory_space<hbm>> -> memref<128x16xf32, #tpu.memory_space<hbm>>
      tpu.enqueue_dma source(%arg11 : memref<128x16xf32, #tpu.memory_space<vmem>>) target(%dma_start3A_749 : memref<128x16xf32, #tpu.memory_space<hbm>>) target_semaphore(%run_scoped3A_743 : memref<!tpu.dma_semaphore, #tpu.memory_space<semaphore_mem>>)
      %dma_wait3A_750 = arith.constant 0 : i32
      %dma_wait3A_751 = tpu.memref_slice %arg5[%arg0, %add3A_740, %dma_wait3A_750] : memref<2x10240x16xf32, #tpu.memory_space<hbm>> -> memref<1x128x16xf32, #tpu.memory_space<hbm>>
      %dma_wait3A_752 = tpu.memref_squeeze %dma_wait3A_751 : memref<1x128x16xf32, #tpu.memory_space<hbm>> -> memref<128x16xf32, #tpu.memory_space<hbm>>
      %dma_wait3A_753 = arith.constant 0 : i32
      %dma_wait3A_754 = tpu.memref_slice %arg5[%arg0, %add3A_740, %dma_wait3A_753] : memref<2x10240x16xf32, #tpu.memory_space<hbm>> -> memref<1x128x16xf32, #tpu.memory_space<hbm>>
      %dma_wait3A_755 = tpu.memref_squeeze %dma_wait3A_754 : memref<1x128x16xf32, #tpu.memory_space<hbm>> -> memref<128x16xf32, #tpu.memory_space<hbm>>
      tpu.wait_dma2 semaphore(%run_scoped3A_743 : memref<!tpu.dma_semaphore, #tpu.memory_space<semaphore_mem>>) src(%arg11 : memref<128x16xf32, #tpu.memory_space<vmem>>) dst(%dma_wait3A_755 : memref<128x16xf32, #tpu.memory_space<hbm>>)
      tpu.yield
    }) : () -> ()
    %add3A_741 = arith.constant 512 : i32
    %add3A_742 = arith.addi %mul3A_2, %add3A_741 : i32
    "tpu.region"() ({
      %run_scoped3A_743 = tpu.sem_alloc : memref<!tpu.dma_semaphore, #tpu.memory_space<semaphore_mem>>
      %dma_start3A_744 = arith.constant 0 : i32
      %dma_start3A_745 = tpu.memref_slice %arg18[%add3A_742, %dma_start3A_744] : memref<10240x16xf32, #tpu.memory_space<vmem_shared>> -> memref<128x16xf32, #tpu.memory_space<vmem_shared>>
      %dma_start3A_746 = arith.constant 0 : i32
      %dma_start3A_747 = tpu.memref_slice %arg18[%add3A_742, %dma_start3A_746] : memref<10240x16xf32, #tpu.memory_space<vmem_shared>> -> memref<128x16xf32, #tpu.memory_space<vmem_shared>>
      tpu.enqueue_dma source(%dma_start3A_747 : memref<128x16xf32, #tpu.memory_space<vmem_shared>>) target(%arg11 : memref<128x16xf32, #tpu.memory_space<vmem>>) target_semaphore(%run_scoped3A_743 : memref<!tpu.dma_semaphore, #tpu.memory_space<semaphore_mem>>)
      %dma_wait3A_748 = arith.constant 0 : i32
      %dma_wait3A_749 = tpu.memref_slice %arg18[%add3A_742, %dma_wait3A_748] : memref<10240x16xf32, #tpu.memory_space<vmem_shared>> -> memref<128x16xf32, #tpu.memory_space<vmem_shared>>
      %dma_wait3A_750 = arith.constant 0 : i32
      %dma_wait3A_751 = tpu.memref_slice %arg18[%add3A_742, %dma_wait3A_750] : memref<10240x16xf32, #tpu.memory_space<vmem_shared>> -> memref<128x16xf32, #tpu.memory_space<vmem_shared>>
      tpu.wait_dma2 semaphore(%run_scoped3A_743 : memref<!tpu.dma_semaphore, #tpu.memory_space<semaphore_mem>>) src(%dma_wait3A_751 : memref<128x16xf32, #tpu.memory_space<vmem_shared>>) dst(%arg11 : memref<128x16xf32, #tpu.memory_space<vmem>>)
      tpu.yield
    }) : () -> ()
    "tpu.region"() ({
      %run_scoped3A_743 = tpu.sem_alloc : memref<!tpu.dma_semaphore, #tpu.memory_space<semaphore_mem>>
      %dma_start3A_744 = arith.constant 0 : i32
      %dma_start3A_745 = tpu.memref_slice %arg5[%arg0, %add3A_742, %dma_start3A_744] : memref<2x10240x16xf32, #tpu.memory_space<hbm>> -> memref<1x128x16xf32, #tpu.memory_space<hbm>>
      %dma_start3A_746 = tpu.memref_squeeze %dma_start3A_745 : memref<1x128x16xf32, #tpu.memory_space<hbm>> -> memref<128x16xf32, #tpu.memory_space<hbm>>
      %dma_start3A_747 = arith.constant 0 : i32
      %dma_start3A_748 = tpu.memref_slice %arg5[%arg0, %add3A_742, %dma_start3A_747] : memref<2x10240x16xf32, #tpu.memory_space<hbm>> -> memref<1x128x16xf32, #tpu.memory_space<hbm>>
      %dma_start3A_749 = tpu.memref_squeeze %dma_start3A_748 : memref<1x128x16xf32, #tpu.memory_space<hbm>> -> memref<128x16xf32, #tpu.memory_space<hbm>>
      tpu.enqueue_dma source(%arg11 : memref<128x16xf32, #tpu.memory_space<vmem>>) target(%dma_start3A_749 : memref<128x16xf32, #tpu.memory_space<hbm>>) target_semaphore(%run_scoped3A_743 : memref<!tpu.dma_semaphore, #tpu.memory_space<semaphore_mem>>)
      %dma_wait3A_750 = arith.constant 0 : i32
      %dma_wait3A_751 = tpu.memref_slice %arg5[%arg0, %add3A_742, %dma_wait3A_750] : memref<2x10240x16xf32, #tpu.memory_space<hbm>> -> memref<1x128x16xf32, #tpu.memory_space<hbm>>
      %dma_wait3A_752 = tpu.memref_squeeze %dma_wait3A_751 : memref<1x128x16xf32, #tpu.memory_space<hbm>> -> memref<128x16xf32, #tpu.memory_space<hbm>>
      %dma_wait3A_753 = arith.constant 0 : i32
      %dma_wait3A_754 = tpu.memref_slice %arg5[%arg0, %add3A_742, %dma_wait3A_753] : memref<2x10240x16xf32, #tpu.memory_space<hbm>> -> memref<1x128x16xf32, #tpu.memory_space<hbm>>
      %dma_wait3A_755 = tpu.memref_squeeze %dma_wait3A_754 : memref<1x128x16xf32, #tpu.memory_space<hbm>> -> memref<128x16xf32, #tpu.memory_space<hbm>>
      tpu.wait_dma2 semaphore(%run_scoped3A_743 : memref<!tpu.dma_semaphore, #tpu.memory_space<semaphore_mem>>) src(%arg11 : memref<128x16xf32, #tpu.memory_space<vmem>>) dst(%dma_wait3A_755 : memref<128x16xf32, #tpu.memory_space<hbm>>)
      tpu.yield
    }) : () -> ()
    return
  }
}

module attributes {stable_mosaic.version = 14 : i64} {
  func.func @_tc_body(%arg0: i32, %arg1: memref<1024x128xf32, #tpu.memory_space<vmem>>, %arg2: memref<128x128xf32, #tpu.memory_space<vmem>>, %arg3: memref<128x128xf32, #tpu.memory_space<vmem>>, %arg4: memref<1024x128xf32, #tpu.memory_space<vmem>>, %arg5: memref<128x128xf32, #tpu.memory_space<vmem>>, %arg6: memref<128x128xf32, #tpu.memory_space<vmem>>, %arg7: memref<1x128xf32, #tpu.memory_space<vmem>>, %arg8: memref<1024x128xf32, #tpu.memory_space<vmem>>) attributes {dimension_semantics = [#tpu.dimension_semantics<arbitrary>], iteration_bounds = array<i64: 10>, scalar_prefetch = 0 : i64, scratch_operands = 0 : i64, tpu.core_type = #tpu.core_type<tc>, window_params = [{transform_indices = @transform_0, window_bounds = array<i64: 1024, 128>}, {transform_indices = @transform_1, window_bounds = array<i64: 128, 128>}, {transform_indices = @transform_2, window_bounds = array<i64: 128, 128>}, {transform_indices = @transform_3, window_bounds = array<i64: 1024, 128>}, {pipeline_mode = #tpu.pipeline_mode<synchronous>, transform_indices = @transform_4, window_bounds = array<i64: 128, 128>}, {pipeline_mode = #tpu.pipeline_mode<synchronous>, transform_indices = @transform_5, window_bounds = array<i64: 128, 128>}, {pipeline_mode = #tpu.pipeline_mode<synchronous>, transform_indices = @transform_6, window_bounds = array<i64: 1, 128>}, {transform_indices = @transform_7, window_bounds = array<i64: 1024, 128>}]} {
    %get3A = arith.constant 0 : index
    %get3A_0 = arith.constant 0 : index
    %get3A_1 = vector.load %arg1[%get3A, %get3A_0] : memref<1024x128xf32, #tpu.memory_space<vmem>>, vector<1024x128xf32>
    %get3A_2 = arith.constant 0 : index
    %get3A_3 = arith.constant 0 : index
    %get3A_4 = vector.load %arg2[%get3A_2, %get3A_3] : memref<128x128xf32, #tpu.memory_space<vmem>>, vector<128x128xf32>
    %get3A_5 = arith.constant 0 : index
    %get3A_6 = arith.constant 0 : index
    %get3A_7 = vector.load %arg3[%get3A_5, %get3A_6] : memref<128x128xf32, #tpu.memory_space<vmem>>, vector<128x128xf32>
    %add3A = arith.addf %get3A_4, %get3A_7 : vector<128x128xf32>
    %broadcast_in_dim3A = vector.shape_cast %add3A : vector<128x128xf32> to vector<128x1x128xf32>
    %broadcast_in_dim3A_8 = vector.broadcast %broadcast_in_dim3A : vector<128x1x128xf32> to vector<128x8x128xf32>
    %reshape3A = vector.shape_cast %broadcast_in_dim3A_8 : vector<128x8x128xf32> to vector<1024x128xf32>
    %iota3A = tpu.iota {dimensions = array<i32: 0>} : vector<1024x128xi32>
    %iota3A_9 = tpu.iota {dimensions = array<i32: 1>} : vector<1024x128xi32>
    %jit3A = arith.constant 16 : i32
    %div3A = vector.broadcast %jit3A : i32 to vector<1024x128xi32>
    %div3A_10 = arith.divsi %iota3A_9, %div3A : vector<1024x128xi32>
    %sign3A = arith.constant 0 : i32
    %sign3A_11 = vector.broadcast %sign3A : i32 to vector<1024x128xi32>
    %sign3A_12 = arith.cmpi sgt, %iota3A_9, %sign3A_11 : vector<1024x128xi32>
    %sign3A_13 = arith.extui %sign3A_12 : vector<1024x128xi1> to vector<1024x128xi32>
    %sign3A_14 = arith.constant 0 : i32
    %sign3A_15 = vector.broadcast %sign3A_14 : i32 to vector<1024x128xi32>
    %sign3A_16 = arith.cmpi slt, %iota3A_9, %sign3A_15 : vector<1024x128xi32>
    %sign3A_17 = arith.extui %sign3A_16 : vector<1024x128xi1> to vector<1024x128xi32>
    %sign3A_18 = arith.subi %sign3A_13, %sign3A_17 : vector<1024x128xi32>
    %sign3A_19 = arith.constant 0 : i32
    %sign3A_20 = arith.cmpi sgt, %jit3A, %sign3A_19 : i32
    %sign3A_21 = arith.extui %sign3A_20 : i1 to i32
    %sign3A_22 = arith.constant 0 : i32
    %sign3A_23 = arith.cmpi slt, %jit3A, %sign3A_22 : i32
    %sign3A_24 = arith.extui %sign3A_23 : i1 to i32
    %sign3A_25 = arith.subi %sign3A_21, %sign3A_24 : i32
    %ne3A = vector.broadcast %sign3A_25 : i32 to vector<1024x128xi32>
    %ne3A_26 = arith.cmpi ne, %sign3A_18, %ne3A : vector<1024x128xi32>
    %rem3A = vector.broadcast %jit3A : i32 to vector<1024x128xi32>
    %rem3A_27 = arith.remsi %iota3A_9, %rem3A : vector<1024x128xi32>
    %ne3A_28 = arith.constant 0 : i32
    %ne3A_29 = vector.broadcast %ne3A_28 : i32 to vector<1024x128xi32>
    %ne3A_30 = arith.cmpi ne, %rem3A_27, %ne3A_29 : vector<1024x128xi32>
    %and3A = arith.andi %ne3A_26, %ne3A_30 : vector<1024x128xi1>
    %sub3A = arith.constant 1 : i32
    %sub3A_31 = vector.broadcast %sub3A : i32 to vector<1024x128xi32>
    %sub3A_32 = arith.subi %div3A_10, %sub3A_31 : vector<1024x128xi32>
    %select_n3A = arith.select %and3A, %sub3A_32, %div3A_10 : vector<1024x128xi1>, vector<1024x128xi32>
    %jit3A_33 = arith.constant 8 : i32
    %eq3A = arith.constant 0 : i32
    %eq3A_34 = arith.cmpi eq, %jit3A_33, %eq3A : i32
    %jit3A_35 = arith.constant 1 : i32
    %select_n3A_36 = arith.select %eq3A_34, %jit3A_35, %jit3A_33 : i32
    %rem3A_37 = vector.broadcast %select_n3A_36 : i32 to vector<1024x128xi32>
    %rem3A_38 = arith.remsi %iota3A, %rem3A_37 : vector<1024x128xi32>
    %ne3A_39 = arith.constant 0 : i32
    %ne3A_40 = vector.broadcast %ne3A_39 : i32 to vector<1024x128xi32>
    %ne3A_41 = arith.cmpi ne, %rem3A_38, %ne3A_40 : vector<1024x128xi32>
    %lt3A = arith.constant 0 : i32
    %lt3A_42 = vector.broadcast %lt3A : i32 to vector<1024x128xi32>
    %lt3A_43 = arith.cmpi slt, %rem3A_38, %lt3A_42 : vector<1024x128xi32>
    %lt3A_44 = arith.constant 0 : i32
    %lt3A_45 = arith.cmpi slt, %select_n3A_36, %lt3A_44 : i32
    %ne3A_46 = vector.broadcast %lt3A_45 : i1 to vector<1024x128xi1>
    %ne3A_47 = vector.broadcast %ne3A_46 : vector<1024x128xi1> to vector<1024x128xi1>
    %ne3A_48 = arith.xori %lt3A_43, %ne3A_47 : vector<1024x128xi1>
    %and3A_49 = arith.andi %ne3A_48, %ne3A_41 : vector<1024x128xi1>
    %add3A_50 = vector.broadcast %select_n3A_36 : i32 to vector<1024x128xi32>
    %add3A_51 = arith.addi %rem3A_38, %add3A_50 : vector<1024x128xi32>
    %select_n3A_52 = arith.select %and3A_49, %add3A_51, %rem3A_38 : vector<1024x128xi1>, vector<1024x128xi32>
    %eq3A_53 = arith.cmpi eq, %select_n3A, %select_n3A_52 : vector<1024x128xi32>
    %jit3A_54 = arith.constant 0.000000e+00 : f32
    %broadcast_in_dim3A_55 = vector.broadcast %jit3A_54 : f32 to vector<1024x128xf32>
    %select_n3A_56 = arith.select %eq3A_53, %reshape3A, %broadcast_in_dim3A_55 : vector<1024x128xi1>, vector<1024x128xf32>
    %reduce_sum3A = arith.constant dense<0.000000e+00> : vector<1024xf32>
    %reduce_sum3A_57 = vector.multi_reduction <add>, %select_n3A_56, %reduce_sum3A [1] : vector<1024x128xf32> to vector<1024xf32>
    %broadcast_in_dim3A_58 = vector.shape_cast %reduce_sum3A_57 : vector<1024xf32> to vector<1024x1xf32>
    %mul3A = arith.constant 6.250000e-02 : f32
    %mul3A_59 = vector.broadcast %mul3A : f32 to vector<1024x1xf32>
    %mul3A_60 = arith.mulf %broadcast_in_dim3A_58, %mul3A_59 : vector<1024x1xf32>
    %jit3A_61 = arith.constant 1.000000e+00 : f32
    %max3A = vector.broadcast %jit3A_61 : f32 to vector<1024x1xf32>
    %max3A_62 = arith.maximumf %max3A, %mul3A_60 : vector<1024x1xf32>
    %div3A_63 = vector.broadcast %max3A_62 : vector<1024x1xf32> to vector<1024x128xf32>
    %div3A_64 = arith.divf %get3A_1, %div3A_63 : vector<1024x128xf32>
    %get3A_65 = arith.constant 0 : index
    %get3A_66 = arith.constant 0 : index
    %get3A_67 = vector.load %arg5[%get3A_65, %get3A_66] : memref<128x128xf32, #tpu.memory_space<vmem>>, vector<128x128xf32>
    %dot_general3A = arith.constant dense<0.000000e+00> : vector<1024x128xf32>
    %dot_general3A_68 = tpu.matmul %div3A_64, %get3A_67, %dot_general3A {dimension_numbers = #tpu.dot_dimension_numbers<[1], [1], [0], [0], [0, 0, 1, 0], [], []>, transpose_lhs_hint = false} : vector<1024x128xf32>, vector<128x128xf32>, vector<1024x128xf32> -> vector<1024x128xf32>
    %get3A_69 = arith.constant 0 : index
    %get3A_70 = arith.constant 0 : index
    %get3A_71 = vector.load %arg4[%get3A_69, %get3A_70] : memref<1024x128xf32, #tpu.memory_space<vmem>>, vector<1024x128xf32>
    %get3A_72 = arith.constant 0 : index
    %get3A_73 = arith.constant 0 : index
    %get3A_74 = vector.load %arg6[%get3A_72, %get3A_73] : memref<128x128xf32, #tpu.memory_space<vmem>>, vector<128x128xf32>
    %dot_general3A_75 = arith.constant dense<0.000000e+00> : vector<1024x128xf32>
    %dot_general3A_76 = tpu.matmul %get3A_71, %get3A_74, %dot_general3A_75 {dimension_numbers = #tpu.dot_dimension_numbers<[1], [1], [0], [0], [0, 0, 1, 0], [], []>, transpose_lhs_hint = false} : vector<1024x128xf32>, vector<128x128xf32>, vector<1024x128xf32> -> vector<1024x128xf32>
    %add3A_77 = arith.addf %dot_general3A_68, %dot_general3A_76 : vector<1024x128xf32>
    %get3A_78 = arith.constant 0 : index
    %get3A_79 = arith.constant 0 : index
    %get3A_80 = vector.load %arg7[%get3A_78, %get3A_79] : memref<1x128xf32, #tpu.memory_space<vmem>>, vector<1x128xf32>
    %add3A_81 = vector.broadcast %get3A_80 : vector<1x128xf32> to vector<1024x128xf32>
    %add3A_82 = arith.addf %add3A_77, %add3A_81 : vector<1024x128xf32>
    %mul3A_83 = arith.mulf %add3A_82, %add3A_82 : vector<1024x128xf32>
    %reduce_sum3A_84 = arith.constant dense<0.000000e+00> : vector<1024xf32>
    %reduce_sum3A_85 = vector.multi_reduction <add>, %mul3A_83, %reduce_sum3A_84 [1] : vector<1024x128xf32> to vector<1024xf32>
    %broadcast_in_dim3A_86 = vector.shape_cast %reduce_sum3A_85 : vector<1024xf32> to vector<1024x1xf32>
    %sqrt3A = math.sqrt %broadcast_in_dim3A_86 : vector<1024x1xf32>
    %max3A_87 = arith.constant 9.99999996E-13 : f32
    %max3A_88 = vector.broadcast %max3A_87 : f32 to vector<1024x1xf32>
    %max3A_89 = arith.maximumf %sqrt3A, %max3A_88 : vector<1024x1xf32>
    %div3A_90 = vector.broadcast %max3A_89 : vector<1024x1xf32> to vector<1024x128xf32>
    %div3A_91 = arith.divf %add3A_82, %div3A_90 : vector<1024x128xf32>
    %swap3A = arith.constant 0 : index
    %swap3A_92 = arith.constant 0 : index
    %swap3A_93 = vector.load %arg8[%swap3A, %swap3A_92] : memref<1024x128xf32, #tpu.memory_space<vmem>>, vector<1024x128xf32>
    tpu.vector_store %arg8[%swap3A, %swap3A_92], %div3A_91 {strides = array<i32>} : memref<1024x128xf32, #tpu.memory_space<vmem>>, vector<1024x128xf32>,
    return
  }
  func.func @transform_0(%arg0: i32) -> (i32, i32) {
    %c0_i32 = arith.constant 0 : i32
    %c0_i32_0 = arith.constant 0 : i32
    return %arg0, %c0_i32 : i32, i32
  }
  func.func @transform_1(%arg0: i32) -> (i32, i32) {
    %c0_i32 = arith.constant 0 : i32
    %c0_i32_0 = arith.constant 0 : i32
    return %arg0, %c0_i32 : i32, i32
  }
  func.func @transform_2(%arg0: i32) -> (i32, i32) {
    %add3A = arith.constant 10 : i32
    %add3A_0 = arith.addi %arg0, %add3A : i32
    %c0_i32 = arith.constant 0 : i32
    %c0_i32_1 = arith.constant 0 : i32
    return %add3A_0, %c0_i32 : i32, i32
  }
  func.func @transform_3(%arg0: i32) -> (i32, i32) {
    %c0_i32 = arith.constant 0 : i32
    %c0_i32_0 = arith.constant 0 : i32
    return %arg0, %c0_i32 : i32, i32
  }
  func.func @transform_4(%arg0: i32) -> (i32, i32) {
    %c0_i32 = arith.constant 0 : i32
    %c0_i32_0 = arith.constant 0 : i32
    %c0_i32_1 = arith.constant 0 : i32
    return %c0_i32, %c0_i32_0 : i32, i32
  }
  func.func @transform_5(%arg0: i32) -> (i32, i32) {
    %c0_i32 = arith.constant 0 : i32
    %c0_i32_0 = arith.constant 0 : i32
    %c0_i32_1 = arith.constant 0 : i32
    return %c0_i32, %c0_i32_0 : i32, i32
  }
  func.func @transform_6(%arg0: i32) -> (i32, i32) {
    %c0_i32 = arith.constant 0 : i32
    %c0_i32_0 = arith.constant 0 : i32
    %c0_i32_1 = arith.constant 0 : i32
    return %c0_i32, %c0_i32_0 : i32, i32
  }
  func.func @transform_7(%arg0: i32) -> (i32, i32) {
    %c0_i32 = arith.constant 0 : i32
    %c0_i32_0 = arith.constant 0 : i32
    return %arg0, %c0_i32 : i32, i32
  }
}

</mosaic_0001>

<sc_bundles>
// kernel: kernel.4.cloned.1.call-start
scs
__scs_entry_jumppad:
0x0: {  	(pc) =	sbr.rel $0x88, $3  }
0x1: {  	(tag) =	ssettag $0x0;
	lr =	simm.s32 $0x1  }
0x2: {  	[smem:$0x3F9C] =	sst lr;
	_ =	strace $0xD0000000  }
0x3: {  	_ = 	snop  }
0x4: {  	_ = 	snop  }
0x5: {  	_ = 	snop  }
0x6: {  	_ = 	snop  }
0x7: {  	_ = 	snop  }
__scs_overlays_trampoline_lowered:
0x8: {  	[smem:$0x3FAB] =	sst s0  }
0x9: {  	[smem:$0x3FAC] =	sst s1  }
0xa: {  	[smem:$0x3FAD] =	sst s2  }
0xb: {  	[smem:$0x3FAE] =	sst s3  }
0xc: {  	[smem:$0x3FAF] =	sst s4  }
0xd: {  	[smem:$0x3FB0] =	sst s5  }
0xe: {  	[smem:$0x3FB1] =	sst s6  }
0xf: {  	[smem:$0x3FB2] =	sst s7  }
0x10: {  	[smem:$0x3FB3] =	sst s8  }
0x11: {  	[smem:$0x3FB4] =	sst s9;
	s0 =	simm.s32 @!p0 $0x0  }
0x12: {  	s1 =	sld [smem:$0x3F9A];
	s0 =	simm.s32 @p0 $0x1  }
0x13: {  	[smem:$0x3FB5] =	sst s0;
	s0 =	simm.s32 @!p1 $0x0  }
0x14: {  	s2 =	sld [smem:$0x3F99];
	s0 =	simm.s32 @p1 $0x1  }
0x15: {  	[smem:$0x3FB6] =	sst s0;
	s0 =	simm.s32 @!p2 $0x0  }
0x16: {  	s3 =	sld [smem:$0x3FDB];
	s0 =	simm.s32 @p2 $0x1  }
0x17: {  	s4 =	simm.s32 $0x1BF5;
	[smem:$0x3FB8] =	sst s0  }
0x18: {  	s0 =	sld [smem:$0x3F9B];
	_ =	swait.ge [sflag:s4], $0x0  }
0x19: {  	s7 =	sld [smem:$0x3F9C]  }
0x1a: {  	s8 =	sadd.s32 $0xFFFFE003, lr  }
0x1b: {  	s9 =	sadd.s32 $0xFFFFFEF7, lr;
	s5 =	simm.s32 $0xFFFFFFFF;
	p2 =	slt.u32 s8, $0xFFFFF086  }
0x1c: {  	p1 =	slt.u32 s9, $0xF7A;
	s5 =	simm.s32 @!p2 $0x0  }
0x1d: {  	s5 =	simm.s32 @p1 $0x1;
	p0 =	seq.s32 s7, s2  }
0x1e: {  	s7 =	smul.u32 @!p0 $0xF7A, s2;
	p2 =	seq.s32 @!p0 s5, $0x0  }
0x1f: {  	s9 =	smul.u32 $0xF7A, s1;
	s8 =	simm.s32 @!p0 $0x1BF5;
	p2 =	por !p2, p0  }
0x20: {  	[sflag:s8] =	ssyncset.s32 @!p0 $0xFFFFF086;
	s6 =	sadd.s32 @!p0 s3, s7;
	s7 =	simm.s32 @!p0 $0x108  }
0x21: {  	s3 =	sadd.s32 s3, s9;
	s6 =	sadd.s32 @!p0 $0x88, s6;
	s7 =	simm.s32 @p2 $0x1082  }
0x22: {  	[simem:s7], [sflag:s8] =	dma.local @!p0 [hbm:s6], $0xF7A  }
0x23: {  	s9 =	sor.u32 $0xD0000000, s2;
	s6 =	simm.s32 $0x108;
	_ =	swait.ge @!p0 [sflag:s8], $0x0  }
0x24: {  	s3 =	sadd.s32 $0x88, s3;
	s6 =	simm.s32 @!p1 $0x1082;
	[sflag:s4] =	ssyncset.s32 $0xFFFFF086  }
0x25: {  	[simem:s6], [sflag:s4] =	dma.local [hbm:s3], $0xF7A  }
0x26: {  	[smem:$0x3F9C] =	sst s1;
	(tag) =	ssettag s2;
	_ =	strace s9  }
0x27: {  	s1 =	sld [smem:$0x3FAC]  }
0x28: {  	s2 =	sld [smem:$0x3FAD]  }
0x29: {  	s4 =	sld [smem:$0x3FAF]  }
0x2a: {  	p0 =	seq.s32 s5, $0x0;
	s5 =	sld [smem:$0x3FB0]  }
0x2b: {  	s6 =	sld [smem:$0x3FB1]  }
0x2c: {  	s7 =	sld [smem:$0x3FB2]  }
0x2d: {  	s3 =	simm.s32 $0x108;
	s8 =	sld [smem:$0x3FB3]  }
0x2e: {  	s3 =	simm.s32 @!p0 $0x1082;
	s9 =	sld [smem:$0x3FB4]  }
0x2f: {  	lr =	sadd.s32 s0, s3;
	s0 =	sld [smem:$0x3FAB]  }
0x30: {  	s3 =	sld [smem:$0x3FAE]  }
0x31: {  	[smem:$0x3FB7] =	sst s10  }
0x32: {  	s10 =	sld [smem:$0x3FB5];
	_ =	sdelay $0x3  }
0x33: {  	p0 =	seq.s32 s10, $0x1;
	s10 =	sld [smem:$0x3FB7];
	_ =	sdelay $0x3  }
0x34: {  	[smem:$0x3FB7] =	sst s10  }
0x35: {  	s10 =	sld [smem:$0x3FB6];
	_ =	sdelay $0x3  }
0x36: {  	p1 =	seq.s32 s10, $0x1;
	s10 =	sld [smem:$0x3FB7];
	_ =	sdelay $0x3  }
0x37: {  	[smem:$0x3FB7] =	sst s10  }
0x38: {  	s10 =	sld [smem:$0x3FB8]  }
0x39: {  	_ = 	snop;
	(pc) =	sbr.ind lr, $3  }
0x3a: {  	_ = 	snop  }
0x3b: {  	_ = 	snop  }
0x3c: {  	p2 =	seq.s32 s10, $0x1;
	s10 =	sld [smem:$0x3FB7]  }
0x3d: {  	_ =	shalt  }
0x3e: {  	_ =	shalt  }
0x3f: {  	_ =	shalt  }
0x40: {  	_ =	shalt  }
0x41: {  	_ =	shalt  }
0x42: {  	_ =	shalt  }
0x43: {  	_ =	shalt  }
0x44: {  	_ =	shalt  }
0x45: {  	_ =	shalt  }
0x46: {  	_ =	shalt  }
0x47: {  	_ =	shalt  }
0x48: {  	_ =	shalt  }
0x49: {  	_ =	shalt  }
0x4a: {  	_ =	shalt  }
0x4b: {  	_ =	shalt  }
0x4c: {  	_ =	shalt  }
0x4d: {  	_ =	shalt  }
0x4e: {  	_ =	shalt  }
0x4f: {  	_ =	shalt  }
0x50: {  	_ =	shalt  }
0x51: {  	_ =	shalt  }
0x52: {  	_ =	shalt  }
0x53: {  	_ =	shalt  }
0x54: {  	_ =	shalt  }
0x55: {  	_ =	shalt  }
0x56: {  	_ =	shalt  }
0x57: {  	_ =	shalt  }
0x58: {  	_ =	shalt  }
0x59: {  	_ =	shalt  }
0x5a: {  	_ =	shalt  }
0x5b: {  	_ =	shalt  }
0x5c: {  	_ =	shalt  }
0x5d: {  	_ =	shalt  }
0x5e: {  	_ =	shalt  }
0x5f: {  	_ =	shalt  }
0x60: {  	_ =	shalt  }
0x61: {  	_ =	shalt  }
0x62: {  	_ =	shalt  }
0x63: {  	_ =	shalt  }
0x64: {  	_ =	shalt  }
0x65: {  	_ =	shalt  }
0x66: {  	_ =	shalt  }
0x67: {  	_ =	shalt  }
0x68: {  	_ =	shalt  }
0x69: {  	_ =	shalt  }
0x6a: {  	_ =	shalt  }
0x6b: {  	_ =	shalt  }
0x6c: {  	_ =	shalt  }
0x6d: {  	_ =	shalt  }
0x6e: {  	_ =	shalt  }
0x6f: {  	_ =	shalt  }
0x70: {  	_ =	shalt  }
0x71: {  	_ =	shalt  }
0x72: {  	_ =	shalt  }
0x73: {  	_ =	shalt  }
0x74: {  	_ =	shalt  }
0x75: {  	_ =	shalt  }
0x76: {  	_ =	shalt  }
0x77: {  	_ =	shalt  }
0x78: {  	_ =	shalt  }
0x79: {  	_ =	shalt  }
0x7a: {  	_ =	shalt  }
0x7b: {  	_ =	shalt  }
0x7c: {  	_ =	shalt  }
0x7d: {  	_ =	shalt  }
0x7e: {  	_ =	shalt  }
0x7f: {  	_ =	shalt  }
0x80: {  	_ =	shalt  }
0x81: {  	_ =	shalt  }
0x82: {  	_ =	shalt  }
0x83: {  	_ =	shalt  }
0x84: {  	_ =	shalt  }
0x85: {  	_ =	shalt  }
0x86: {  	_ =	shalt  }
0x87: {  	_ =	shalt  }
.Lfunc_end0:
.L_simem_size_0:
called_computation_lowered:
.L_overlay_start_0:
0x88: {  	s2 =	sld [smem:$0x3FD9]  }
0x89: {  	s3 =	sld [smem:$0x3FFE];
	_ =	sdelay $0x1  }
0x8a: {  	s1 =	srdreg.scid  }
0x8b: {  	s0 =	sand.u32 $0x1, s1  }
0x8c: {  	s17 =	sshll.u32 s0, $0xA;
	s2 =	sadd.s32 s3, s2  }
0x8d: {  	s2 =	sadd.s32 s2, s17  }
0x8e: {  	[smem:$0x3FC3] =	sst s2  }
0x8f: {  	_ = 	snop  }
0x90: {  	s2 =	sld [smem:$0x3FC9]  }
0x91: {  	s18 =	sld [smem:$0x3FD0];
	(tm) =	ssettm $0x1  }
0x92: {  	s4 =	sld [smem:$0x3FFB];
	_ =	sdelay $0x3  }
0x93: {  	_ =	strace s4  }
0x94: {  	s4 =	sld [smem:$0x3FFC];
	_ =	sdelay $0x3  }
0x95: {  	_ =	strace s4  }
0x96: {  	s4 =	sld [smem:$0x3FFD];
	_ =	sdelay $0x3  }
0x97: {  	_ =	strace s4  }
0x98: {  	_ =	strace $0x8FFFFFFF  }
0x99: {  	s19 =	sld [smem:$0x3FDB];
	_ =	sdelay $0x1  }
0x9a: {  	s5 =	simm.s32 $_scs_section_size  }
0x9b: {  	s6 =	simm.s32 $_size__tile_overlayer_lowered;
	s7 =	simm.s32 $_tile_overlayer_lowered  }
0x9c: {  	s22 =	simm.s32 $0x1BFF;
	s21 =	sshll.u32 s7, $0x1;
	s4 =	sadd.s32 s5, s19  }
0x9d: {  	s8 =	simm.s32 $0x0;
	s20 =	sshll.u32 s6, $0x1;
	s6 =	sadd.s32 s21, s4  }
0x9e: {  	[timem:s8], [sflag:s22] =	dma.local [hbm:s6], s20  }
0x9f: {  	_ =	swait.ge [sflag:s22], s20  }
0xa0: {  	s5 =	ssub.s32 $0x0, s20;
	[sflag:s22] =	ssyncset.done $0x0  }
0xa1: {  	[sflag:s22] =	ssyncadd.s32 s5;
	_ =	sdelay $0x1  }
0xa2: {  	s23 =	simm.s32 $0x1B8B  }
0xa3: {  	_ =	swait.ge [sflag:s23], $0x1  }
0xa4: {  	[sflag:s23] =	ssyncset.done $0x0  }
0xa5: {  	s25 =	simm.s32 $0x1B8E;
	s24 =	sld [smem:$0x3FFE];
	[sflag:s23] =	ssyncadd.s32 $0xFFFFFFFF  }
0xa6: {  	s26 =	simm.s32 $execute0_lowered;
	[smem:$0x3FD2] =	sst s25  }
0xa7: {  	s6 =	sshll.u32 s26, $0x1;
	_ =	strace $0x80000046;
	[dreg:$0x1] =	wrdreg $0xFFFFFFFF  }
0xa8: {  	s28 =	simm.s32 $_size_execute0_lowered;
	s4 =	sadd.s32 s4, s6;
	[dreg:$0x0] =	wrdreg $0x0  }
0xa9: {  	s6 =	sshll.u32 s28, $0x1;
	[dreg:$0x2] =	wrdreg s4  }
0xaa: {  	[dreg:$0x3] =	wrdreg s6  }
0xab: {  	[dreg:$0x4] =	wrdreg $0xC0  }
0xac: {  	_ =	task [dreg:s8], $0x5FFFF  }
0xad: {  	[dreg:$0x1] =	wrdreg $0xFFFFFFFF  }
0xae: {  	[dreg:$0x0] =	wrdreg $0x60  }
0xaf: {  	[dreg:$0x2] =	wrdreg s2  }
0xb0: {  	[dreg:$0x3] =	wrdreg s18  }
0xb1: {  	[dreg:$0x4] =	wrdreg s24  }
0xb2: {  	[dreg:$0x5] =	wrdreg $0x12D400  }
0xb3: {  	[dreg:$0x6] =	wrdreg $0x1CD400  }
0xb4: {  	[dreg:$0x7] =	wrdreg $0x9  }
0xb5: {  	_ =	task.clear_ibuf [dreg:s8], $0x8FFFF;
	_ =	strace $0x90000046  }
0xb6: {  	s29 =	simm.s32 $0x9;
	_ =	strace $0x80000048  }
0xb7: {  	_ =	swait.ge [sflag:s29], $0x1  }
0xb8: {  	[sflag:s29] =	ssyncadd.s32 $0xFFFFFFFF  }
0xb9: {  	_ =	strace $0x90000048  }
0xba: {  	_ =	sfence  }
0xbb: {  	s30 =	sld [smem:$0x0];
	_ =	sdelay $0x2  }
0xbc: {  	s31 =	sshll.u32 s1, $0xD;
	s1 =	sshrl.u32 s1, $0x2  }
0xbd: {  	s3 =	sand.u32 $0x4000, s31;
	s1 =	sadd.s32 s1, s30  }
0xbe: {  	s0 =	sor.u32 s3, s0;
	s1 =	sshll.u32 s1, $0x11  }
0xbf: {  	s0 =	sor.u32 s1, s0  }
0xc0: {  	s0 =	sadd.s32 $0x8F2B, s0  }
0xc1: {  	[sflag:s0] =	ssyncadd.remote.s32 $0x1  }
0xc2: {  	_ =	sfence.sel $0xFFFF  }
0xc3: {  	[dreg:$0x0] =	wrdreg $0xFFFFFFFF;
	(pc) =	sbr.abs _section_cstart, $3  }
0xc4: {  	[dreg:$0x1] =	wrdreg $0xFFFFFFFF  }
0xc5: {  	_ =	task.clear_ibuf [dreg:s8], $0x2FFFF;
	_ =	strace $0x9FFFFFFF  }
0xc6: {  	(tm) =	ssettm $0x7FFFFFFF  }
0xc7: {  	_ =	shalt  }
tec
execute0_lowered:
.L_overlay_start_1:
0x0: {  	(tag) =	ssettag $0x1  }
0x1: {  	s3 =	rddreg [dreg:$0x1]  }
0x2: {  	s0 =	rddreg [dreg:$0x2];
	s2 =	simm.s32 $0x0;
	s1 =	srdreg.scid  }
0x3: {  	s23 =	stileid.u32;
	s28 =	simm.s32 $0xEC40;
	s29 =	simm.s32 $0x2  }
0x4: {  	s30 =	simm.s32 $0x4;
	s31 =	simm.s32 $0x6;
	s4 =	smul.u32 $0x9C4, s23  }
0x5: {  	[smem:$0x7FF] =	sst s2;
	s9 =	sand.u32 $0x1, s1;
	s5 =	smul.u32 $0x4E20, s23  }
0x6: {  	s10 =	sadd.s32 $0xBA00, s0;
	s2 =	sadd.s32 $0x1A00, s0;
	s0 =	smul.u32 $0x280, s23  }
0x7: {  	s8 =	smul.u32 $0x14000, s23;
	s1 =	ssub.s32 $0x2, s9;
	s11 =	sshll.u32 s9, $0x6  }
0x8: {  	p0 =	seq.s32 s9, $0x0;
	s6 =	sshrl.u32 s1, $0x1;
	s4 =	sadd.s32 s3, s4  }
0x9: {  	s17 =	sshrl.u32 s5, $0x3;
	s5 =	sadd.s32 $0xA0, s0;
	s8 =	sor.u32 s11, s8  }
0xa: {  	s16 =	sadd.s32 $0x230, s0;
	s1 =	ssub.s32 s1, s6;
	[dreg:$0x6] =	wrdreg s4  }
0xb: {  	s7 =	sadd.s32 s3, s17;
	s4 =	sor.u32 $0x50, s0;
	s6 =	sadd.s32 $0xF0, s0  }
0xc: {  	s3 =	sadd.s32 $0x140, s0;
	s8 =	sshrl.u32 s8, $0x3;
	s13 =	sshll.u32 s5, $0x7  }
0xd: {  	s25 =	sshll.u32 s16, $0x7;
	s17 =	smul.u32 $0x28000, s9;
	s5 =	sshll.u32 s5, $0x6  }
0xe: {  	s12 =	sshll.u32 s4, $0x7;
	s8 =	sadd.s32 s10, s8;
	s13 =	sor.u32 s11, s13  }
0xf: {  	s19 =	sshll.u32 s6, $0x7;
	s14 =	sshll.u32 s3, $0x7;
	s7 =	sadd.s32 $0x9C40, s7  }
0x10: {  	s4 =	sshll.u32 s4, $0x6;
	s12 =	sor.u32 s11, s12;
	[dreg:$0x7] =	wrdreg s8  }
0x11: {  	s8 =	sadd.s32 $0x190, s0;
	s18 =	sshrl.u32 s13, $0x3;
	s13 =	sadd.s32 $0x1E0, s0  }
0x12: {  	s14 =	sor.u32 s11, s14;
	s12 =	sshrl.u32 s12, $0x3;
	s15 =	sshll.u32 s8, $0x7  }
0x13: {  	s20 =	sshrl.u32 s14, $0x3;
	s24 =	sshll.u32 s13, $0x7;
	s12 =	sadd.s32 s10, s12  }
0x14: {  	s21 =	sor.u32 s11, s15;
	s14 =	sor.u32 s11, s24;
	[dreg:$0x8] =	wrdreg s12  }
0x15: {  	s12 =	sadd.s32 s10, s18;
	s22 =	sshrl.u32 s21, $0x3;
	s18 =	smul.u32 $0x2800, s23  }
0x16: {  	s14 =	sshrl.u32 s14, $0x3;
	[dreg:$0x9] =	wrdreg s12;
	s12 =	sor.u32 s11, s19  }
0x17: {  	s11 =	sor.u32 s11, s25;
	s26 =	sadd.s32 s10, s14;
	s12 =	sshrl.u32 s12, $0x3  }
0x18: {  	[dreg:$0xd] =	wrdreg s26;
	s11 =	sshrl.u32 s11, $0x3;
	s12 =	sadd.s32 s10, s12  }
0x19: {  	s14 =	sadd.s32 s18, s17;
	[dreg:$0xa] =	wrdreg s12;
	s12 =	sadd.s32 s10, s20  }
0x1a: {  	s19 =	sadd.s32 $0x1000, s18;
	[dreg:$0xb] =	wrdreg s12;
	s12 =	sadd.s32 s10, s22  }
0x1b: {  	s21 =	sadd.s32 s17, s19;
	s10 =	sadd.s32 s10, s11;
	[dreg:$0xc] =	wrdreg s12  }
0x1c: {  	s11 =	sadd.s32 $0x800, s18;
	s22 =	sshrl.u32 s21, $0x3;
	[dreg:$0xe] =	wrdreg s10  }
0x1d: {  	s10 =	sshrl.u32 s14, $0x3;
	s15 =	sadd.s32 s17, s11;
	s14 =	rddreg [dreg:$0x0]  }
0x1e: {  	s10 =	sadd.s32 s2, s10;
	s20 =	sshrl.u32 s15, $0x3;
	s15 =	rddreg [dreg:$0x3]  }
0x1f: {  	s12 =	sadd.s32 $0x1800, s18;
	[dreg:$0xf] =	wrdreg s10;
	s10 =	sadd.s32 s2, s20  }
0x20: {  	s24 =	sadd.s32 s17, s12;
	s20 =	sadd.s32 $0x2000, s18;
	[dreg:$0x10] =	wrdreg s10  }
0x21: {  	s10 =	sadd.s32 s2, s22;
	s21 =	sadd.s32 s17, s20;
	s17 =	rddreg [dreg:$0x4]  }
0x22: {  	s1 =	smax.u32 s1, $0x1;
	[dreg:$0x11] =	wrdreg s10;
	s10 =	sshrl.u32 s24, $0x3  }
0x23: {  	s22 =	smul.u32 $0x28000, s23;
	s25 =	sshrl.u32 s21, $0x3;
	s10 =	sadd.s32 s2, s10  }
0x24: {  	s24 =	sshll.u32 s8, $0x6;
	s2 =	sadd.s32 s2, s25;
	[dreg:$0x12] =	wrdreg s10  }
0x25: {  	s8 =	sadd.s32 s19, s17;
	s19 =	sadd.s32 $0x100, s0;
	[dreg:$0x13] =	wrdreg s2  }
0x26: {  	s2 =	sadd.s32 s4, s15;
	_ =	strace $0x80000047;
	[dreg:$0x14] =	wrdreg s7  }
0x27: {  	s26 =	sshrl.u32 s22, $0x2;
	s4 =	sadd.s32 s18, s17;
	[dreg:$0x16] =	wrdreg s2  }
0x28: {  	s10 =	sshll.u32 s6, $0x6;
	s6 =	sadd.s32 s11, s17;
	[dreg:$0x1d] =	wrdreg s4  }
0x29: {  	s22 =	sshll.u32 s3, $0x6;
	s25 =	sshll.u32 s13, $0x6;
	[dreg:$0x1e] =	wrdreg s6  }
0x2a: {  	s3 =	sshll.u32 s16, $0x6;
	s11 =	sadd.s32 s20, s17;
	[dreg:$0x1f] =	wrdreg s8  }
0x2b: {  	s20 =	sshll.u32 s19, $0x6;
	s7 =	sadd.s32 s26, s15;
	[smem:$0x7F3] =	sst s11  }
0x2c: {  	s2 =	sadd.s32 s5, s15;
	s21 =	sadd.s32 s10, s15;
	[smem:$0x7F4] =	sst s1  }
0x2d: {  	s26 =	sadd.s32 s25, s15;
	s5 =	smul.u32 $0xA000, s23;
	[dreg:$0x17] =	wrdreg s2  }
0x2e: {  	s10 =	sadd.s32 s12, s17;
	s12 =	sadd.s32 $0x80, s0;
	[dreg:$0x18] =	wrdreg s21  }
0x2f: {  	s11 =	simm.s32 $0x12540;
	s4 =	simm.s32 $0xB;
	[dreg:$0x1b] =	wrdreg s26  }
0x30: {  	s8 =	simm.s32 $0x0;
	s2 =	sadd.s32 s22, s15;
	[smem:$0x7F2] =	sst s10  }
0x31: {  	s16 =	sshll.u32 s12, $0x6;
	s18 =	sshll.u32 s12, $0x4;
	s21 =	sadd.s32 $0x180, s0  }
0x32: {  	s22 =	sshll.u32 s19, $0x4;
	s0 =	sadd.s32 $0x200, s0;
	[dreg:$0x15] =	wrdreg s7  }
0x33: {  	[dreg:$0x19] =	wrdreg s2;
	s2 =	sadd.s32 s24, s15;
	s1 =	sadd.s32 s16, s15  }
0x34: {  	s23 =	sshll.u32 s21, $0x6;
	s25 =	sshll.u32 s21, $0x4;
	s26 =	sshll.u32 s0, $0x6  }
0x35: {  	s0 =	sshll.u32 s0, $0x4;
	s16 =	simm.s32 $0x7;
	[dreg:$0x1a] =	wrdreg s2  }
0x36: {  	s2 =	sadd.s32 s3, s15;
	[smem:$0x7F6] =	sst s1;
	s1 =	sadd.s32 s18, s17  }
0x37: {  	s24 =	sadd.s32 s23, s15;
	s0 =	sadd.s32 s0, s17;
	[dreg:$0x1c] =	wrdreg s2  }
0x38: {  	s23 =	simm.s32 $0x9C40;
	s3 =	simm.s32 $0xA;
	[smem:$0x7F7] =	sst s1  }
0x39: {  	s2 =	sshrl.u32 s5, $0x2;
	s1 =	sadd.s32 s20, s15;
	[smem:$0x7FA] =	sst s24  }
0x3a: {  	[smem:$0x7FD] =	sst s0;
	s24 =	simm.s32 $0xB040;
	s0 =	simm.s32 $0x8  }
0x3b: {  	s5 =	simm.s32 $0xC;
	s13 =	sadd.s32 s2, s17;
	[smem:$0x7F8] =	sst s1  }
0x3c: {  	s1 =	sadd.s32 s22, s17;
	s2 =	sadd.s32 s26, s15;
	[smem:$0x7F5] =	sst s13  }
0x3d: {  	s22 =	simm.s32 $0x50;
	s26 =	simm.s32 $0xD840;
	[smem:$0x7F9] =	sst s1  }
0x3e: {  	s1 =	sadd.s32 s25, s17;
	[smem:$0x7FC] =	sst s2;
	s25 =	simm.s32 $0xC440  }
0x3f: {  	v1 =	vimm.f32 $0.0e+00;
	v2 =	vimm.f32 $1.000000000e+00;
	v0 =	vmov s9;
	s2 =	simm.s32 $0x9;
	[smem:$0x7FB] =	sst s1;
	s1 =	simm.s32 $0x0  }
.LBB2_1:
0x40: {  	s6 =	rddreg [dreg:$0x6]  }
0x41: {  	[tilespmem:s1], [sflag:$0x1] =	stream.linear.gather [hbm4b:s6+s1], $0x4E20, $0x38;
	[tilespmem:$0x1F540] =	vst v63  }
0x42: {  	s20 =	rddreg [dreg:$0x14];
	s21 =	simm.s32 $0x4E20  }
0x43: {  	[tilespmem:s21], [sflag:$0x1] =	stream.linear.gather [hbm4b:s20+s1], $0x4E20, $0x38;
	[tilespmem:$0x1F540] =	vst v63  }
0x44: {  	[smem:$0x7F1] =	sst s8;
	s10 =	simm.s32 $0x0;
	s1 =	simm.s32 $0x10560  }
.LBB2_2:
0x45: {  	p1 =	sne.s32 s10, $0x1FC0  }
.Ltmp0:
0x46: {  	[tilespmem:s1+$0xFFFFFFE0] =	vst v1;
	(pc) =	sbr.rel @p1 .LBB2_2-.Ltmp0, $4  }
0x47: {  	[tilespmem:s1+$0xFFFFFFF0] =	vst v1  }
0x48: {  	[tilespmem:s1+$0x0] =	vst v1  }
0x49: {  	[tilespmem:s1+$0x10] =	vst v1;
	s12 =	sshra.s32 s10, $0x2  }
0x4a: {  	s1 =	sadd.s32 $0x40, s1;
	s10 =	sadd.s32 $0x40, s10;
	[tilespmem:s12+$0x12540] =	vst v1  }
0x4b: {  	s1 =	simm.s32 $0x40;
	s10 =	simm.s32 $0x0  }
.LBB2_4:
0x4c: {  	p1 =	sne.s32 s1, $0x13C0;
	[tilespmem:s10+$0x10040] =	vst v2;
	s10 =	smov.u32 s1;
	s1 =	sadd.s32 $0x40, s1  }
.Ltmp1:
0x4d: {  	(pc) =	sbr.rel @p1 .LBB2_4-.Ltmp1, $2  }
0x4e: {  	_ =	sdelay $0x2  }
0x4f: {  	s10 =	sshra.s32 s10, $0x2  }
0x50: {  	[tilespmem:s10+$0x10040] =	vst v2;
	s6 =	simm.s32 $0x10540;
	s1 =	sld [smem:$0x7F5]  }
0x51: {  	[spmem:s7] =	stream.linear.scatter [tilespmem:s6], [sflag:$0xD], $0x2000, $0x38;
	[tilespmem:$0x1F540] =	vst v63  }
0x52: {  	s8 =	sld [smem:$0x7F6]  }
0x53: {  	[spmem:s1] =	stream.linear.scatter [tilespmem:s11], [sflag:$0xD], $0x800, $0x38;
	[tilespmem:$0x1F540] =	vst v63  }
0x54: {  	s9 =	sld [smem:$0x7F7]  }
0x55: {  	[spmem:s8] =	stream.linear.scatter [tilespmem:s6], [sflag:$0xD], $0x2000, $0x38;
	[tilespmem:$0x1F540] =	vst v63  }
0x56: {  	s10 =	sld [smem:$0x7F8]  }
0x57: {  	[spmem:s9] =	stream.linear.scatter [tilespmem:s11], [sflag:$0xD], $0x800, $0x38;
	[tilespmem:$0x1F540] =	vst v63  }
0x58: {  	s12 =	sld [smem:$0x7F9]  }
0x59: {  	[spmem:s10] =	stream.linear.scatter [tilespmem:s6], [sflag:$0xD], $0x2000, $0x38;
	[tilespmem:$0x1F540] =	vst v63  }
0x5a: {  	s13 =	sld [smem:$0x7FA]  }
0x5b: {  	[spmem:s12] =	stream.linear.scatter [tilespmem:s11], [sflag:$0xD], $0x800, $0x38;
	[tilespmem:$0x1F540] =	vst v63  }
0x5c: {  	s18 =	sld [smem:$0x7FB]  }
0x5d: {  	[spmem:s13] =	stream.linear.scatter [tilespmem:s6], [sflag:$0xD], $0x2000, $0x38;
	[tilespmem:$0x1F540] =	vst v63  }
0x5e: {  	s19 =	sld [smem:$0x7FC]  }
0x5f: {  	[spmem:s18] =	stream.linear.scatter [tilespmem:s11], [sflag:$0xD], $0x800, $0x38;
	[tilespmem:$0x1F540] =	vst v63  }
0x60: {  	s20 =	sld [smem:$0x7FD]  }
0x61: {  	[spmem:s19] =	stream.linear.scatter [tilespmem:s6], [sflag:$0xD], $0x2000, $0x38;
	[tilespmem:$0x1F540] =	vst v63  }
0x62: {  	s21 =	simm.s32 $0x1  }
0x63: {  	[spmem:s20] =	stream.linear.scatter [tilespmem:s11], [sflag:$0xD], $0x800, $0x38;
	[tilespmem:$0x1F540] =	vst v63  }
0x64: {  	_ =	swait.ge [sflag:s21], $0x4E20  }
0x65: {  	[sflag:s21] =	ssyncset.done $0x0  }
0x66: {  	[sflag:s21] =	ssyncadd.s32 $0xFFFFB1E0  }
0x67: {  	_ =	swait.ge [sflag:s21], $0x4E20  }
0x68: {  	[sflag:s21] =	ssyncset.done $0x0  }
0x69: {  	s1 =	simm.s32 $0x0;
	[sflag:s21] =	ssyncadd.s32 $0xFFFFB1E0  }
0x6a: {  	v5 =	vld [tilespmem:s1+$0x0]  }
0x6b: {  	v6 =	vld [tilespmem:s1+$0x10]  }
0x6c: {  	v4 =	vld [tilespmem:s1+$0x20]  }
0x6d: {  	s10 =	simm.s32 $0x140;
	v3 =	vld [tilespmem:s1+$0x30]  }
.LBB2_6:
0x6e: {  	p1 =	sne.s32 s10, $0x13740;
	v7 =	vld [tilespmem:s1+$0x40]  }
0x6f: {  	v5 =	vshll.u32 v5, $0x1  }
0x70: {  	v5 =	vor.u32 v0, v5;
	v6 =	vshll.u32 v6, $0x1  }
.Ltmp2:
0x71: {  	s12 =	sshra.s32 s10, $0x2;
	[tilespmem:s1+$0x0] =	vst v5;
	v6 =	vor.u32 v0, v6;
	v4 =	vshll.u32 v4, $0x1;
	(pc) =	sbr.rel @p1 .LBB2_6-.Ltmp2, $4  }
0x72: {  	v5 =	vld [tilespmem:s12+$0x0];
	[tilespmem:s1+$0x10] =	vst v6;
	v4 =	vor.u32 v0, v4;
	v3 =	vshll.u32 v3, $0x1  }
0x73: {  	v6 =	vld [tilespmem:s12+$0x10];
	[tilespmem:s1+$0x20] =	vst v4;
	v3 =	vor.u32 v0, v3;
	v7 =	vshll.u32 v7, $0x1  }
0x74: {  	v4 =	vld [tilespmem:s12+$0x20];
	[tilespmem:s1+$0x30] =	vst v3;
	v7 =	vor.u32 v0, v7  }
0x75: {  	s10 =	sadd.s32 $0x140, s10;
	v3 =	vld [tilespmem:s12+$0x30];
	[tilespmem:s1+$0x40] =	vst v7;
	s1 =	smov.u32 s12  }
0x76: {  	v7 =	vld [tilespmem:s1+$0x40]  }
0x77: {  	v5 =	vshll.u32 v5, $0x1  }
0x78: {  	v5 =	vor.u32 v0, v5;
	v6 =	vshll.u32 v6, $0x1  }
0x79: {  	[tilespmem:s1+$0x0] =	vst v5;
	v62 =	vor.u32 v0, v6;
	v4 =	vshll.u32 v4, $0x1  }
0x7a: {  	[tilespmem:s1+$0x10] =	vst v62;
	v4 =	vor.u32 v0, v4;
	v3 =	vshll.u32 v3, $0x1  }
0x7b: {  	[tilespmem:s1+$0x20] =	vst v4;
	v3 =	vor.u32 v0, v3;
	v63 =	vshll.u32 v7, $0x1  }
0x7c: {  	[tilespmem:s1+$0x30] =	vst v3;
	v3 =	vor.u32 v0, v63  }
0x7d: {  	s9 =	simm.s32 $0xD;
	[tilespmem:s1+$0x40] =	vst v3  }
0x7e: {  	_ =	swait.ge [sflag:s9], $0x2000  }
0x7f: {  	[sflag:s9] =	ssyncset.done $0x0  }
0x80: {  	[sflag:s9] =	ssyncadd.s32 $0xFFFFE000  }
0x81: {  	_ =	swait.ge [sflag:s9], $0x800  }
0x82: {  	[sflag:s9] =	ssyncset.done $0x0  }
0x83: {  	[sflag:s9] =	ssyncadd.s32 $0xFFFFF800  }
0x84: {  	_ =	swait.ge [sflag:s9], $0x2000  }
0x85: {  	[sflag:s9] =	ssyncset.done $0x0  }
0x86: {  	[sflag:s9] =	ssyncadd.s32 $0xFFFFE000  }
0x87: {  	_ =	swait.ge [sflag:s9], $0x800  }
0x88: {  	[sflag:s9] =	ssyncset.done $0x0  }
0x89: {  	[sflag:s9] =	ssyncadd.s32 $0xFFFFF800  }
0x8a: {  	_ =	swait.ge [sflag:s9], $0x2000  }
0x8b: {  	[sflag:s9] =	ssyncset.done $0x0  }
0x8c: {  	[sflag:s9] =	ssyncadd.s32 $0xFFFFE000  }
0x8d: {  	_ =	swait.ge [sflag:s9], $0x800  }
0x8e: {  	[sflag:s9] =	ssyncset.done $0x0  }
0x8f: {  	[sflag:s9] =	ssyncadd.s32 $0xFFFFF800  }
0x90: {  	_ =	swait.ge [sflag:s9], $0x2000  }
0x91: {  	[sflag:s9] =	ssyncset.done $0x0  }
0x92: {  	[sflag:s9] =	ssyncadd.s32 $0xFFFFE000  }
0x93: {  	_ =	swait.ge [sflag:s9], $0x800  }
0x94: {  	[sflag:s9] =	ssyncset.done $0x0  }
0x95: {  	[sflag:s9] =	ssyncadd.s32 $0xFFFFF800  }
0x96: {  	_ =	swait.ge [sflag:s9], $0x2000  }
0x97: {  	[sflag:s9] =	ssyncset.done $0x0  }
0x98: {  	[sflag:s9] =	ssyncadd.s32 $0xFFFFE000  }
0x99: {  	_ =	swait.ge [sflag:s9], $0x800  }
0x9a: {  	[sflag:s9] =	ssyncset.done $0x0  }
0x9b: {  	[sflag:s9] =	ssyncadd.s32 $0xFFFFF800  }
0x9c: {  	s10 =	simm.s32 $0x0;
	[bflag:$0x0] =	sbarrier.arrive $0xFFFF  }
0x9d: {  	[tilespmem:s23], [sflag:$0x2] =	stream.indirect.gather [hbm4b:s14+s22], $0x40, s10, s22, $0xb8;
	[tilespmem:$0x1F540] =	vst v63  }
0x9e: {  	_ = 	snop  }
0x9f: {  	[tilespmem:s24], [sflag:$0x3] =	stream.indirect.gather [hbm4b:s14+s22], $0x40, s22, s22, $0xb8;
	[tilespmem:$0x1F540] =	vst v63  }
0xa0: {  	s11 =	simm.s32 $0xA0  }
0xa1: {  	[tilespmem:s25], [sflag:$0x4] =	stream.indirect.gather [hbm4b:s14+s22], $0x40, s11, s22, $0xb8;
	[tilespmem:$0x1F540] =	vst v63  }
0xa2: {  	s12 =	simm.s32 $0xF0;
	s13 =	simm.s32 $0x140  }
0xa3: {  	[tilespmem:s26], [sflag:$0x5] =	stream.indirect.gather [hbm4b:s14+s22], $0x40, s12, s22, $0xb8;
	[tilespmem:$0x1F540] =	vst v63  }
0xa4: {  	p1 =	por $0x0, $0x0;
	s1 =	simm.s32 $0x1;
	s12 =	simm.s32 $0x1  }
0xa5: {  	[tilespmem:s28], [sflag:$0x6] =	stream.indirect.gather [hbm4b:s14+s22], $0x40, s13, s22, $0xb8;
	[tilespmem:$0x1F540] =	vst v63  }
0xa6: {  	s1 =	simm.s32 @!p1 $0x0;
	s12 =	simm.s32 @!p0 $0x0;
	_ =	swait.ge [sflag:s29], $0x1400  }
0xa7: {  	p2 =	seq.s32 s12, s1;
	[sflag:s29] =	ssyncset.done $0x0  }
0xa8: {  	s1 =	simm.s32 $0x4E20;
	s10 =	simm.s32 @p2 $0x3;
	[sflag:s29] =	ssyncadd.s32 $0xFFFFEC00  }
0xa9: {  	[spmem:s15] =	stream.indirect.scatter.add.f32 [tilespmem:s23], [sflag:$0x7], $0x40, s1, s22, $0xb8;
	[tilespmem:$0x1F540] =	vst v63  }
0xaa: {  	_ =	swait.ge @p2 [sflag:s10], $0x1400  }
0xab: {  	s13 =	simm.s32 @p2 $0x4E70;
	[sflag:s10] =	ssyncset.done @p2 $0x0  }
0xac: {  	s21 =	simm.s32 @p2 $0x50;
	[sflag:s10] =	ssyncadd.s32 @p2 $0xFFFFEC00;
	s10 =	simm.s32 @p2 $0xB040  }
0xad: {  	[spmem:s15] =	stream.indirect.scatter.add.f32 @p2 [tilespmem:s10], [sflag:$0x8], $0x40, s13, s21, $0xb8;
	[tilespmem:$0x1F540] =	vst v63  }
0xae: {  	s10 =	simm.s32 @!p2 $0x50;
	s13 =	simm.s32 @!p2 $0x10040;
	s21 =	simm.s32 @!p2 $0x3  }
0xaf: {  	[spmem:s17] =	stream.indirect.scatter.add.f32 @!p2 [tilespmem:s13], [sflag:$0xC], $0x10, s1, s10, $0xb8;
	[tilespmem:$0x1F540] =	vst v63  }
0xb0: {  	_ =	swait.ge @!p2 [sflag:s21], $0x1400  }
0xb1: {  	[sflag:s21] =	ssyncset.done @!p2 $0x0  }
0xb2: {  	s1 =	simm.s32 @!p2 $0x4E70;
	[sflag:s21] =	ssyncadd.s32 @!p2 $0xFFFFEC00;
	s21 =	simm.s32 @!p2 $0xB040  }
0xb3: {  	[spmem:s15] =	stream.indirect.scatter.add.f32 @!p2 [tilespmem:s21], [sflag:$0x8], $0x40, s1, s10, $0xb8;
	[tilespmem:$0x1F540] =	vst v63  }
0xb4: {  	_ = 	snop  }
0xb5: {  	[spmem:s17] =	stream.indirect.scatter.add.f32 @!p2 [tilespmem:s13], [sflag:$0xC], $0x10, s1, s10, $0xb8;
	[tilespmem:$0x1F540] =	vst v63  }
0xb6: {  	p2 =	por !p1, !p1;
	_ =	swait.ge [sflag:s30], $0x1400  }
0xb7: {  	p2 =	por @!p0 p1, p1;
	[sflag:s30] =	ssyncset.done $0x0  }
0xb8: {  	s1 =	simm.s32 $0x4EC0;
	s10 =	simm.s32 @!p2 $0x5;
	[sflag:s30] =	ssyncadd.s32 $0xFFFFEC00  }
0xb9: {  	[spmem:s15] =	stream.indirect.scatter.add.f32 [tilespmem:s25], [sflag:$0x9], $0x40, s1, s22, $0xb8;
	[tilespmem:$0x1F540] =	vst v63  }
0xba: {  	_ =	swait.ge @!p2 [sflag:s10], $0x1400  }
0xbb: {  	s13 =	simm.s32 @!p2 $0x4F10;
	[sflag:s10] =	ssyncset.done @!p2 $0x0  }
0xbc: {  	s21 =	simm.s32 @!p2 $0xD840;
	[sflag:s10] =	ssyncadd.s32 @!p2 $0xFFFFEC00;
	s10 =	simm.s32 @!p2 $0x50  }
0xbd: {  	[spmem:s15] =	stream.indirect.scatter.add.f32 @!p2 [tilespmem:s21], [sflag:$0xA], $0x40, s13, s10, $0xb8;
	[tilespmem:$0x1F540] =	vst v63  }
0xbe: {  	s10 =	simm.s32 @p2 $0x50;
	s13 =	simm.s32 @p2 $0x10040;
	s21 =	simm.s32 @p2 $0x5  }
0xbf: {  	[spmem:s17] =	stream.indirect.scatter.add.f32 @p2 [tilespmem:s13], [sflag:$0xC], $0x10, s1, s10, $0xb8;
	[tilespmem:$0x1F540] =	vst v63  }
0xc0: {  	_ =	swait.ge @p2 [sflag:s21], $0x1400  }
0xc1: {  	[sflag:s21] =	ssyncset.done @p2 $0x0  }
0xc2: {  	s1 =	simm.s32 @p2 $0x4F10;
	[sflag:s21] =	ssyncadd.s32 @p2 $0xFFFFEC00;
	s21 =	simm.s32 @p2 $0xD840  }
0xc3: {  	[spmem:s15] =	stream.indirect.scatter.add.f32 @p2 [tilespmem:s21], [sflag:$0xA], $0x40, s1, s10, $0xb8;
	[tilespmem:$0x1F540] =	vst v63  }
0xc4: {  	_ = 	snop  }
0xc5: {  	[spmem:s17] =	stream.indirect.scatter.add.f32 @p2 [tilespmem:s13], [sflag:$0xC], $0x10, s1, s10, $0xb8;
	[tilespmem:$0x1F540] =	vst v63  }
0xc6: {  	_ =	swait.ge [sflag:s31], $0x1400  }
0xc7: {  	[sflag:s31] =	ssyncset.done $0x0  }
0xc8: {  	s1 =	simm.s32 $0x4F60;
	[sflag:s31] =	ssyncadd.s32 $0xFFFFEC00  }
0xc9: {  	[spmem:s15] =	stream.indirect.scatter.add.f32 [tilespmem:s28], [sflag:$0xB], $0x40, s1, s22, $0xb8;
	[tilespmem:$0x1F540] =	vst v63  }
0xca: {  	_ = 	snop  }
0xcb: {  	[spmem:s17] =	stream.indirect.scatter.add.f32 @p2 [tilespmem:s13], [sflag:$0xC], $0x10, s1, s10, $0xb8;
	[tilespmem:$0x1F540] =	vst v63  }
0xcc: {  	_ =	swait.ge [sflag:s16], $0x1400  }
0xcd: {  	[sflag:s16] =	ssyncset.done $0x0  }
0xce: {  	s18 =	simm.s32 $0x190;
	[sflag:s16] =	ssyncadd.s32 $0xFFFFEC00  }
0xcf: {  	[tilespmem:s23], [sflag:$0x2] =	stream.indirect.gather [hbm4b:s14+s22], $0x40, s18, s22, $0xb8;
	[tilespmem:$0x1F540] =	vst v63  }
0xd0: {  	_ =	swait.ge [sflag:s0], $0x1400  }
0xd1: {  	[sflag:s0] =	ssyncset.done $0x0  }
0xd2: {  	s19 =	simm.s32 $0x1E0;
	[sflag:s0] =	ssyncadd.s32 $0xFFFFEC00  }
0xd3: {  	[tilespmem:s24], [sflag:$0x3] =	stream.indirect.gather [hbm4b:s14+s22], $0x40, s19, s22, $0xb8;
	[tilespmem:$0x1F540] =	vst v63  }
0xd4: {  	_ =	swait.ge [sflag:s2], $0x1400  }
0xd5: {  	[sflag:s2] =	ssyncset.done $0x0  }
0xd6: {  	s20 =	simm.s32 $0x230;
	[sflag:s2] =	ssyncadd.s32 $0xFFFFEC00  }
0xd7: {  	[tilespmem:s25], [sflag:$0x4] =	stream.indirect.gather [hbm4b:s14+s22], $0x40, s20, s22, $0xb8;
	[tilespmem:$0x1F540] =	vst v63  }
0xd8: {  	_ =	swait.ge [sflag:s3], $0x1400  }
0xd9: {  	[sflag:s3] =	ssyncset.done $0x0  }
0xda: {  	s21 =	simm.s32 $0x280;
	[sflag:s3] =	ssyncadd.s32 $0xFFFFEC00  }
0xdb: {  	[tilespmem:s26], [sflag:$0x5] =	stream.indirect.gather [hbm4b:s14+s22], $0x40, s21, s22, $0xb8;
	[tilespmem:$0x1F540] =	vst v63  }
0xdc: {  	s1 =	simm.s32 $0x2D0;
	_ =	swait.ge [sflag:s4], $0x1400  }
0xdd: {  	s10 =	simm.s32 $0x640;
	s21 =	simm.s32 $0x1;
	[sflag:s4] =	ssyncset.done $0x0  }
.LBB2_8:
0xde: {  	p1 =	sgt.u32 s21, $0x18;
	[sflag:s4] =	ssyncadd.s32 $0xFFFFEC00;
	s19 =	smov.u32 s10  }
0xdf: {  	[tilespmem:s28], [sflag:$0x6] =	stream.indirect.gather [hbm4b:s14+s22], $0x40, s1, s22, $0xb8;
	[tilespmem:$0x1F540] =	vst v63  }
0xe0: {  	s1 =	simm.s32 $0x1  }
0xe1: {  	s13 =	sshra.s32 s10, $0x2;
	_ =	swait.ge [sflag:s29], $0x1400;
	s1 =	simm.s32 @!p1 $0x0  }
0xe2: {  	s9 =	sadd.s32 $0x4E20, s13;
	[sflag:s29] =	ssyncset.done $0x0;
	p3 =	seq.s32 s12, s1  }
0xe3: {  	[sflag:s29] =	ssyncadd.s32 $0xFFFFEC00;
	s1 =	simm.s32 @p3 $0x3;
	s6 =	sshra.s32 @p3 s10, $0x2  }
0xe4: {  	[spmem:s15] =	stream.indirect.scatter.add.f32 [tilespmem:s23], [sflag:$0x7], $0x40, s9, s22, $0xb8;
	[tilespmem:$0x1F540] =	vst v63  }
0xe5: {  	s7 =	sshra.s32 @!p3 s10, $0x2;
	s6 =	sadd.s32 @p3 $0x4E70, s6;
	_ =	swait.ge @p3 [sflag:s1], $0x1400  }
0xe6: {  	s11 =	simm.s32 @p3 $0x50;
	s18 =	simm.s32 @p3 $0xB040;
	[sflag:s1] =	ssyncset.done @p3 $0x0  }
0xe7: {  	s20 =	simm.s32 @!p3 $0x50;
	s8 =	simm.s32 @!p3 $0x10040;
	[sflag:s1] =	ssyncadd.s32 @p3 $0xFFFFEC00  }
0xe8: {  	[spmem:s15] =	stream.indirect.scatter.add.f32 @p3 [tilespmem:s18], [sflag:$0x8], $0x40, s6, s11, $0xb8;
	[tilespmem:$0x1F540] =	vst v63  }
0xe9: {  	p2 =	por !p1, !p1;
	s1 =	sadd.s32 $0x2D0, s13;
	s6 =	simm.s32 @!p3 $0x3  }
0xea: {  	[spmem:s17] =	stream.indirect.scatter.add.f32 @!p3 [tilespmem:s8], [sflag:$0xC], $0x10, s9, s20, $0xb8;
	[tilespmem:$0x1F540] =	vst v63  }
0xeb: {  	p2 =	por @!p0 p1, p1;
	s10 =	sadd.s32 $0x640, s10;
	_ =	swait.ge @!p3 [sflag:s6], $0x1400  }
0xec: {  	s7 =	sadd.s32 @!p3 $0x4E70, s7;
	s9 =	simm.s32 @!p3 $0xB040;
	[sflag:s6] =	ssyncset.done @!p3 $0x0  }
0xed: {  	s11 =	sshra.s32 @p2 s19, $0x2;
	[sflag:s6] =	ssyncadd.s32 @!p3 $0xFFFFEC00;
	s6 =	sshra.s32 @!p2 s19, $0x2  }
0xee: {  	[spmem:s15] =	stream.indirect.scatter.add.f32 @!p3 [tilespmem:s9], [sflag:$0x8], $0x40, s7, s20, $0xb8;
	[tilespmem:$0x1F540] =	vst v63  }
0xef: {  	p1 =	sne.s32 s10, $0x13240;
	s6 =	sadd.s32 @!p2 $0x4F10, s6  }
0xf0: {  	[spmem:s17] =	stream.indirect.scatter.add.f32 @!p3 [tilespmem:s8], [sflag:$0xC], $0x10, s7, s20, $0xb8;
	[tilespmem:$0x1F540] =	vst v63  }
0xf1: {  	_ =	swait.ge [sflag:s30], $0x1400  }
0xf2: {  	s7 =	sadd.s32 $0x4EC0, s13;
	[sflag:s30] =	ssyncset.done $0x0  }
0xf3: {  	s8 =	simm.s32 @!p2 $0x5;
	[sflag:s30] =	ssyncadd.s32 $0xFFFFEC00  }
0xf4: {  	[spmem:s15] =	stream.indirect.scatter.add.f32 [tilespmem:s25], [sflag:$0x9], $0x40, s7, s22, $0xb8;
	[tilespmem:$0x1F540] =	vst v63  }
0xf5: {  	_ =	swait.ge @!p2 [sflag:s8], $0x1400  }
0xf6: {  	[sflag:s8] =	ssyncset.done @!p2 $0x0  }
0xf7: {  	s9 =	simm.s32 @!p2 $0xD840;
	[sflag:s8] =	ssyncadd.s32 @!p2 $0xFFFFEC00;
	s8 =	simm.s32 @!p2 $0x50  }
0xf8: {  	[spmem:s15] =	stream.indirect.scatter.add.f32 @!p2 [tilespmem:s9], [sflag:$0xA], $0x40, s6, s8, $0xb8;
	[tilespmem:$0x1F540] =	vst v63  }
0xf9: {  	s6 =	simm.s32 @p2 $0x50;
	s8 =	simm.s32 @p2 $0x10040;
	s9 =	simm.s32 @p2 $0x5  }
0xfa: {  	[spmem:s17] =	stream.indirect.scatter.add.f32 @p2 [tilespmem:s8], [sflag:$0xC], $0x10, s7, s6, $0xb8;
	[tilespmem:$0x1F540] =	vst v63  }
0xfb: {  	_ =	swait.ge @p2 [sflag:s9], $0x1400  }
0xfc: {  	[sflag:s9] =	ssyncset.done @p2 $0x0  }
0xfd: {  	s7 =	sadd.s32 @p2 $0x4F10, s11;
	[sflag:s9] =	ssyncadd.s32 @p2 $0xFFFFEC00;
	s9 =	simm.s32 @p2 $0xD840  }
0xfe: {  	[spmem:s15] =	stream.indirect.scatter.add.f32 @p2 [tilespmem:s9], [sflag:$0xA], $0x40, s7, s6, $0xb8;
	[tilespmem:$0x1F540] =	vst v63  }
0xff: {  	_ = 	snop  }
0x100: {  	[spmem:s17] =	stream.indirect.scatter.add.f32 @p2 [tilespmem:s8], [sflag:$0xC], $0x10, s7, s6, $0xb8;
	[tilespmem:$0x1F540] =	vst v63  }
0x101: {  	_ =	swait.ge [sflag:s31], $0x1400  }
0x102: {  	[sflag:s31] =	ssyncset.done $0x0  }
0x103: {  	s7 =	sadd.s32 $0x4F60, s13;
	[sflag:s31] =	ssyncadd.s32 $0xFFFFEC00  }
0x104: {  	[spmem:s15] =	stream.indirect.scatter.add.f32 [tilespmem:s28], [sflag:$0xB], $0x40, s7, s22, $0xb8;
	[tilespmem:$0x1F540] =	vst v63  }
0x105: {  	_ = 	snop  }
0x106: {  	[spmem:s17] =	stream.indirect.scatter.add.f32 @p2 [tilespmem:s8], [sflag:$0xC], $0x10, s7, s6, $0xb8;
	[tilespmem:$0x1F540] =	vst v63  }
0x107: {  	_ =	swait.ge [sflag:s16], $0x1400  }
0x108: {  	[sflag:s16] =	ssyncset.done $0x0  }
0x109: {  	s6 =	sadd.s32 $0x190, s13;
	[sflag:s16] =	ssyncadd.s32 $0xFFFFEC00  }
0x10a: {  	[tilespmem:s23], [sflag:$0x2] =	stream.indirect.gather [hbm4b:s14+s22], $0x40, s6, s22, $0xb8;
	[tilespmem:$0x1F540] =	vst v63  }
0x10b: {  	_ =	swait.ge [sflag:s0], $0x1400  }
0x10c: {  	[sflag:s0] =	ssyncset.done $0x0  }
0x10d: {  	s6 =	sadd.s32 $0x1E0, s13;
	[sflag:s0] =	ssyncadd.s32 $0xFFFFEC00  }
0x10e: {  	[tilespmem:s24], [sflag:$0x3] =	stream.indirect.gather [hbm4b:s14+s22], $0x40, s6, s22, $0xb8;
	[tilespmem:$0x1F540] =	vst v63  }
0x10f: {  	_ =	swait.ge [sflag:s2], $0x1400  }
0x110: {  	[sflag:s2] =	ssyncset.done $0x0  }
0x111: {  	s6 =	sadd.s32 $0x230, s13;
	[sflag:s2] =	ssyncadd.s32 $0xFFFFEC00  }
0x112: {  	[tilespmem:s25], [sflag:$0x4] =	stream.indirect.gather [hbm4b:s14+s22], $0x40, s6, s22, $0xb8;
	[tilespmem:$0x1F540] =	vst v63  }
0x113: {  	_ =	swait.ge [sflag:s3], $0x1400  }
.Ltmp3:
0x114: {  	[sflag:s3] =	ssyncset.done $0x0;
	(pc) =	sbr.rel @p1 .LBB2_8-.Ltmp3, $4  }
0x115: {  	s6 =	sadd.s32 $0x280, s13;
	[sflag:s3] =	ssyncadd.s32 $0xFFFFEC00  }
0x116: {  	[tilespmem:s26], [sflag:$0x5] =	stream.indirect.gather [hbm4b:s14+s22], $0x40, s6, s22, $0xb8;
	[tilespmem:$0x1F540] =	vst v63  }
0x117: {  	_ =	swait.ge [sflag:s4], $0x1400  }
0x118: {  	s21 =	sadd.s32 $0x1, s21;
	[sflag:s4] =	ssyncset.done $0x0  }
0x119: {  	[sflag:s4] =	ssyncadd.s32 $0xFFFFEC00  }
0x11a: {  	[tilespmem:s28], [sflag:$0x6] =	stream.indirect.gather [hbm4b:s14+s22], $0x40, s1, s22, $0xb8;
	[tilespmem:$0x1F540] =	vst v63  }
0x11b: {  	_ =	swait.ge [sflag:s29], $0x1400  }
0x11c: {  	[sflag:s29] =	ssyncset.done $0x0  }
0x11d: {  	s19 =	simm.s32 $0x9AB0;
	s1 =	simm.s32 @p0 $0x3;
	[sflag:s29] =	ssyncadd.s32 $0xFFFFEC00  }
0x11e: {  	[spmem:s15] =	stream.indirect.scatter.add.f32 [tilespmem:s23], [sflag:$0x7], $0x40, s19, s22, $0xb8;
	[tilespmem:$0x1F540] =	vst v63  }
0x11f: {  	_ =	swait.ge @p0 [sflag:s1], $0x1400  }
0x120: {  	s6 =	simm.s32 @p0 $0x9B00;
	[sflag:s1] =	ssyncset.done @p0 $0x0  }
0x121: {  	s7 =	simm.s32 @p0 $0xB040;
	[sflag:s1] =	ssyncadd.s32 @p0 $0xFFFFEC00;
	s1 =	simm.s32 @p0 $0x50  }
0x122: {  	[spmem:s15] =	stream.indirect.scatter.add.f32 @p0 [tilespmem:s7], [sflag:$0x8], $0x40, s6, s1, $0xb8;
	[tilespmem:$0x1F540] =	vst v63  }
0x123: {  	s8 =	simm.s32 @!p0 $0x10040;
	s6 =	simm.s32 @!p0 $0x50;
	s7 =	simm.s32 @!p0 $0x9AB0  }
0x124: {  	[spmem:s17] =	stream.indirect.scatter.add.f32 @!p0 [tilespmem:s8], [sflag:$0xC], $0x10, s7, s6, $0xb8;
	[tilespmem:$0x1F540] =	vst v63  }
0x125: {  	s7 =	simm.s32 @!p0 $0x3  }
0x126: {  	_ =	swait.ge @!p0 [sflag:s7], $0x1400  }
0x127: {  	[sflag:s7] =	ssyncset.done @!p0 $0x0  }
0x128: {  	s9 =	simm.s32 @!p0 $0xB040;
	[sflag:s7] =	ssyncadd.s32 @!p0 $0xFFFFEC00;
	s7 =	simm.s32 @!p0 $0x9B00  }
0x129: {  	[spmem:s15] =	stream.indirect.scatter.add.f32 @!p0 [tilespmem:s9], [sflag:$0x8], $0x40, s7, s6, $0xb8;
	[tilespmem:$0x1F540] =	vst v63  }
0x12a: {  	_ = 	snop  }
0x12b: {  	[spmem:s17] =	stream.indirect.scatter.add.f32 @!p0 [tilespmem:s8], [sflag:$0xC], $0x10, s7, s6, $0xb8;
	[tilespmem:$0x1F540] =	vst v63  }
0x12c: {  	_ =	swait.ge [sflag:s30], $0x1400  }
0x12d: {  	[sflag:s30] =	ssyncset.done $0x0  }
0x12e: {  	s20 =	simm.s32 $0x9B50;
	s7 =	simm.s32 @p0 $0x5;
	[sflag:s30] =	ssyncadd.s32 $0xFFFFEC00  }
0x12f: {  	[spmem:s15] =	stream.indirect.scatter.add.f32 [tilespmem:s25], [sflag:$0x9], $0x40, s20, s22, $0xb8;
	[tilespmem:$0x1F540] =	vst v63  }
0x130: {  	_ =	swait.ge @p0 [sflag:s7], $0x1400  }
0x131: {  	[sflag:s7] =	ssyncset.done @p0 $0x0  }
0x132: {  	s9 =	simm.s32 @p0 $0xD840;
	[sflag:s7] =	ssyncadd.s32 @p0 $0xFFFFEC00;
	s7 =	simm.s32 @p0 $0x9BA0  }
0x133: {  	[spmem:s15] =	stream.indirect.scatter.add.f32 @p0 [tilespmem:s9], [sflag:$0xA], $0x40, s7, s1, $0xb8;
	[tilespmem:$0x1F540] =	vst v63  }
0x134: {  	s1 =	simm.s32 @!p0 $0x9B50  }
0x135: {  	[spmem:s17] =	stream.indirect.scatter.add.f32 @!p0 [tilespmem:s8], [sflag:$0xC], $0x10, s1, s6, $0xb8;
	[tilespmem:$0x1F540] =	vst v63  }
0x136: {  	s1 =	simm.s32 @!p0 $0x5  }
0x137: {  	_ =	swait.ge @!p0 [sflag:s1], $0x1400  }
0x138: {  	[sflag:s1] =	ssyncset.done @!p0 $0x0  }
0x139: {  	s7 =	simm.s32 @!p0 $0xD840;
	[sflag:s1] =	ssyncadd.s32 @!p0 $0xFFFFEC00;
	s1 =	simm.s32 @!p0 $0x9BA0  }
0x13a: {  	[spmem:s15] =	stream.indirect.scatter.add.f32 @!p0 [tilespmem:s7], [sflag:$0xA], $0x40, s1, s6, $0xb8;
	[tilespmem:$0x1F540] =	vst v63  }
0x13b: {  	_ = 	snop  }
0x13c: {  	[spmem:s17] =	stream.indirect.scatter.add.f32 @!p0 [tilespmem:s8], [sflag:$0xC], $0x10, s1, s6, $0xb8;
	[tilespmem:$0x1F540] =	vst v63  }
0x13d: {  	_ =	swait.ge [sflag:s31], $0x1400  }
0x13e: {  	[sflag:s31] =	ssyncset.done $0x0  }
0x13f: {  	s21 =	simm.s32 $0x9BF0;
	[sflag:s31] =	ssyncadd.s32 $0xFFFFEC00  }
0x140: {  	[spmem:s15] =	stream.indirect.scatter.add.f32 [tilespmem:s28], [sflag:$0xB], $0x40, s21, s22, $0xb8;
	[tilespmem:$0x1F540] =	vst v63  }
0x141: {  	s1 =	simm.s32 @!p0 $0x9BF0  }
0x142: {  	[spmem:s17] =	stream.indirect.scatter.add.f32 @!p0 [tilespmem:s8], [sflag:$0xC], $0x10, s1, s6, $0xb8;
	[tilespmem:$0x1F540] =	vst v63  }
0x143: {  	_ =	swait.ge [sflag:s16], $0x1400  }
0x144: {  	[sflag:s16] =	ssyncset.done $0x0  }
0x145: {  	[sflag:s16] =	ssyncadd.s32 $0xFFFFEC00  }
0x146: {  	_ =	swait.ge [sflag:s0], $0x1400  }
0x147: {  	[sflag:s0] =	ssyncset.done $0x0  }
0x148: {  	[sflag:s0] =	ssyncadd.s32 $0xFFFFEC00  }
0x149: {  	_ =	swait.ge [sflag:s2], $0x1400  }
0x14a: {  	[sflag:s2] =	ssyncset.done $0x0  }
0x14b: {  	[sflag:s2] =	ssyncadd.s32 $0xFFFFEC00  }
0x14c: {  	_ =	swait.ge [sflag:s3], $0x1400  }
0x14d: {  	[sflag:s3] =	ssyncset.done $0x0  }
0x14e: {  	[sflag:s3] =	ssyncadd.s32 $0xFFFFEC00  }
0x14f: {  	_ =	swait.ge [sflag:s4], $0x1400  }
0x150: {  	[sflag:s4] =	ssyncset.done $0x0  }
0x151: {  	[sflag:s4] =	ssyncadd.s32 $0xFFFFEC00  }
0x152: {  	_ =	swait.ge [sflag:s5], $0x500  }
0x153: {  	s1 =	simm.s32 $0x7C;
	[sflag:s5] =	ssyncset.done $0x0  }
.LBB2_10:
0x154: {  	p1 =	sne.s32 s1, $0x1;
	s1 =	sadd.s32 $0xFFFFFFFF, s1;
	[sflag:s5] =	ssyncadd.s32 $0xFFFFFB00  }
.Ltmp4:
0x155: {  	(pc) =	sbr.rel @p1 .LBB2_10-.Ltmp4, $3  }
0x156: {  	_ =	sdelay $0x1  }
0x157: {  	_ =	swait.ge [sflag:s5], $0x500  }
0x158: {  	[sflag:s5] =	ssyncset.done $0x0  }
0x159: {  	[sflag:s5] =	ssyncadd.s32 $0xFFFFFB00  }
0x15a: {  	[bflag:$0x0] =	sbarrier.arrive $0xFFFF  }
0x15b: {  	s7 =	rddreg [dreg:$0x15]  }
0x15c: {  	[tilespmem:s23], [sflag:$0x2] =	stream.linear.gather [spmem:s7], $0x1400, $0x38;
	[tilespmem:$0x1F540] =	vst v63  }
0x15d: {  	s1 =	rddreg [dreg:$0x16]  }
0x15e: {  	[tilespmem:s24], [sflag:$0x3] =	stream.linear.gather [spmem:s1], $0x1400, $0x38;
	[tilespmem:$0x1F540] =	vst v63  }
0x15f: {  	s21 =	rddreg [dreg:$0x17]  }
0x160: {  	[tilespmem:s25], [sflag:$0x4] =	stream.linear.gather [spmem:s21], $0x1400, $0x38;
	[tilespmem:$0x1F540] =	vst v63  }
0x161: {  	s6 =	rddreg [dreg:$0x18]  }
0x162: {  	[tilespmem:s26], [sflag:$0x5] =	stream.linear.gather [spmem:s6], $0x1400, $0x38;
	[tilespmem:$0x1F540] =	vst v63  }
0x163: {  	s8 =	rddreg [dreg:$0x19]  }
0x164: {  	[tilespmem:s28], [sflag:$0x6] =	stream.linear.gather [spmem:s8], $0x1400, $0x38;
	[tilespmem:$0x1F540] =	vst v63  }
0x165: {  	_ =	swait.ge [sflag:s29], $0x1400  }
0x166: {  	s6 =	simm.s32 $0x40;
	[sflag:s29] =	ssyncset.done $0x0  }
0x167: {  	s8 =	simm.s32 $0x80;
	s9 =	rddreg [dreg:$0x7];
	[sflag:s29] =	ssyncadd.s32 $0xFFFFEC00  }
0x168: {  	[hbm4b:s9+s6] =	stream.strided.scatter [tilespmem:s23], [sflag:$0xE], $0x1400, s8, s6, $0x38;
	[tilespmem:$0x1F540] =	vst v63  }
0x169: {  	s9 =	simm.s32 $0xE  }
0x16a: {  	_ =	swait.ge [sflag:s9], $0x1400  }
0x16b: {  	[sflag:s9] =	ssyncset.done $0x0  }
0x16c: {  	s10 =	rddreg [dreg:$0x1a];
	[sflag:s9] =	ssyncadd.s32 $0xFFFFEC00  }
0x16d: {  	[tilespmem:s23], [sflag:$0x2] =	stream.linear.gather [spmem:s10], $0x1400, $0x38;
	[tilespmem:$0x1F540] =	vst v63  }
0x16e: {  	s10 =	simm.s32 $0x3  }
0x16f: {  	_ =	swait.ge [sflag:s10], $0x1400  }
0x170: {  	[sflag:s10] =	ssyncset.done $0x0  }
0x171: {  	s11 =	rddreg [dreg:$0x8];
	[sflag:s10] =	ssyncadd.s32 $0xFFFFEC00  }
0x172: {  	[hbm4b:s11+s6] =	stream.strided.scatter [tilespmem:s24], [sflag:$0xE], $0x1400, s8, s6, $0x38;
	[tilespmem:$0x1F540] =	vst v63  }
0x173: {  	_ =	swait.ge [sflag:s9], $0x1400  }
0x174: {  	[sflag:s9] =	ssyncset.done $0x0  }
0x175: {  	s12 =	rddreg [dreg:$0x1b];
	[sflag:s9] =	ssyncadd.s32 $0xFFFFEC00  }
0x176: {  	[tilespmem:s24], [sflag:$0x3] =	stream.linear.gather [spmem:s12], $0x1400, $0x38;
	[tilespmem:$0x1F540] =	vst v63  }
0x177: {  	_ =	swait.ge [sflag:s30], $0x1400  }
0x178: {  	[sflag:s30] =	ssyncset.done $0x0  }
0x179: {  	s13 =	rddreg [dreg:$0x9];
	[sflag:s30] =	ssyncadd.s32 $0xFFFFEC00  }
0x17a: {  	[hbm4b:s13+s6] =	stream.strided.scatter [tilespmem:s25], [sflag:$0xE], $0x1400, s8, s6, $0x38;
	[tilespmem:$0x1F540] =	vst v63  }
0x17b: {  	_ =	swait.ge [sflag:s9], $0x1400  }
0x17c: {  	[sflag:s9] =	ssyncset.done $0x0  }
0x17d: {  	s19 =	simm.s32 $0x5;
	s18 =	rddreg [dreg:$0x1c];
	[sflag:s9] =	ssyncadd.s32 $0xFFFFEC00  }
0x17e: {  	[tilespmem:s25], [sflag:$0x4] =	stream.linear.gather [spmem:s18], $0x1400, $0x38;
	[tilespmem:$0x1F540] =	vst v63  }
0x17f: {  	_ =	swait.ge [sflag:s19], $0x1400  }
0x180: {  	[sflag:s19] =	ssyncset.done $0x0  }
0x181: {  	s20 =	rddreg [dreg:$0xa];
	[sflag:s19] =	ssyncadd.s32 $0xFFFFEC00  }
0x182: {  	[hbm4b:s20+s6] =	stream.strided.scatter [tilespmem:s26], [sflag:$0xE], $0x1400, s8, s6, $0x38;
	[tilespmem:$0x1F540] =	vst v63  }
0x183: {  	_ =	swait.ge [sflag:s9], $0x1400  }
0x184: {  	[sflag:s9] =	ssyncset.done $0x0  }
0x185: {  	[sflag:s9] =	ssyncadd.s32 $0xFFFFEC00  }
0x186: {  	_ =	swait.ge [sflag:s31], $0x1400  }
0x187: {  	[sflag:s31] =	ssyncset.done $0x0  }
0x188: {  	s21 =	rddreg [dreg:$0xb];
	[sflag:s31] =	ssyncadd.s32 $0xFFFFEC00  }
0x189: {  	[hbm4b:s21+s6] =	stream.strided.scatter [tilespmem:s28], [sflag:$0xE], $0x1400, s8, s6, $0x38;
	[tilespmem:$0x1F540] =	vst v63  }
0x18a: {  	_ =	swait.ge [sflag:s9], $0x1400  }
0x18b: {  	[sflag:s9] =	ssyncset.done $0x0  }
0x18c: {  	[sflag:s9] =	ssyncadd.s32 $0xFFFFEC00  }
0x18d: {  	_ =	swait.ge [sflag:s29], $0x1400  }
0x18e: {  	[sflag:s29] =	ssyncset.done $0x0  }
0x18f: {  	s11 =	rddreg [dreg:$0xc];
	[sflag:s29] =	ssyncadd.s32 $0xFFFFEC00  }
0x190: {  	[hbm4b:s11+s6] =	stream.strided.scatter [tilespmem:s23], [sflag:$0xE], $0x1400, s8, s6, $0x38;
	[tilespmem:$0x1F540] =	vst v63  }
0x191: {  	_ =	swait.ge [sflag:s9], $0x1400  }
0x192: {  	[sflag:s9] =	ssyncset.done $0x0  }
0x193: {  	[sflag:s9] =	ssyncadd.s32 $0xFFFFEC00  }
0x194: {  	_ =	swait.ge [sflag:s10], $0x1400  }
0x195: {  	[sflag:s10] =	ssyncset.done $0x0  }
0x196: {  	s12 =	rddreg [dreg:$0xd];
	[sflag:s10] =	ssyncadd.s32 $0xFFFFEC00  }
0x197: {  	[hbm4b:s12+s6] =	stream.strided.scatter [tilespmem:s24], [sflag:$0xE], $0x1400, s8, s6, $0x38;
	[tilespmem:$0x1F540] =	vst v63  }
0x198: {  	_ =	swait.ge [sflag:s9], $0x1400  }
0x199: {  	[sflag:s9] =	ssyncset.done $0x0  }
0x19a: {  	[sflag:s9] =	ssyncadd.s32 $0xFFFFEC00  }
0x19b: {  	_ =	swait.ge [sflag:s30], $0x1400  }
0x19c: {  	[sflag:s30] =	ssyncset.done $0x0  }
0x19d: {  	s13 =	rddreg [dreg:$0xe];
	[sflag:s30] =	ssyncadd.s32 $0xFFFFEC00  }
0x19e: {  	[hbm4b:s13+s6] =	stream.strided.scatter [tilespmem:s25], [sflag:$0xE], $0x1400, s8, s6, $0x38;
	[tilespmem:$0x1F540] =	vst v63  }
0x19f: {  	_ =	swait.ge [sflag:s9], $0x1400  }
0x1a0: {  	[sflag:s9] =	ssyncset.done $0x0  }
0x1a1: {  	s11 =	simm.s32 $0x12540;
	s18 =	rddreg [dreg:$0x1d];
	[sflag:s9] =	ssyncadd.s32 $0xFFFFEC00  }
0x1a2: {  	[tilespmem:s11], [sflag:$0xE] =	stream.linear.gather [spmem:s18], $0x800, $0x38;
	[tilespmem:$0x1F540] =	vst v63  }
0x1a3: {  	_ =	swait.ge [sflag:s9], $0x800  }
0x1a4: {  	[sflag:s9] =	ssyncset.done $0x0  }
0x1a5: {  	s1 =	simm.s32 $0x0;
	s19 =	rddreg [dreg:$0xf];
	[sflag:s9] =	ssyncadd.s32 $0xFFFFF800  }
0x1a6: {  	[hbm4b:s19+s1] =	stream.linear.scatter [tilespmem:s11], [sflag:$0xE], $0x800, $0x38;
	[tilespmem:$0x1F540] =	vst v63  }
0x1a7: {  	_ =	swait.ge [sflag:s9], $0x800  }
0x1a8: {  	[sflag:s9] =	ssyncset.done $0x0  }
0x1a9: {  	s20 =	rddreg [dreg:$0x1e];
	[sflag:s9] =	ssyncadd.s32 $0xFFFFF800  }
0x1aa: {  	[tilespmem:s11], [sflag:$0xE] =	stream.linear.gather [spmem:s20], $0x800, $0x38;
	[tilespmem:$0x1F540] =	vst v63  }
0x1ab: {  	_ =	swait.ge [sflag:s9], $0x800  }
0x1ac: {  	[sflag:s9] =	ssyncset.done $0x0  }
0x1ad: {  	s21 =	rddreg [dreg:$0x10];
	[sflag:s9] =	ssyncadd.s32 $0xFFFFF800  }
0x1ae: {  	[hbm4b:s21+s1] =	stream.linear.scatter [tilespmem:s11], [sflag:$0xE], $0x800, $0x38;
	[tilespmem:$0x1F540] =	vst v63  }
0x1af: {  	_ =	swait.ge [sflag:s9], $0x800  }
0x1b0: {  	[sflag:s9] =	ssyncset.done $0x0  }
0x1b1: {  	s8 =	rddreg [dreg:$0x1f];
	[sflag:s9] =	ssyncadd.s32 $0xFFFFF800  }
0x1b2: {  	[tilespmem:s11], [sflag:$0xE] =	stream.linear.gather [spmem:s8], $0x800, $0x38;
	[tilespmem:$0x1F540] =	vst v63  }
0x1b3: {  	_ =	swait.ge [sflag:s9], $0x800  }
0x1b4: {  	[sflag:s9] =	ssyncset.done $0x0  }
0x1b5: {  	s10 =	rddreg [dreg:$0x11];
	[sflag:s9] =	ssyncadd.s32 $0xFFFFF800  }
0x1b6: {  	[hbm4b:s10+s1] =	stream.linear.scatter [tilespmem:s11], [sflag:$0xE], $0x800, $0x38;
	[tilespmem:$0x1F540] =	vst v63  }
0x1b7: {  	_ =	swait.ge [sflag:s9], $0x800  }
0x1b8: {  	s12 =	sld [smem:$0x7F2]  }
0x1b9: {  	[sflag:s9] =	ssyncset.done $0x0  }
0x1ba: {  	[sflag:s9] =	ssyncadd.s32 $0xFFFFF800  }
0x1bb: {  	[tilespmem:s11], [sflag:$0xE] =	stream.linear.gather [spmem:s12], $0x800, $0x38;
	[tilespmem:$0x1F540] =	vst v63  }
0x1bc: {  	_ =	swait.ge [sflag:s9], $0x800  }
0x1bd: {  	[sflag:s9] =	ssyncset.done $0x0  }
0x1be: {  	s13 =	rddreg [dreg:$0x12];
	[sflag:s9] =	ssyncadd.s32 $0xFFFFF800  }
0x1bf: {  	[hbm4b:s13+s1] =	stream.linear.scatter [tilespmem:s11], [sflag:$0xE], $0x800, $0x38;
	[tilespmem:$0x1F540] =	vst v63  }
0x1c0: {  	_ =	swait.ge [sflag:s9], $0x800  }
0x1c1: {  	s18 =	sld [smem:$0x7F3]  }
0x1c2: {  	[sflag:s9] =	ssyncset.done $0x0  }
0x1c3: {  	[sflag:s9] =	ssyncadd.s32 $0xFFFFF800  }
0x1c4: {  	[tilespmem:s11], [sflag:$0xE] =	stream.linear.gather [spmem:s18], $0x800, $0x38;
	[tilespmem:$0x1F540] =	vst v63  }
0x1c5: {  	_ =	swait.ge [sflag:s9], $0x800  }
0x1c6: {  	[sflag:s9] =	ssyncset.done $0x0  }
0x1c7: {  	s19 =	rddreg [dreg:$0x13];
	[sflag:s9] =	ssyncadd.s32 $0xFFFFF800  }
0x1c8: {  	[hbm4b:s19+s1] =	stream.linear.scatter [tilespmem:s11], [sflag:$0xE], $0x800, $0x38;
	[tilespmem:$0x1F540] =	vst v63  }
0x1c9: {  	_ =	swait.ge [sflag:s9], $0x800  }
0x1ca: {  	s20 =	sld [smem:$0x7F1]  }
0x1cb: {  	s21 =	sld [smem:$0x7F4];
	_ =	sdelay $0x1  }
0x1cc: {  	s8 =	sadd.s32 $0x1, s20  }
0x1cd: {  	p1 =	sne.s32 s8, s21  }
.Ltmp5:
0x1ce: {  	_ = 	snop;
	(pc) =	sbr.rel @p1 .LBB2_1-.Ltmp5, $3  }
0x1cf: {  	_ =	sdelay $0x1  }
0x1d0: {  	[sflag:s9] =	ssyncset.done $0x0  }
0x1d1: {  	[sflag:s9] =	ssyncadd.s32 $0xFFFFF800  }
0x1d2: {  	_ =	sfence.sel $0x180000  }
0x1d3: {  	[bflag:$0x0] =	sbarrier.arrive $0xFFFF  }
0x1d4: {  	_ =	strace $0x90000047  }
0x1d5: {  	s0 =	stileid.u32;
	[bflag:$0x2] =	sbarrier.arrive $0xFFFF  }
0x1d6: {  	p0 =	sne.s32 s0, $0x0;
	s0 =	rddreg [dreg:$0x5]  }
0x1d7: {  	s0 =	sadd.s32 @!p0 $0x100000, s0  }
0x1d8: {  	[sflag:s0] =	ssyncadd.tile.s32 @!p0 $0x1;
	_ =	shalt  }
.Lfunc_end2:
_tile_overlayer_lowered:
.L_overlay_start_2:
0x1d9: {  	(tag) =	ssettag $0x2  }
0x1da: {  	s0 =	rddreg [dreg:$0x0];
	s2 =	stileid.u32  }
0x1db: {  	s1 =	rddreg [dreg:$0x1];
	p0 =	sne.s32 s2, $0x0  }
0x1dc: {  	s3 =	rddreg [dreg:$0x2];
	[bflag:$0x3] =	sbarrier.arrive $0xFFFF;
	s2 =	simm.s32 @!p0 $0x1C0E  }
0x1dd: {  	[timem:s3], [sflag:s2] =	dma.local @!p0 [hbm:s0], s1  }
0x1de: {  	s0 =	simm.s32 @!p0 $0xE  }
0x1df: {  	_ =	swait.ge @!p0 [sflag:s0], s1  }
0x1e0: {  	s1 =	ssub.s32 @!p0 $0x0, s1;
	[sflag:s0] =	ssyncset.done @!p0 $0x0  }
0x1e1: {  	[sflag:s0] =	ssyncadd.s32 @!p0 s1  }
0x1e2: {  	[bflag:$0x3] =	sbarrier.arrive $0xFFFF  }
0x1e3: {  	_ =	shalt  }

</sc_bundles>
